<compile_context>
chip_gen: v7x
topology: tpu7x:2x2x1
jax: 0.10.2.dev20260603
libtpu: 0.0.44.dev20260713+nightly
codegen_flags: <defaults>
</compile_context>

<pallas_src>
import functools

import jax
import jax.numpy as jnp
from jax import lax
from jax.experimental import pallas as pl
from jax.experimental.pallas import tpu as pltpu
from jax.experimental.pallas import tpu_sc as plsc

NUM_CLASSES = 100000
FEAT = 128
BATCH = 16384
NC = 2
NS = 16
L = 16
NW = NC * NS
ROWS_PER_W = BATCH // NW
CHUNK = 64
NCHUNK = ROWS_PER_W // CHUNK
NSLOT = 3
CGROUPS = FEAT // L

_mesh = plsc.VectorSubcoreMesh(core_axis_name="c", subcore_axis_name="s")


@functools.partial(
    pl.kernel,
    mesh=_mesh,
    out_type=jax.ShapeDtypeStruct((NW, L), jnp.float32),
    scratch_types=[
        pltpu.VMEM((ROWS_PER_W,), jnp.int32),
        pltpu.VMEM((NSLOT, CHUNK, FEAT), jnp.float32),
        pltpu.VMEM((NSLOT, CHUNK, FEAT), jnp.float32),
        pltpu.VMEM((L,), jnp.float32),
        pltpu.SemaphoreType.DMA,
        pltpu.SemaphoreType.DMA,
        pltpu.SemaphoreType.DMA,
        pltpu.SemaphoreType.DMA,
        pltpu.SemaphoreType.DMA,
        pltpu.SemaphoreType.DMA,
    ],
)
def _center_loss_sc(feat_hbm, lab_hbm, cent_hbm, out_hbm,
                    idx_v, fbuf, cbuf, acc_v,
                    fsem0, fsem1, fsem2, gsem0, gsem1, gsem2):
    wid = lax.axis_index("s") * NC + lax.axis_index("c")
    base = wid * ROWS_PER_W

    fsems = (fsem0, fsem1, fsem2)
    gsems = (gsem0, gsem1, gsem2)

    def start_f(j, slot):
        return pltpu.async_copy(
            feat_hbm.at[pl.ds(base + j * CHUNK, CHUNK)], fbuf.at[slot],
            fsems[slot])

    def start_g(j, slot):
        return pltpu.async_copy(
            cent_hbm.at[idx_v.at[pl.ds(j * CHUNK, CHUNK)]], cbuf.at[slot],
            gsems[slot])

    def chunk_sum(slot, accs):
        f_ref = fbuf.at[slot]
        c_ref = cbuf.at[slot]

        def body(r, accs):
            out = list(accs)
            for k in range(CGROUPS):
                f = f_ref[r, pl.ds(k * L, L)]
                c = c_ref[r, pl.ds(k * L, L)]
                d = f - c
                out[k] = out[k] + d * d
            return tuple(out)
        return plsc.parallel_loop(0, CHUNK, 1, unroll=4, carry=accs)(body)

    fcp = [start_f(j, j) for j in range(NSLOT)]
    pltpu.sync_copy(lab_hbm.at[pl.ds(base, ROWS_PER_W)], idx_v)
    gcp = [start_g(j, j) for j in range(NSLOT)]

    accs = tuple(jnp.zeros((L,), jnp.float32) for _ in range(CGROUPS))
    for j in range(NCHUNK):
        slot = j % NSLOT
        fcp[slot].wait()
        gcp[slot].wait()
        accs = chunk_sum(slot, accs)
        if j + NSLOT < NCHUNK:
            fcp[slot] = start_f(j + NSLOT, slot)
            gcp[slot] = start_g(j + NSLOT, slot)

    total = accs[0]
    for k in range(1, CGROUPS):
        total = total + accs[k]
    acc_v[...] = total
    pltpu.sync_copy(acc_v, out_hbm.at[wid])


def kernel(features, labels, centers):
    partials = _center_loss_sc(features, labels.astype(jnp.int32), centers)
    return jnp.sum(partials) * 0.5

# --- scband reference (transcript-rebuilt; emitter-appended) ---
"""Pipeline reference for scband-center-loss-15951508537914 (READ-ONLY COPY).

The authoritative reference and input builder live on the scoring server;
editing this copy changes nothing except your own understanding.
"""

import jax, jax.numpy as jnp
import numpy as np

NUM_CLASSES = 100000
FEAT_DIM = 128
BATCH = 16384
LAMBDA_C = 1.0


def setup_inputs(seed: int = 0) -> dict:
    key = jax.random.key(seed)
    k1, k2, k3 = jax.random.split(key, 3)
    features = jax.random.normal(k1, (BATCH, FEAT_DIM), dtype=jnp.float32)
    labels = jax.random.randint(k2, (BATCH,), 0, NUM_CLASSES, dtype=jnp.int64)
    centers = jax.random.normal(k3, (NUM_CLASSES, FEAT_DIM), dtype=jnp.float32)
    return {"features": features, "labels": labels, "centers": centers}


def reference(features, labels, centers):
    # labels assumed 1-D (int labels); 2-D one-hot case would argmax, not needed here
    batch_centers = jnp.take(centers, labels, axis=0)  # gather: [B, feat_dim]
    loss = jnp.sum((features - batch_centers) ** 2) / 2.0
    return LAMBDA_C * loss

if __name__ == "__main__":
    import jax
    _d = setup_inputs()
    print(jax.jit(kernel)(*tuple(_d.values())))

</pallas_src>

<mosaic_0001>
#map = affine_map<(d0, d1) -> (0, 0)>
#map1 = affine_map<(d0, d1) -> (0)>
module attributes {stable_mosaic.version = 14 : i64} {
  func.func @_center_loss_sc(%arg0: i32, %arg1: i32, %arg2: memref<16384x128xf32, #tpu.memory_space<hbm>>, %arg3: memref<16384xi32, #tpu.memory_space<hbm>>, %arg4: memref<100000x128xf32, #tpu.memory_space<hbm>>, %arg5: memref<32x16xf32, #tpu.memory_space<hbm>>, %arg6: memref<512xi32, #tpu.memory_space<vmem>>, %arg7: memref<3x64x128xf32, #tpu.memory_space<vmem>>, %arg8: memref<3x64x128xf32, #tpu.memory_space<vmem>>, %arg9: memref<16xf32, #tpu.memory_space<vmem>>, %arg10: memref<!tpu.dma_semaphore, #tpu.memory_space<semaphore_mem>>, %arg11: memref<!tpu.dma_semaphore, #tpu.memory_space<semaphore_mem>>, %arg12: memref<!tpu.dma_semaphore, #tpu.memory_space<semaphore_mem>>, %arg13: memref<!tpu.dma_semaphore, #tpu.memory_space<semaphore_mem>>, %arg14: memref<!tpu.dma_semaphore, #tpu.memory_space<semaphore_mem>>, %arg15: memref<!tpu.dma_semaphore, #tpu.memory_space<semaphore_mem>>) attributes {dimension_semantics = [#tpu.dimension_semantics<core_parallel>, #tpu.dimension_semantics<subcore_parallel>], iteration_bounds = array<i64: 2, 16>, scalar_prefetch = 0 : i64, scratch_operands = 10 : i64, tpu.core_type = #tpu.core_type<sc_vector_subcore>, window_params = [{transform_indices = #map}, {transform_indices = #map1}, {transform_indices = #map}, {transform_indices = #map}]} {
    %mul3A = arith.constant 2 : i32
    %mul3A_0 = arith.muli %arg1, %mul3A : i32
    %add3A = arith.addi %mul3A_0, %arg0 : i32
    %mul3A_1 = arith.constant 512 : i32
    %mul3A_2 = arith.muli %add3A, %mul3A_1 : i32
    %add3A_3 = arith.constant 0 : i32
    %add3A_4 = arith.addi %mul3A_2, %add3A_3 : i32
    %dma_start3A = arith.constant 0 : i32
    %dma_start3A_5 = arith.constant 0 : i32
    %dma_start3A_6 = arith.constant 0 : i32
    %dma_start3A_7 = tpu.memref_slice %arg7[%dma_start3A, %dma_start3A_5, %dma_start3A_6] : memref<3x64x128xf32, #tpu.memory_space<vmem>> -> memref<1x64x128xf32, #tpu.memory_space<vmem>>
    %dma_start3A_8 = tpu.memref_squeeze %dma_start3A_7 : memref<1x64x128xf32, #tpu.memory_space<vmem>> -> memref<64x128xf32, #tpu.memory_space<vmem>>
    %dma_start3A_9 = arith.constant 0 : i32
    %dma_start3A_10 = tpu.memref_slice %arg2[%add3A_4, %dma_start3A_9] : memref<16384x128xf32, #tpu.memory_space<hbm>> -> memref<64x128xf32, #tpu.memory_space<hbm>>
    %dma_start3A_11 = arith.constant 0 : i32
    %dma_start3A_12 = arith.constant 0 : i32
    %dma_start3A_13 = tpu.memref_slice %arg7[%dma_start3A, %dma_start3A_11, %dma_start3A_12] : memref<3x64x128xf32, #tpu.memory_space<vmem>> -> memref<1x64x128xf32, #tpu.memory_space<vmem>>
    %dma_start3A_14 = tpu.memref_squeeze %dma_start3A_13 : memref<1x64x128xf32, #tpu.memory_space<vmem>> -> memref<64x128xf32, #tpu.memory_space<vmem>>
    %dma_start3A_15 = arith.constant 0 : i32
    %dma_start3A_16 = tpu.memref_slice %arg2[%add3A_4, %dma_start3A_15] : memref<16384x128xf32, #tpu.memory_space<hbm>> -> memref<64x128xf32, #tpu.memory_space<hbm>>
    tpu.enqueue_dma source(%dma_start3A_16 : memref<64x128xf32, #tpu.memory_space<hbm>>) target(%dma_start3A_14 : memref<64x128xf32, #tpu.memory_space<vmem>>) target_semaphore(%arg10 : memref<!tpu.dma_semaphore, #tpu.memory_space<semaphore_mem>>)
    %add3A_17 = arith.constant 64 : i32
    %add3A_18 = arith.addi %mul3A_2, %add3A_17 : i32
    %dma_start3A_19 = arith.constant 1 : i32
    %dma_start3A_20 = arith.constant 0 : i32
    %dma_start3A_21 = arith.constant 0 : i32
    %dma_start3A_22 = tpu.memref_slice %arg7[%dma_start3A_19, %dma_start3A_20, %dma_start3A_21] : memref<3x64x128xf32, #tpu.memory_space<vmem>> -> memref<1x64x128xf32, #tpu.memory_space<vmem>>
    %dma_start3A_23 = tpu.memref_squeeze %dma_start3A_22 : memref<1x64x128xf32, #tpu.memory_space<vmem>> -> memref<64x128xf32, #tpu.memory_space<vmem>>
    %dma_start3A_24 = arith.constant 0 : i32
    %dma_start3A_25 = tpu.memref_slice %arg2[%add3A_18, %dma_start3A_24] : memref<16384x128xf32, #tpu.memory_space<hbm>> -> memref<64x128xf32, #tpu.memory_space<hbm>>
    %dma_start3A_26 = arith.constant 0 : i32
    %dma_start3A_27 = arith.constant 0 : i32
    %dma_start3A_28 = tpu.memref_slice %arg7[%dma_start3A_19, %dma_start3A_26, %dma_start3A_27] : memref<3x64x128xf32, #tpu.memory_space<vmem>> -> memref<1x64x128xf32, #tpu.memory_space<vmem>>
    %dma_start3A_29 = tpu.memref_squeeze %dma_start3A_28 : memref<1x64x128xf32, #tpu.memory_space<vmem>> -> memref<64x128xf32, #tpu.memory_space<vmem>>
    %dma_start3A_30 = arith.constant 0 : i32
    %dma_start3A_31 = tpu.memref_slice %arg2[%add3A_18, %dma_start3A_30] : memref<16384x128xf32, #tpu.memory_space<hbm>> -> memref<64x128xf32, #tpu.memory_space<hbm>>
    tpu.enqueue_dma source(%dma_start3A_31 : memref<64x128xf32, #tpu.memory_space<hbm>>) target(%dma_start3A_29 : memref<64x128xf32, #tpu.memory_space<vmem>>) target_semaphore(%arg11 : memref<!tpu.dma_semaphore, #tpu.memory_space<semaphore_mem>>)
    %add3A_32 = arith.constant 128 : i32
    %add3A_33 = arith.addi %mul3A_2, %add3A_32 : i32
    %dma_start3A_34 = arith.constant 2 : i32
    %dma_start3A_35 = arith.constant 0 : i32
    %dma_start3A_36 = arith.constant 0 : i32
    %dma_start3A_37 = tpu.memref_slice %arg7[%dma_start3A_34, %dma_start3A_35, %dma_start3A_36] : memref<3x64x128xf32, #tpu.memory_space<vmem>> -> memref<1x64x128xf32, #tpu.memory_space<vmem>>
    %dma_start3A_38 = tpu.memref_squeeze %dma_start3A_37 : memref<1x64x128xf32, #tpu.memory_space<vmem>> -> memref<64x128xf32, #tpu.memory_space<vmem>>
    %dma_start3A_39 = arith.constant 0 : i32
    %dma_start3A_40 = tpu.memref_slice %arg2[%add3A_33, %dma_start3A_39] : memref<16384x128xf32, #tpu.memory_space<hbm>> -> memref<64x128xf32, #tpu.memory_space<hbm>>
    %dma_start3A_41 = arith.constant 0 : i32
    %dma_start3A_42 = arith.constant 0 : i32
    %dma_start3A_43 = tpu.memref_slice %arg7[%dma_start3A_34, %dma_start3A_41, %dma_start3A_42] : memref<3x64x128xf32, #tpu.memory_space<vmem>> -> memref<1x64x128xf32, #tpu.memory_space<vmem>>
    %dma_start3A_44 = tpu.memref_squeeze %dma_start3A_43 : memref<1x64x128xf32, #tpu.memory_space<vmem>> -> memref<64x128xf32, #tpu.memory_space<vmem>>
    %dma_start3A_45 = arith.constant 0 : i32
    %dma_start3A_46 = tpu.memref_slice %arg2[%add3A_33, %dma_start3A_45] : memref<16384x128xf32, #tpu.memory_space<hbm>> -> memref<64x128xf32, #tpu.memory_space<hbm>>
    tpu.enqueue_dma source(%dma_start3A_46 : memref<64x128xf32, #tpu.memory_space<hbm>>) target(%dma_start3A_44 : memref<64x128xf32, #tpu.memory_space<vmem>>) target_semaphore(%arg12 : memref<!tpu.dma_semaphore, #tpu.memory_space<semaphore_mem>>)
    "tpu.region"() ({
      %run_scoped3A = tpu.sem_alloc : memref<!tpu.dma_semaphore, #tpu.memory_space<semaphore_mem>>
      %dma_start3A_457 = tpu.memref_slice %arg3[%mul3A_2] : memref<16384xi32, #tpu.memory_space<hbm>> -> memref<512xi32, #tpu.memory_space<hbm>>
      %dma_start3A_458 = tpu.memref_slice %arg3[%mul3A_2] : memref<16384xi32, #tpu.memory_space<hbm>> -> memref<512xi32, #tpu.memory_space<hbm>>
      tpu.enqueue_dma source(%dma_start3A_458 : memref<512xi32, #tpu.memory_space<hbm>>) target(%arg6 : memref<512xi32, #tpu.memory_space<vmem>>) target_semaphore(%run_scoped3A : memref<!tpu.dma_semaphore, #tpu.memory_space<semaphore_mem>>)
      %dma_wait3A_459 = tpu.memref_slice %arg3[%mul3A_2] : memref<16384xi32, #tpu.memory_space<hbm>> -> memref<512xi32, #tpu.memory_space<hbm>>
      %dma_wait3A_460 = tpu.memref_slice %arg3[%mul3A_2] : memref<16384xi32, #tpu.memory_space<hbm>> -> memref<512xi32, #tpu.memory_space<hbm>>
      tpu.wait_dma2 semaphore(%run_scoped3A : memref<!tpu.dma_semaphore, #tpu.memory_space<semaphore_mem>>) src(%dma_wait3A_460 : memref<512xi32, #tpu.memory_space<hbm>>) dst(%arg6 : memref<512xi32, #tpu.memory_space<vmem>>)
      tpu.yield
    }) : () -> ()
    %dma_start3A_47 = arith.constant 0 : i32
    %dma_start3A_48 = arith.constant 0 : i32
    %dma_start3A_49 = arith.constant 0 : i32
    %dma_start3A_50 = tpu.memref_slice %arg8[%dma_start3A_47, %dma_start3A_48, %dma_start3A_49] : memref<3x64x128xf32, #tpu.memory_space<vmem>> -> memref<1x64x128xf32, #tpu.memory_space<vmem>>
    %dma_start3A_51 = tpu.memref_squeeze %dma_start3A_50 : memref<1x64x128xf32, #tpu.memory_space<vmem>> -> memref<64x128xf32, #tpu.memory_space<vmem>>
    %dma_start3A_52 = arith.constant 0 : i32
    %dma_start3A_53 = tpu.memref_slice %arg6[%dma_start3A_52] : memref<512xi32, #tpu.memory_space<vmem>> -> memref<64xi32, #tpu.memory_space<vmem>>
    %dma_start3A_54 = arith.constant 0 : i32
    %dma_start3A_55 = arith.constant 0 : i32
    %dma_start3A_56 = tpu.memref_slice %arg4[%dma_start3A_54, %dma_start3A_55] : memref<100000x128xf32, #tpu.memory_space<hbm>> -> memref<100000x128xf32, #tpu.memory_space<hbm>>
    tpu.enqueue_indirect_dma source(%dma_start3A_56 : memref<100000x128xf32, #tpu.memory_space<hbm>>) target(%dma_start3A_51 : memref<64x128xf32, #tpu.memory_space<vmem>>) offsets(%dma_start3A_53 : memref<64xi32, #tpu.memory_space<vmem>>) semaphore(%arg13 : memref<!tpu.dma_semaphore, #tpu.memory_space<semaphore_mem>>)
    %dma_start3A_57 = arith.constant 1 : i32
    %dma_start3A_58 = arith.constant 0 : i32
    %dma_start3A_59 = arith.constant 0 : i32
    %dma_start3A_60 = tpu.memref_slice %arg8[%dma_start3A_57, %dma_start3A_58, %dma_start3A_59] : memref<3x64x128xf32, #tpu.memory_space<vmem>> -> memref<1x64x128xf32, #tpu.memory_space<vmem>>
    %dma_start3A_61 = tpu.memref_squeeze %dma_start3A_60 : memref<1x64x128xf32, #tpu.memory_space<vmem>> -> memref<64x128xf32, #tpu.memory_space<vmem>>
    %dma_start3A_62 = arith.constant 64 : i32
    %dma_start3A_63 = tpu.memref_slice %arg6[%dma_start3A_62] : memref<512xi32, #tpu.memory_space<vmem>> -> memref<64xi32, #tpu.memory_space<vmem>>
    %dma_start3A_64 = arith.constant 0 : i32
    %dma_start3A_65 = arith.constant 0 : i32
    %dma_start3A_66 = tpu.memref_slice %arg4[%dma_start3A_64, %dma_start3A_65] : memref<100000x128xf32, #tpu.memory_space<hbm>> -> memref<100000x128xf32, #tpu.memory_space<hbm>>
    tpu.enqueue_indirect_dma source(%dma_start3A_66 : memref<100000x128xf32, #tpu.memory_space<hbm>>) target(%dma_start3A_61 : memref<64x128xf32, #tpu.memory_space<vmem>>) offsets(%dma_start3A_63 : memref<64xi32, #tpu.memory_space<vmem>>) semaphore(%arg14 : memref<!tpu.dma_semaphore, #tpu.memory_space<semaphore_mem>>)
    %dma_start3A_67 = arith.constant 2 : i32
    %dma_start3A_68 = arith.constant 0 : i32
    %dma_start3A_69 = arith.constant 0 : i32
    %dma_start3A_70 = tpu.memref_slice %arg8[%dma_start3A_67, %dma_start3A_68, %dma_start3A_69] : memref<3x64x128xf32, #tpu.memory_space<vmem>> -> memref<1x64x128xf32, #tpu.memory_space<vmem>>
    %dma_start3A_71 = tpu.memref_squeeze %dma_start3A_70 : memref<1x64x128xf32, #tpu.memory_space<vmem>> -> memref<64x128xf32, #tpu.memory_space<vmem>>
    %dma_start3A_72 = arith.constant 128 : i32
    %dma_start3A_73 = tpu.memref_slice %arg6[%dma_start3A_72] : memref<512xi32, #tpu.memory_space<vmem>> -> memref<64xi32, #tpu.memory_space<vmem>>
    %dma_start3A_74 = arith.constant 0 : i32
    %dma_start3A_75 = arith.constant 0 : i32
    %dma_start3A_76 = tpu.memref_slice %arg4[%dma_start3A_74, %dma_start3A_75] : memref<100000x128xf32, #tpu.memory_space<hbm>> -> memref<100000x128xf32, #tpu.memory_space<hbm>>
    tpu.enqueue_indirect_dma source(%dma_start3A_76 : memref<100000x128xf32, #tpu.memory_space<hbm>>) target(%dma_start3A_71 : memref<64x128xf32, #tpu.memory_space<vmem>>) offsets(%dma_start3A_73 : memref<64xi32, #tpu.memory_space<vmem>>) semaphore(%arg15 : memref<!tpu.dma_semaphore, #tpu.memory_space<semaphore_mem>>)
    %broadcast_in_dim3A = arith.constant 0.000000e+00 : f32
    %broadcast_in_dim3A_77 = vector.broadcast %broadcast_in_dim3A : f32 to vector<16xf32>
    %broadcast_in_dim3A_78 = arith.constant 0.000000e+00 : f32
    %broadcast_in_dim3A_79 = vector.broadcast %broadcast_in_dim3A_78 : f32 to vector<16xf32>
    %broadcast_in_dim3A_80 = arith.constant 0.000000e+00 : f32
    %broadcast_in_dim3A_81 = vector.broadcast %broadcast_in_dim3A_80 : f32 to vector<16xf32>
    %broadcast_in_dim3A_82 = arith.constant 0.000000e+00 : f32
    %broadcast_in_dim3A_83 = vector.broadcast %broadcast_in_dim3A_82 : f32 to vector<16xf32>
    %broadcast_in_dim3A_84 = arith.constant 0.000000e+00 : f32
    %broadcast_in_dim3A_85 = vector.broadcast %broadcast_in_dim3A_84 : f32 to vector<16xf32>
    %broadcast_in_dim3A_86 = arith.constant 0.000000e+00 : f32
    %broadcast_in_dim3A_87 = vector.broadcast %broadcast_in_dim3A_86 : f32 to vector<16xf32>
    %broadcast_in_dim3A_88 = arith.constant 0.000000e+00 : f32
    %broadcast_in_dim3A_89 = vector.broadcast %broadcast_in_dim3A_88 : f32 to vector<16xf32>
    %broadcast_in_dim3A_90 = arith.constant 0.000000e+00 : f32
    %broadcast_in_dim3A_91 = vector.broadcast %broadcast_in_dim3A_90 : f32 to vector<16xf32>
    %dma_wait3A = arith.constant 0 : i32
    %dma_wait3A_92 = arith.constant 0 : i32
    %dma_wait3A_93 = arith.constant 0 : i32
    %dma_wait3A_94 = tpu.memref_slice %arg7[%dma_wait3A, %dma_wait3A_92, %dma_wait3A_93] : memref<3x64x128xf32, #tpu.memory_space<vmem>> -> memref<1x64x128xf32, #tpu.memory_space<vmem>>
    %dma_wait3A_95 = tpu.memref_squeeze %dma_wait3A_94 : memref<1x64x128xf32, #tpu.memory_space<vmem>> -> memref<64x128xf32, #tpu.memory_space<vmem>>
    %dma_wait3A_96 = arith.constant 0 : i32
    %dma_wait3A_97 = tpu.memref_slice %arg2[%add3A_4, %dma_wait3A_96] : memref<16384x128xf32, #tpu.memory_space<hbm>> -> memref<64x128xf32, #tpu.memory_space<hbm>>
    %dma_wait3A_98 = arith.constant 0 : i32
    %dma_wait3A_99 = arith.constant 0 : i32
    %dma_wait3A_100 = tpu.memref_slice %arg7[%dma_wait3A, %dma_wait3A_98, %dma_wait3A_99] : memref<3x64x128xf32, #tpu.memory_space<vmem>> -> memref<1x64x128xf32, #tpu.memory_space<vmem>>
    %dma_wait3A_101 = tpu.memref_squeeze %dma_wait3A_100 : memref<1x64x128xf32, #tpu.memory_space<vmem>> -> memref<64x128xf32, #tpu.memory_space<vmem>>
    %dma_wait3A_102 = arith.constant 0 : i32
    %dma_wait3A_103 = tpu.memref_slice %arg2[%add3A_4, %dma_wait3A_102] : memref<16384x128xf32, #tpu.memory_space<hbm>> -> memref<64x128xf32, #tpu.memory_space<hbm>>
    tpu.wait_dma2 semaphore(%arg10 : memref<!tpu.dma_semaphore, #tpu.memory_space<semaphore_mem>>) src(%dma_wait3A_103 : memref<64x128xf32, #tpu.memory_space<hbm>>) dst(%dma_wait3A_101 : memref<64x128xf32, #tpu.memory_space<vmem>>)
    %dma_wait3A_104 = arith.constant 0 : i32
    %dma_wait3A_105 = arith.constant 0 : i32
    %dma_wait3A_106 = arith.constant 0 : i32
    %dma_wait3A_107 = tpu.memref_slice %arg8[%dma_wait3A_104, %dma_wait3A_105, %dma_wait3A_106] : memref<3x64x128xf32, #tpu.memory_space<vmem>> -> memref<1x64x128xf32, #tpu.memory_space<vmem>>
    %dma_wait3A_108 = tpu.memref_squeeze %dma_wait3A_107 : memref<1x64x128xf32, #tpu.memory_space<vmem>> -> memref<64x128xf32, #tpu.memory_space<vmem>>
    %dma_wait3A_109 = arith.constant 0 : i32
    %dma_wait3A_110 = tpu.memref_slice %arg6[%dma_wait3A_109] : memref<512xi32, #tpu.memory_space<vmem>> -> memref<64xi32, #tpu.memory_space<vmem>>
    %dma_wait3A_111 = arith.constant 0 : i32
    %dma_wait3A_112 = arith.constant 0 : i32
    %dma_wait3A_113 = tpu.memref_slice %arg4[%dma_wait3A_111, %dma_wait3A_112] : memref<100000x128xf32, #tpu.memory_space<hbm>> -> memref<100000x128xf32, #tpu.memory_space<hbm>>
    tpu.wait_indirect_dma semaphore(%arg13 : memref<!tpu.dma_semaphore, #tpu.memory_space<semaphore_mem>>) src(%dma_wait3A_113 : memref<100000x128xf32, #tpu.memory_space<hbm>>) dst(%dma_wait3A_108 : memref<64x128xf32, #tpu.memory_space<vmem>>)
    %parallel_loop3A = arith.constant 0 : i32
    %parallel_loop3A_114 = arith.constant 64 : i32
    %parallel_loop3A_115 = arith.constant 1 : i32
    %parallel_loop3A_116 = arith.constant 0 : i32
    %parallel_loop3A_117 = arith.constant 0 : i32
    %parallel_loop3A_118:8 = scf.for %parallel_loop3A_457 = %parallel_loop3A to %parallel_loop3A_114 step %parallel_loop3A_115 iter_args(%parallel_loop3A_458 = %broadcast_in_dim3A_77, %parallel_loop3A_459 = %broadcast_in_dim3A_79, %parallel_loop3A_460 = %broadcast_in_dim3A_81, %parallel_loop3A_461 = %broadcast_in_dim3A_83, %parallel_loop3A_462 = %broadcast_in_dim3A_85, %parallel_loop3A_463 = %broadcast_in_dim3A_87, %parallel_loop3A_464 = %broadcast_in_dim3A_89, %parallel_loop3A_465 = %broadcast_in_dim3A_91) -> (vector<16xf32>, vector<16xf32>, vector<16xf32>, vector<16xf32>, vector<16xf32>, vector<16xf32>, vector<16xf32>, vector<16xf32>)  : i32 {
      %parallel_loop3A_466 = arith.constant 0 : i32
      %parallel_loop3A_467 = arith.constant 0 : i32
      %parallel_loop3A_468 = tpu.memref_slice %arg7[%parallel_loop3A_116, %parallel_loop3A_466, %parallel_loop3A_467] : memref<3x64x128xf32, #tpu.memory_space<vmem>> -> memref<1x64x128xf32, #tpu.memory_space<vmem>>
      %parallel_loop3A_469 = tpu.memref_squeeze %parallel_loop3A_468 : memref<1x64x128xf32, #tpu.memory_space<vmem>> -> memref<64x128xf32, #tpu.memory_space<vmem>>
      %parallel_loop3A_470 = arith.index_cast %parallel_loop3A_457 : i32 to index
      %parallel_loop3A_471 = arith.constant 0 : index
      %parallel_loop3A_472 = tpu.vector_load %parallel_loop3A_469[%parallel_loop3A_470, %parallel_loop3A_471] {strides = array<i32>} : memref<64x128xf32, #tpu.memory_space<vmem>>, vector<1x16xf32>,
      %parallel_loop3A_473 = vector.shape_cast %parallel_loop3A_472 : vector<1x16xf32> to vector<16xf32>
      %parallel_loop3A_474 = arith.constant 0 : i32
      %parallel_loop3A_475 = arith.constant 0 : i32
      %parallel_loop3A_476 = tpu.memref_slice %arg8[%parallel_loop3A_117, %parallel_loop3A_474, %parallel_loop3A_475] : memref<3x64x128xf32, #tpu.memory_space<vmem>> -> memref<1x64x128xf32, #tpu.memory_space<vmem>>
      %parallel_loop3A_477 = tpu.memref_squeeze %parallel_loop3A_476 : memref<1x64x128xf32, #tpu.memory_space<vmem>> -> memref<64x128xf32, #tpu.memory_space<vmem>>
      %parallel_loop3A_478 = arith.index_cast %parallel_loop3A_457 : i32 to index
      %parallel_loop3A_479 = arith.constant 0 : index
      %parallel_loop3A_480 = tpu.vector_load %parallel_loop3A_477[%parallel_loop3A_478, %parallel_loop3A_479] {strides = array<i32>} : memref<64x128xf32, #tpu.memory_space<vmem>>, vector<1x16xf32>,
      %parallel_loop3A_481 = vector.shape_cast %parallel_loop3A_480 : vector<1x16xf32> to vector<16xf32>
      %parallel_loop3A_482 = arith.subf %parallel_loop3A_473, %parallel_loop3A_481 : vector<16xf32>
      %parallel_loop3A_483 = arith.mulf %parallel_loop3A_482, %parallel_loop3A_482 : vector<16xf32>
      %parallel_loop3A_484 = arith.addf %parallel_loop3A_458, %parallel_loop3A_483 : vector<16xf32>
      %parallel_loop3A_485 = arith.constant 0 : i32
      %parallel_loop3A_486 = arith.constant 0 : i32
      %parallel_loop3A_487 = tpu.memref_slice %arg7[%parallel_loop3A_116, %parallel_loop3A_485, %parallel_loop3A_486] : memref<3x64x128xf32, #tpu.memory_space<vmem>> -> memref<1x64x128xf32, #tpu.memory_space<vmem>>
      %parallel_loop3A_488 = tpu.memref_squeeze %parallel_loop3A_487 : memref<1x64x128xf32, #tpu.memory_space<vmem>> -> memref<64x128xf32, #tpu.memory_space<vmem>>
      %parallel_loop3A_489 = arith.index_cast %parallel_loop3A_457 : i32 to index
      %parallel_loop3A_490 = arith.constant 16 : index
      %parallel_loop3A_491 = tpu.vector_load %parallel_loop3A_488[%parallel_loop3A_489, %parallel_loop3A_490] {strides = array<i32>} : memref<64x128xf32, #tpu.memory_space<vmem>>, vector<1x16xf32>,
      %parallel_loop3A_492 = vector.shape_cast %parallel_loop3A_491 : vector<1x16xf32> to vector<16xf32>
      %parallel_loop3A_493 = arith.constant 0 : i32
      %parallel_loop3A_494 = arith.constant 0 : i32
      %parallel_loop3A_495 = tpu.memref_slice %arg8[%parallel_loop3A_117, %parallel_loop3A_493, %parallel_loop3A_494] : memref<3x64x128xf32, #tpu.memory_space<vmem>> -> memref<1x64x128xf32, #tpu.memory_space<vmem>>
      %parallel_loop3A_496 = tpu.memref_squeeze %parallel_loop3A_495 : memref<1x64x128xf32, #tpu.memory_space<vmem>> -> memref<64x128xf32, #tpu.memory_space<vmem>>
      %parallel_loop3A_497 = arith.index_cast %parallel_loop3A_457 : i32 to index
      %parallel_loop3A_498 = arith.constant 16 : index
      %parallel_loop3A_499 = tpu.vector_load %parallel_loop3A_496[%parallel_loop3A_497, %parallel_loop3A_498] {strides = array<i32>} : memref<64x128xf32, #tpu.memory_space<vmem>>, vector<1x16xf32>,
      %parallel_loop3A_500 = vector.shape_cast %parallel_loop3A_499 : vector<1x16xf32> to vector<16xf32>
      %parallel_loop3A_501 = arith.subf %parallel_loop3A_492, %parallel_loop3A_500 : vector<16xf32>
      %parallel_loop3A_502 = arith.mulf %parallel_loop3A_501, %parallel_loop3A_501 : vector<16xf32>
      %parallel_loop3A_503 = arith.addf %parallel_loop3A_459, %parallel_loop3A_502 : vector<16xf32>
      %parallel_loop3A_504 = arith.constant 0 : i32
      %parallel_loop3A_505 = arith.constant 0 : i32
      %parallel_loop3A_506 = tpu.memref_slice %arg7[%parallel_loop3A_116, %parallel_loop3A_504, %parallel_loop3A_505] : memref<3x64x128xf32, #tpu.memory_space<vmem>> -> memref<1x64x128xf32, #tpu.memory_space<vmem>>
      %parallel_loop3A_507 = tpu.memref_squeeze %parallel_loop3A_506 : memref<1x64x128xf32, #tpu.memory_space<vmem>> -> memref<64x128xf32, #tpu.memory_space<vmem>>
      %parallel_loop3A_508 = arith.index_cast %parallel_loop3A_457 : i32 to index
      %parallel_loop3A_509 = arith.constant 32 : index
      %parallel_loop3A_510 = tpu.vector_load %parallel_loop3A_507[%parallel_loop3A_508, %parallel_loop3A_509] {strides = array<i32>} : memref<64x128xf32, #tpu.memory_space<vmem>>, vector<1x16xf32>,
      %parallel_loop3A_511 = vector.shape_cast %parallel_loop3A_510 : vector<1x16xf32> to vector<16xf32>
      %parallel_loop3A_512 = arith.constant 0 : i32
      %parallel_loop3A_513 = arith.constant 0 : i32
      %parallel_loop3A_514 = tpu.memref_slice %arg8[%parallel_loop3A_117, %parallel_loop3A_512, %parallel_loop3A_513] : memref<3x64x128xf32, #tpu.memory_space<vmem>> -> memref<1x64x128xf32, #tpu.memory_space<vmem>>
      %parallel_loop3A_515 = tpu.memref_squeeze %parallel_loop3A_514 : memref<1x64x128xf32, #tpu.memory_space<vmem>> -> memref<64x128xf32, #tpu.memory_space<vmem>>
      %parallel_loop3A_516 = arith.index_cast %parallel_loop3A_457 : i32 to index
      %parallel_loop3A_517 = arith.constant 32 : index
      %parallel_loop3A_518 = tpu.vector_load %parallel_loop3A_515[%parallel_loop3A_516, %parallel_loop3A_517] {strides = array<i32>} : memref<64x128xf32, #tpu.memory_space<vmem>>, vector<1x16xf32>,
      %parallel_loop3A_519 = vector.shape_cast %parallel_loop3A_518 : vector<1x16xf32> to vector<16xf32>
      %parallel_loop3A_520 = arith.subf %parallel_loop3A_511, %parallel_loop3A_519 : vector<16xf32>
      %parallel_loop3A_521 = arith.mulf %parallel_loop3A_520, %parallel_loop3A_520 : vector<16xf32>
      %parallel_loop3A_522 = arith.addf %parallel_loop3A_460, %parallel_loop3A_521 : vector<16xf32>
      %parallel_loop3A_523 = arith.constant 0 : i32
      %parallel_loop3A_524 = arith.constant 0 : i32
      %parallel_loop3A_525 = tpu.memref_slice %arg7[%parallel_loop3A_116, %parallel_loop3A_523, %parallel_loop3A_524] : memref<3x64x128xf32, #tpu.memory_space<vmem>> -> memref<1x64x128xf32, #tpu.memory_space<vmem>>
      %parallel_loop3A_526 = tpu.memref_squeeze %parallel_loop3A_525 : memref<1x64x128xf32, #tpu.memory_space<vmem>> -> memref<64x128xf32, #tpu.memory_space<vmem>>
      %parallel_loop3A_527 = arith.index_cast %parallel_loop3A_457 : i32 to index
      %parallel_loop3A_528 = arith.constant 48 : index
      %parallel_loop3A_529 = tpu.vector_load %parallel_loop3A_526[%parallel_loop3A_527, %parallel_loop3A_528] {strides = array<i32>} : memref<64x128xf32, #tpu.memory_space<vmem>>, vector<1x16xf32>,
      %parallel_loop3A_530 = vector.shape_cast %parallel_loop3A_529 : vector<1x16xf32> to vector<16xf32>
      %parallel_loop3A_531 = arith.constant 0 : i32
      %parallel_loop3A_532 = arith.constant 0 : i32
      %parallel_loop3A_533 = tpu.memref_slice %arg8[%parallel_loop3A_117, %parallel_loop3A_531, %parallel_loop3A_532] : memref<3x64x128xf32, #tpu.memory_space<vmem>> -> memref<1x64x128xf32, #tpu.memory_space<vmem>>
      %parallel_loop3A_534 = tpu.memref_squeeze %parallel_loop3A_533 : memref<1x64x128xf32, #tpu.memory_space<vmem>> -> memref<64x128xf32, #tpu.memory_space<vmem>>
      %parallel_loop3A_535 = arith.index_cast %parallel_loop3A_457 : i32 to index
      %parallel_loop3A_536 = arith.constant 48 : index
      %parallel_loop3A_537 = tpu.vector_load %parallel_loop3A_534[%parallel_loop3A_535, %parallel_loop3A_536] {strides = array<i32>} : memref<64x128xf32, #tpu.memory_space<vmem>>, vector<1x16xf32>,
      %parallel_loop3A_538 = vector.shape_cast %parallel_loop3A_537 : vector<1x16xf32> to vector<16xf32>
      %parallel_loop3A_539 = arith.subf %parallel_loop3A_530, %parallel_loop3A_538 : vector<16xf32>
      %parallel_loop3A_540 = arith.mulf %parallel_loop3A_539, %parallel_loop3A_539 : vector<16xf32>
      %parallel_loop3A_541 = arith.addf %parallel_loop3A_461, %parallel_loop3A_540 : vector<16xf32>
      %parallel_loop3A_542 = arith.constant 0 : i32
      %parallel_loop3A_543 = arith.constant 0 : i32
      %parallel_loop3A_544 = tpu.memref_slice %arg7[%parallel_loop3A_116, %parallel_loop3A_542, %parallel_loop3A_543] : memref<3x64x128xf32, #tpu.memory_space<vmem>> -> memref<1x64x128xf32, #tpu.memory_space<vmem>>
      %parallel_loop3A_545 = tpu.memref_squeeze %parallel_loop3A_544 : memref<1x64x128xf32, #tpu.memory_space<vmem>> -> memref<64x128xf32, #tpu.memory_space<vmem>>
      %parallel_loop3A_546 = arith.index_cast %parallel_loop3A_457 : i32 to index
      %parallel_loop3A_547 = arith.constant 64 : index
      %parallel_loop3A_548 = tpu.vector_load %parallel_loop3A_545[%parallel_loop3A_546, %parallel_loop3A_547] {strides = array<i32>} : memref<64x128xf32, #tpu.memory_space<vmem>>, vector<1x16xf32>,
      %parallel_loop3A_549 = vector.shape_cast %parallel_loop3A_548 : vector<1x16xf32> to vector<16xf32>
      %parallel_loop3A_550 = arith.constant 0 : i32
      %parallel_loop3A_551 = arith.constant 0 : i32
      %parallel_loop3A_552 = tpu.memref_slice %arg8[%parallel_loop3A_117, %parallel_loop3A_550, %parallel_loop3A_551] : memref<3x64x128xf32, #tpu.memory_space<vmem>> -> memref<1x64x128xf32, #tpu.memory_space<vmem>>
      %parallel_loop3A_553 = tpu.memref_squeeze %parallel_loop3A_552 : memref<1x64x128xf32, #tpu.memory_space<vmem>> -> memref<64x128xf32, #tpu.memory_space<vmem>>
      %parallel_loop3A_554 = arith.index_cast %parallel_loop3A_457 : i32 to index
      %parallel_loop3A_555 = arith.constant 64 : index
      %parallel_loop3A_556 = tpu.vector_load %parallel_loop3A_553[%parallel_loop3A_554, %parallel_loop3A_555] {strides = array<i32>} : memref<64x128xf32, #tpu.memory_space<vmem>>, vector<1x16xf32>,
      %parallel_loop3A_557 = vector.shape_cast %parallel_loop3A_556 : vector<1x16xf32> to vector<16xf32>
      %parallel_loop3A_558 = arith.subf %parallel_loop3A_549, %parallel_loop3A_557 : vector<16xf32>
      %parallel_loop3A_559 = arith.mulf %parallel_loop3A_558, %parallel_loop3A_558 : vector<16xf32>
      %parallel_loop3A_560 = arith.addf %parallel_loop3A_462, %parallel_loop3A_559 : vector<16xf32>
      %parallel_loop3A_561 = arith.constant 0 : i32
      %parallel_loop3A_562 = arith.constant 0 : i32
      %parallel_loop3A_563 = tpu.memref_slice %arg7[%parallel_loop3A_116, %parallel_loop3A_561, %parallel_loop3A_562] : memref<3x64x128xf32, #tpu.memory_space<vmem>> -> memref<1x64x128xf32, #tpu.memory_space<vmem>>
      %parallel_loop3A_564 = tpu.memref_squeeze %parallel_loop3A_563 : memref<1x64x128xf32, #tpu.memory_space<vmem>> -> memref<64x128xf32, #tpu.memory_space<vmem>>
      %parallel_loop3A_565 = arith.index_cast %parallel_loop3A_457 : i32 to index
      %parallel_loop3A_566 = arith.constant 80 : index
      %parallel_loop3A_567 = tpu.vector_load %parallel_loop3A_564[%parallel_loop3A_565, %parallel_loop3A_566] {strides = array<i32>} : memref<64x128xf32, #tpu.memory_space<vmem>>, vector<1x16xf32>,
      %parallel_loop3A_568 = vector.shape_cast %parallel_loop3A_567 : vector<1x16xf32> to vector<16xf32>
      %parallel_loop3A_569 = arith.constant 0 : i32
      %parallel_loop3A_570 = arith.constant 0 : i32
      %parallel_loop3A_571 = tpu.memref_slice %arg8[%parallel_loop3A_117, %parallel_loop3A_569, %parallel_loop3A_570] : memref<3x64x128xf32, #tpu.memory_space<vmem>> -> memref<1x64x128xf32, #tpu.memory_space<vmem>>
      %parallel_loop3A_572 = tpu.memref_squeeze %parallel_loop3A_571 : memref<1x64x128xf32, #tpu.memory_space<vmem>> -> memref<64x128xf32, #tpu.memory_space<vmem>>
      %parallel_loop3A_573 = arith.index_cast %parallel_loop3A_457 : i32 to index
      %parallel_loop3A_574 = arith.constant 80 : index
      %parallel_loop3A_575 = tpu.vector_load %parallel_loop3A_572[%parallel_loop3A_573, %parallel_loop3A_574] {strides = array<i32>} : memref<64x128xf32, #tpu.memory_space<vmem>>, vector<1x16xf32>,
      %parallel_loop3A_576 = vector.shape_cast %parallel_loop3A_575 : vector<1x16xf32> to vector<16xf32>
      %parallel_loop3A_577 = arith.subf %parallel_loop3A_568, %parallel_loop3A_576 : vector<16xf32>
      %parallel_loop3A_578 = arith.mulf %parallel_loop3A_577, %parallel_loop3A_577 : vector<16xf32>
      %parallel_loop3A_579 = arith.addf %parallel_loop3A_463, %parallel_loop3A_578 : vector<16xf32>
      %parallel_loop3A_580 = arith.constant 0 : i32
      %parallel_loop3A_581 = arith.constant 0 : i32
      %parallel_loop3A_582 = tpu.memref_slice %arg7[%parallel_loop3A_116, %parallel_loop3A_580, %parallel_loop3A_581] : memref<3x64x128xf32, #tpu.memory_space<vmem>> -> memref<1x64x128xf32, #tpu.memory_space<vmem>>
      %parallel_loop3A_583 = tpu.memref_squeeze %parallel_loop3A_582 : memref<1x64x128xf32, #tpu.memory_space<vmem>> -> memref<64x128xf32, #tpu.memory_space<vmem>>
      %parallel_loop3A_584 = arith.index_cast %parallel_loop3A_457 : i32 to index
      %parallel_loop3A_585 = arith.constant 96 : index
      %parallel_loop3A_586 = tpu.vector_load %parallel_loop3A_583[%parallel_loop3A_584, %parallel_loop3A_585] {strides = array<i32>} : memref<64x128xf32, #tpu.memory_space<vmem>>, vector<1x16xf32>,
      %parallel_loop3A_587 = vector.shape_cast %parallel_loop3A_586 : vector<1x16xf32> to vector<16xf32>
      %parallel_loop3A_588 = arith.constant 0 : i32
      %parallel_loop3A_589 = arith.constant 0 : i32
      %parallel_loop3A_590 = tpu.memref_slice %arg8[%parallel_loop3A_117, %parallel_loop3A_588, %parallel_loop3A_589] : memref<3x64x128xf32, #tpu.memory_space<vmem>> -> memref<1x64x128xf32, #tpu.memory_space<vmem>>
      %parallel_loop3A_591 = tpu.memref_squeeze %parallel_loop3A_590 : memref<1x64x128xf32, #tpu.memory_space<vmem>> -> memref<64x128xf32, #tpu.memory_space<vmem>>
      %parallel_loop3A_592 = arith.index_cast %parallel_loop3A_457 : i32 to index
      %parallel_loop3A_593 = arith.constant 96 : index
      %parallel_loop3A_594 = tpu.vector_load %parallel_loop3A_591[%parallel_loop3A_592, %parallel_loop3A_593] {strides = array<i32>} : memref<64x128xf32, #tpu.memory_space<vmem>>, vector<1x16xf32>,
      %parallel_loop3A_595 = vector.shape_cast %parallel_loop3A_594 : vector<1x16xf32> to vector<16xf32>
      %parallel_loop3A_596 = arith.subf %parallel_loop3A_587, %parallel_loop3A_595 : vector<16xf32>
      %parallel_loop3A_597 = arith.mulf %parallel_loop3A_596, %parallel_loop3A_596 : vector<16xf32>
      %parallel_loop3A_598 = arith.addf %parallel_loop3A_464, %parallel_loop3A_597 : vector<16xf32>
      %parallel_loop3A_599 = arith.constant 0 : i32
      %parallel_loop3A_600 = arith.constant 0 : i32
      %parallel_loop3A_601 = tpu.memref_slice %arg7[%parallel_loop3A_116, %parallel_loop3A_599, %parallel_loop3A_600] : memref<3x64x128xf32, #tpu.memory_space<vmem>> -> memref<1x64x128xf32, #tpu.memory_space<vmem>>
      %parallel_loop3A_602 = tpu.memref_squeeze %parallel_loop3A_601 : memref<1x64x128xf32, #tpu.memory_space<vmem>> -> memref<64x128xf32, #tpu.memory_space<vmem>>
      %parallel_loop3A_603 = arith.index_cast %parallel_loop3A_457 : i32 to index
      %parallel_loop3A_604 = arith.constant 112 : index
      %parallel_loop3A_605 = tpu.vector_load %parallel_loop3A_602[%parallel_loop3A_603, %parallel_loop3A_604] {strides = array<i32>} : memref<64x128xf32, #tpu.memory_space<vmem>>, vector<1x16xf32>,
      %parallel_loop3A_606 = vector.shape_cast %parallel_loop3A_605 : vector<1x16xf32> to vector<16xf32>
      %parallel_loop3A_607 = arith.constant 0 : i32
      %parallel_loop3A_608 = arith.constant 0 : i32
      %parallel_loop3A_609 = tpu.memref_slice %arg8[%parallel_loop3A_117, %parallel_loop3A_607, %parallel_loop3A_608] : memref<3x64x128xf32, #tpu.memory_space<vmem>> -> memref<1x64x128xf32, #tpu.memory_space<vmem>>
      %parallel_loop3A_610 = tpu.memref_squeeze %parallel_loop3A_609 : memref<1x64x128xf32, #tpu.memory_space<vmem>> -> memref<64x128xf32, #tpu.memory_space<vmem>>
      %parallel_loop3A_611 = arith.index_cast %parallel_loop3A_457 : i32 to index
      %parallel_loop3A_612 = arith.constant 112 : index
      %parallel_loop3A_613 = tpu.vector_load %parallel_loop3A_610[%parallel_loop3A_611, %parallel_loop3A_612] {strides = array<i32>} : memref<64x128xf32, #tpu.memory_space<vmem>>, vector<1x16xf32>,
      %parallel_loop3A_614 = vector.shape_cast %parallel_loop3A_613 : vector<1x16xf32> to vector<16xf32>
      %parallel_loop3A_615 = arith.subf %parallel_loop3A_606, %parallel_loop3A_614 : vector<16xf32>
      %parallel_loop3A_616 = arith.mulf %parallel_loop3A_615, %parallel_loop3A_615 : vector<16xf32>
      %parallel_loop3A_617 = arith.addf %parallel_loop3A_465, %parallel_loop3A_616 : vector<16xf32>
      scf.yield %parallel_loop3A_484, %parallel_loop3A_503, %parallel_loop3A_522, %parallel_loop3A_541, %parallel_loop3A_560, %parallel_loop3A_579, %parallel_loop3A_598, %parallel_loop3A_617 : vector<16xf32>, vector<16xf32>, vector<16xf32>, vector<16xf32>, vector<16xf32>, vector<16xf32>, vector<16xf32>, vector<16xf32>
    } {sc.loop_unroll_factor = 4 : i64, sc.parallel_access}
    %add3A_119 = arith.constant 192 : i32
    %add3A_120 = arith.addi %mul3A_2, %add3A_119 : i32
    %dma_start3A_121 = arith.constant 0 : i32
    %dma_start3A_122 = arith.constant 0 : i32
    %dma_start3A_123 = arith.constant 0 : i32
    %dma_start3A_124 = tpu.memref_slice %arg7[%dma_start3A_121, %dma_start3A_122, %dma_start3A_123] : memref<3x64x128xf32, #tpu.memory_space<vmem>> -> memref<1x64x128xf32, #tpu.memory_space<vmem>>
    %dma_start3A_125 = tpu.memref_squeeze %dma_start3A_124 : memref<1x64x128xf32, #tpu.memory_space<vmem>> -> memref<64x128xf32, #tpu.memory_space<vmem>>
    %dma_start3A_126 = arith.constant 0 : i32
    %dma_start3A_127 = tpu.memref_slice %arg2[%add3A_120, %dma_start3A_126] : memref<16384x128xf32, #tpu.memory_space<hbm>> -> memref<64x128xf32, #tpu.memory_space<hbm>>
    %dma_start3A_128 = arith.constant 0 : i32
    %dma_start3A_129 = arith.constant 0 : i32
    %dma_start3A_130 = tpu.memref_slice %arg7[%dma_start3A_121, %dma_start3A_128, %dma_start3A_129] : memref<3x64x128xf32, #tpu.memory_space<vmem>> -> memref<1x64x128xf32, #tpu.memory_space<vmem>>
    %dma_start3A_131 = tpu.memref_squeeze %dma_start3A_130 : memref<1x64x128xf32, #tpu.memory_space<vmem>> -> memref<64x128xf32, #tpu.memory_space<vmem>>
    %dma_start3A_132 = arith.constant 0 : i32
    %dma_start3A_133 = tpu.memref_slice %arg2[%add3A_120, %dma_start3A_132] : memref<16384x128xf32, #tpu.memory_space<hbm>> -> memref<64x128xf32, #tpu.memory_space<hbm>>
    tpu.enqueue_dma source(%dma_start3A_133 : memref<64x128xf32, #tpu.memory_space<hbm>>) target(%dma_start3A_131 : memref<64x128xf32, #tpu.memory_space<vmem>>) target_semaphore(%arg10 : memref<!tpu.dma_semaphore, #tpu.memory_space<semaphore_mem>>)
    %dma_start3A_134 = arith.constant 0 : i32
    %dma_start3A_135 = arith.constant 0 : i32
    %dma_start3A_136 = arith.constant 0 : i32
    %dma_start3A_137 = tpu.memref_slice %arg8[%dma_start3A_134, %dma_start3A_135, %dma_start3A_136] : memref<3x64x128xf32, #tpu.memory_space<vmem>> -> memref<1x64x128xf32, #tpu.memory_space<vmem>>
    %dma_start3A_138 = tpu.memref_squeeze %dma_start3A_137 : memref<1x64x128xf32, #tpu.memory_space<vmem>> -> memref<64x128xf32, #tpu.memory_space<vmem>>
    %dma_start3A_139 = arith.constant 192 : i32
    %dma_start3A_140 = tpu.memref_slice %arg6[%dma_start3A_139] : memref<512xi32, #tpu.memory_space<vmem>> -> memref<64xi32, #tpu.memory_space<vmem>>
    %dma_start3A_141 = arith.constant 0 : i32
    %dma_start3A_142 = arith.constant 0 : i32
    %dma_start3A_143 = tpu.memref_slice %arg4[%dma_start3A_141, %dma_start3A_142] : memref<100000x128xf32, #tpu.memory_space<hbm>> -> memref<100000x128xf32, #tpu.memory_space<hbm>>
    tpu.enqueue_indirect_dma source(%dma_start3A_143 : memref<100000x128xf32, #tpu.memory_space<hbm>>) target(%dma_start3A_138 : memref<64x128xf32, #tpu.memory_space<vmem>>) offsets(%dma_start3A_140 : memref<64xi32, #tpu.memory_space<vmem>>) semaphore(%arg13 : memref<!tpu.dma_semaphore, #tpu.memory_space<semaphore_mem>>)
    %dma_wait3A_144 = arith.constant 1 : i32
    %dma_wait3A_145 = arith.constant 0 : i32
    %dma_wait3A_146 = arith.constant 0 : i32
    %dma_wait3A_147 = tpu.memref_slice %arg7[%dma_wait3A_144, %dma_wait3A_145, %dma_wait3A_146] : memref<3x64x128xf32, #tpu.memory_space<vmem>> -> memref<1x64x128xf32, #tpu.memory_space<vmem>>
    %dma_wait3A_148 = tpu.memref_squeeze %dma_wait3A_147 : memref<1x64x128xf32, #tpu.memory_space<vmem>> -> memref<64x128xf32, #tpu.memory_space<vmem>>
    %dma_wait3A_149 = arith.constant 0 : i32
    %dma_wait3A_150 = tpu.memref_slice %arg2[%add3A_18, %dma_wait3A_149] : memref<16384x128xf32, #tpu.memory_space<hbm>> -> memref<64x128xf32, #tpu.memory_space<hbm>>
    %dma_wait3A_151 = arith.constant 0 : i32
    %dma_wait3A_152 = arith.constant 0 : i32
    %dma_wait3A_153 = tpu.memref_slice %arg7[%dma_wait3A_144, %dma_wait3A_151, %dma_wait3A_152] : memref<3x64x128xf32, #tpu.memory_space<vmem>> -> memref<1x64x128xf32, #tpu.memory_space<vmem>>
    %dma_wait3A_154 = tpu.memref_squeeze %dma_wait3A_153 : memref<1x64x128xf32, #tpu.memory_space<vmem>> -> memref<64x128xf32, #tpu.memory_space<vmem>>
    %dma_wait3A_155 = arith.constant 0 : i32
    %dma_wait3A_156 = tpu.memref_slice %arg2[%add3A_18, %dma_wait3A_155] : memref<16384x128xf32, #tpu.memory_space<hbm>> -> memref<64x128xf32, #tpu.memory_space<hbm>>
    tpu.wait_dma2 semaphore(%arg11 : memref<!tpu.dma_semaphore, #tpu.memory_space<semaphore_mem>>) src(%dma_wait3A_156 : memref<64x128xf32, #tpu.memory_space<hbm>>) dst(%dma_wait3A_154 : memref<64x128xf32, #tpu.memory_space<vmem>>)
    %dma_wait3A_157 = arith.constant 1 : i32
    %dma_wait3A_158 = arith.constant 0 : i32
    %dma_wait3A_159 = arith.constant 0 : i32
    %dma_wait3A_160 = tpu.memref_slice %arg8[%dma_wait3A_157, %dma_wait3A_158, %dma_wait3A_159] : memref<3x64x128xf32, #tpu.memory_space<vmem>> -> memref<1x64x128xf32, #tpu.memory_space<vmem>>
    %dma_wait3A_161 = tpu.memref_squeeze %dma_wait3A_160 : memref<1x64x128xf32, #tpu.memory_space<vmem>> -> memref<64x128xf32, #tpu.memory_space<vmem>>
    %dma_wait3A_162 = arith.constant 64 : i32
    %dma_wait3A_163 = tpu.memref_slice %arg6[%dma_wait3A_162] : memref<512xi32, #tpu.memory_space<vmem>> -> memref<64xi32, #tpu.memory_space<vmem>>
    %dma_wait3A_164 = arith.constant 0 : i32
    %dma_wait3A_165 = arith.constant 0 : i32
    %dma_wait3A_166 = tpu.memref_slice %arg4[%dma_wait3A_164, %dma_wait3A_165] : memref<100000x128xf32, #tpu.memory_space<hbm>> -> memref<100000x128xf32, #tpu.memory_space<hbm>>
    tpu.wait_indirect_dma semaphore(%arg14 : memref<!tpu.dma_semaphore, #tpu.memory_space<semaphore_mem>>) src(%dma_wait3A_166 : memref<100000x128xf32, #tpu.memory_space<hbm>>) dst(%dma_wait3A_161 : memref<64x128xf32, #tpu.memory_space<vmem>>)
    %parallel_loop3A_167 = arith.constant 0 : i32
    %parallel_loop3A_168 = arith.constant 64 : i32
    %parallel_loop3A_169 = arith.constant 1 : i32
    %parallel_loop3A_170 = arith.constant 1 : i32
    %parallel_loop3A_171 = arith.constant 1 : i32
    %parallel_loop3A_172:8 = scf.for %parallel_loop3A_457 = %parallel_loop3A_167 to %parallel_loop3A_168 step %parallel_loop3A_169 iter_args(%parallel_loop3A_458 = %parallel_loop3A_118#0, %parallel_loop3A_459 = %parallel_loop3A_118#1, %parallel_loop3A_460 = %parallel_loop3A_118#2, %parallel_loop3A_461 = %parallel_loop3A_118#3, %parallel_loop3A_462 = %parallel_loop3A_118#4, %parallel_loop3A_463 = %parallel_loop3A_118#5, %parallel_loop3A_464 = %parallel_loop3A_118#6, %parallel_loop3A_465 = %parallel_loop3A_118#7) -> (vector<16xf32>, vector<16xf32>, vector<16xf32>, vector<16xf32>, vector<16xf32>, vector<16xf32>, vector<16xf32>, vector<16xf32>)  : i32 {
      %parallel_loop3A_466 = arith.constant 0 : i32
      %parallel_loop3A_467 = arith.constant 0 : i32
      %parallel_loop3A_468 = tpu.memref_slice %arg7[%parallel_loop3A_170, %parallel_loop3A_466, %parallel_loop3A_467] : memref<3x64x128xf32, #tpu.memory_space<vmem>> -> memref<1x64x128xf32, #tpu.memory_space<vmem>>
      %parallel_loop3A_469 = tpu.memref_squeeze %parallel_loop3A_468 : memref<1x64x128xf32, #tpu.memory_space<vmem>> -> memref<64x128xf32, #tpu.memory_space<vmem>>
      %parallel_loop3A_470 = arith.index_cast %parallel_loop3A_457 : i32 to index
      %parallel_loop3A_471 = arith.constant 0 : index
      %parallel_loop3A_472 = tpu.vector_load %parallel_loop3A_469[%parallel_loop3A_470, %parallel_loop3A_471] {strides = array<i32>} : memref<64x128xf32, #tpu.memory_space<vmem>>, vector<1x16xf32>,
      %parallel_loop3A_473 = vector.shape_cast %parallel_loop3A_472 : vector<1x16xf32> to vector<16xf32>
      %parallel_loop3A_474 = arith.constant 0 : i32
      %parallel_loop3A_475 = arith.constant 0 : i32
      %parallel_loop3A_476 = tpu.memref_slice %arg8[%parallel_loop3A_171, %parallel_loop3A_474, %parallel_loop3A_475] : memref<3x64x128xf32, #tpu.memory_space<vmem>> -> memref<1x64x128xf32, #tpu.memory_space<vmem>>
      %parallel_loop3A_477 = tpu.memref_squeeze %parallel_loop3A_476 : memref<1x64x128xf32, #tpu.memory_space<vmem>> -> memref<64x128xf32, #tpu.memory_space<vmem>>
      %parallel_loop3A_478 = arith.index_cast %parallel_loop3A_457 : i32 to index
      %parallel_loop3A_479 = arith.constant 0 : index
      %parallel_loop3A_480 = tpu.vector_load %parallel_loop3A_477[%parallel_loop3A_478, %parallel_loop3A_479] {strides = array<i32>} : memref<64x128xf32, #tpu.memory_space<vmem>>, vector<1x16xf32>,
      %parallel_loop3A_481 = vector.shape_cast %parallel_loop3A_480 : vector<1x16xf32> to vector<16xf32>
      %parallel_loop3A_482 = arith.subf %parallel_loop3A_473, %parallel_loop3A_481 : vector<16xf32>
      %parallel_loop3A_483 = arith.mulf %parallel_loop3A_482, %parallel_loop3A_482 : vector<16xf32>
      %parallel_loop3A_484 = arith.addf %parallel_loop3A_458, %parallel_loop3A_483 : vector<16xf32>
      %parallel_loop3A_485 = arith.constant 0 : i32
      %parallel_loop3A_486 = arith.constant 0 : i32
      %parallel_loop3A_487 = tpu.memref_slice %arg7[%parallel_loop3A_170, %parallel_loop3A_485, %parallel_loop3A_486] : memref<3x64x128xf32, #tpu.memory_space<vmem>> -> memref<1x64x128xf32, #tpu.memory_space<vmem>>
      %parallel_loop3A_488 = tpu.memref_squeeze %parallel_loop3A_487 : memref<1x64x128xf32, #tpu.memory_space<vmem>> -> memref<64x128xf32, #tpu.memory_space<vmem>>
      %parallel_loop3A_489 = arith.index_cast %parallel_loop3A_457 : i32 to index
      %parallel_loop3A_490 = arith.constant 16 : index
      %parallel_loop3A_491 = tpu.vector_load %parallel_loop3A_488[%parallel_loop3A_489, %parallel_loop3A_490] {strides = array<i32>} : memref<64x128xf32, #tpu.memory_space<vmem>>, vector<1x16xf32>,
      %parallel_loop3A_492 = vector.shape_cast %parallel_loop3A_491 : vector<1x16xf32> to vector<16xf32>
      %parallel_loop3A_493 = arith.constant 0 : i32
      %parallel_loop3A_494 = arith.constant 0 : i32
      %parallel_loop3A_495 = tpu.memref_slice %arg8[%parallel_loop3A_171, %parallel_loop3A_493, %parallel_loop3A_494] : memref<3x64x128xf32, #tpu.memory_space<vmem>> -> memref<1x64x128xf32, #tpu.memory_space<vmem>>
      %parallel_loop3A_496 = tpu.memref_squeeze %parallel_loop3A_495 : memref<1x64x128xf32, #tpu.memory_space<vmem>> -> memref<64x128xf32, #tpu.memory_space<vmem>>
      %parallel_loop3A_497 = arith.index_cast %parallel_loop3A_457 : i32 to index
      %parallel_loop3A_498 = arith.constant 16 : index
      %parallel_loop3A_499 = tpu.vector_load %parallel_loop3A_496[%parallel_loop3A_497, %parallel_loop3A_498] {strides = array<i32>} : memref<64x128xf32, #tpu.memory_space<vmem>>, vector<1x16xf32>,
      %parallel_loop3A_500 = vector.shape_cast %parallel_loop3A_499 : vector<1x16xf32> to vector<16xf32>
      %parallel_loop3A_501 = arith.subf %parallel_loop3A_492, %parallel_loop3A_500 : vector<16xf32>
      %parallel_loop3A_502 = arith.mulf %parallel_loop3A_501, %parallel_loop3A_501 : vector<16xf32>
      %parallel_loop3A_503 = arith.addf %parallel_loop3A_459, %parallel_loop3A_502 : vector<16xf32>
      %parallel_loop3A_504 = arith.constant 0 : i32
      %parallel_loop3A_505 = arith.constant 0 : i32
      %parallel_loop3A_506 = tpu.memref_slice %arg7[%parallel_loop3A_170, %parallel_loop3A_504, %parallel_loop3A_505] : memref<3x64x128xf32, #tpu.memory_space<vmem>> -> memref<1x64x128xf32, #tpu.memory_space<vmem>>
      %parallel_loop3A_507 = tpu.memref_squeeze %parallel_loop3A_506 : memref<1x64x128xf32, #tpu.memory_space<vmem>> -> memref<64x128xf32, #tpu.memory_space<vmem>>
      %parallel_loop3A_508 = arith.index_cast %parallel_loop3A_457 : i32 to index
      %parallel_loop3A_509 = arith.constant 32 : index
      %parallel_loop3A_510 = tpu.vector_load %parallel_loop3A_507[%parallel_loop3A_508, %parallel_loop3A_509] {strides = array<i32>} : memref<64x128xf32, #tpu.memory_space<vmem>>, vector<1x16xf32>,
      %parallel_loop3A_511 = vector.shape_cast %parallel_loop3A_510 : vector<1x16xf32> to vector<16xf32>
      %parallel_loop3A_512 = arith.constant 0 : i32
      %parallel_loop3A_513 = arith.constant 0 : i32
      %parallel_loop3A_514 = tpu.memref_slice %arg8[%parallel_loop3A_171, %parallel_loop3A_512, %parallel_loop3A_513] : memref<3x64x128xf32, #tpu.memory_space<vmem>> -> memref<1x64x128xf32, #tpu.memory_space<vmem>>
      %parallel_loop3A_515 = tpu.memref_squeeze %parallel_loop3A_514 : memref<1x64x128xf32, #tpu.memory_space<vmem>> -> memref<64x128xf32, #tpu.memory_space<vmem>>
      %parallel_loop3A_516 = arith.index_cast %parallel_loop3A_457 : i32 to index
      %parallel_loop3A_517 = arith.constant 32 : index
      %parallel_loop3A_518 = tpu.vector_load %parallel_loop3A_515[%parallel_loop3A_516, %parallel_loop3A_517] {strides = array<i32>} : memref<64x128xf32, #tpu.memory_space<vmem>>, vector<1x16xf32>,
      %parallel_loop3A_519 = vector.shape_cast %parallel_loop3A_518 : vector<1x16xf32> to vector<16xf32>
      %parallel_loop3A_520 = arith.subf %parallel_loop3A_511, %parallel_loop3A_519 : vector<16xf32>
      %parallel_loop3A_521 = arith.mulf %parallel_loop3A_520, %parallel_loop3A_520 : vector<16xf32>
      %parallel_loop3A_522 = arith.addf %parallel_loop3A_460, %parallel_loop3A_521 : vector<16xf32>
      %parallel_loop3A_523 = arith.constant 0 : i32
      %parallel_loop3A_524 = arith.constant 0 : i32
      %parallel_loop3A_525 = tpu.memref_slice %arg7[%parallel_loop3A_170, %parallel_loop3A_523, %parallel_loop3A_524] : memref<3x64x128xf32, #tpu.memory_space<vmem>> -> memref<1x64x128xf32, #tpu.memory_space<vmem>>
      %parallel_loop3A_526 = tpu.memref_squeeze %parallel_loop3A_525 : memref<1x64x128xf32, #tpu.memory_space<vmem>> -> memref<64x128xf32, #tpu.memory_space<vmem>>
      %parallel_loop3A_527 = arith.index_cast %parallel_loop3A_457 : i32 to index
      %parallel_loop3A_528 = arith.constant 48 : index
      %parallel_loop3A_529 = tpu.vector_load %parallel_loop3A_526[%parallel_loop3A_527, %parallel_loop3A_528] {strides = array<i32>} : memref<64x128xf32, #tpu.memory_space<vmem>>, vector<1x16xf32>,
      %parallel_loop3A_530 = vector.shape_cast %parallel_loop3A_529 : vector<1x16xf32> to vector<16xf32>
      %parallel_loop3A_531 = arith.constant 0 : i32
      %parallel_loop3A_532 = arith.constant 0 : i32
      %parallel_loop3A_533 = tpu.memref_slice %arg8[%parallel_loop3A_171, %parallel_loop3A_531, %parallel_loop3A_532] : memref<3x64x128xf32, #tpu.memory_space<vmem>> -> memref<1x64x128xf32, #tpu.memory_space<vmem>>
      %parallel_loop3A_534 = tpu.memref_squeeze %parallel_loop3A_533 : memref<1x64x128xf32, #tpu.memory_space<vmem>> -> memref<64x128xf32, #tpu.memory_space<vmem>>
      %parallel_loop3A_535 = arith.index_cast %parallel_loop3A_457 : i32 to index
      %parallel_loop3A_536 = arith.constant 48 : index
      %parallel_loop3A_537 = tpu.vector_load %parallel_loop3A_534[%parallel_loop3A_535, %parallel_loop3A_536] {strides = array<i32>} : memref<64x128xf32, #tpu.memory_space<vmem>>, vector<1x16xf32>,
      %parallel_loop3A_538 = vector.shape_cast %parallel_loop3A_537 : vector<1x16xf32> to vector<16xf32>
      %parallel_loop3A_539 = arith.subf %parallel_loop3A_530, %parallel_loop3A_538 : vector<16xf32>
      %parallel_loop3A_540 = arith.mulf %parallel_loop3A_539, %parallel_loop3A_539 : vector<16xf32>
      %parallel_loop3A_541 = arith.addf %parallel_loop3A_461, %parallel_loop3A_540 : vector<16xf32>
      %parallel_loop3A_542 = arith.constant 0 : i32
      %parallel_loop3A_543 = arith.constant 0 : i32
      %parallel_loop3A_544 = tpu.memref_slice %arg7[%parallel_loop3A_170, %parallel_loop3A_542, %parallel_loop3A_543] : memref<3x64x128xf32, #tpu.memory_space<vmem>> -> memref<1x64x128xf32, #tpu.memory_space<vmem>>
      %parallel_loop3A_545 = tpu.memref_squeeze %parallel_loop3A_544 : memref<1x64x128xf32, #tpu.memory_space<vmem>> -> memref<64x128xf32, #tpu.memory_space<vmem>>
      %parallel_loop3A_546 = arith.index_cast %parallel_loop3A_457 : i32 to index
      %parallel_loop3A_547 = arith.constant 64 : index
      %parallel_loop3A_548 = tpu.vector_load %parallel_loop3A_545[%parallel_loop3A_546, %parallel_loop3A_547] {strides = array<i32>} : memref<64x128xf32, #tpu.memory_space<vmem>>, vector<1x16xf32>,
      %parallel_loop3A_549 = vector.shape_cast %parallel_loop3A_548 : vector<1x16xf32> to vector<16xf32>
      %parallel_loop3A_550 = arith.constant 0 : i32
      %parallel_loop3A_551 = arith.constant 0 : i32
      %parallel_loop3A_552 = tpu.memref_slice %arg8[%parallel_loop3A_171, %parallel_loop3A_550, %parallel_loop3A_551] : memref<3x64x128xf32, #tpu.memory_space<vmem>> -> memref<1x64x128xf32, #tpu.memory_space<vmem>>
      %parallel_loop3A_553 = tpu.memref_squeeze %parallel_loop3A_552 : memref<1x64x128xf32, #tpu.memory_space<vmem>> -> memref<64x128xf32, #tpu.memory_space<vmem>>
      %parallel_loop3A_554 = arith.index_cast %parallel_loop3A_457 : i32 to index
      %parallel_loop3A_555 = arith.constant 64 : index
      %parallel_loop3A_556 = tpu.vector_load %parallel_loop3A_553[%parallel_loop3A_554, %parallel_loop3A_555] {strides = array<i32>} : memref<64x128xf32, #tpu.memory_space<vmem>>, vector<1x16xf32>,
      %parallel_loop3A_557 = vector.shape_cast %parallel_loop3A_556 : vector<1x16xf32> to vector<16xf32>
      %parallel_loop3A_558 = arith.subf %parallel_loop3A_549, %parallel_loop3A_557 : vector<16xf32>
      %parallel_loop3A_559 = arith.mulf %parallel_loop3A_558, %parallel_loop3A_558 : vector<16xf32>
      %parallel_loop3A_560 = arith.addf %parallel_loop3A_462, %parallel_loop3A_559 : vector<16xf32>
      %parallel_loop3A_561 = arith.constant 0 : i32
      %parallel_loop3A_562 = arith.constant 0 : i32
      %parallel_loop3A_563 = tpu.memref_slice %arg7[%parallel_loop3A_170, %parallel_loop3A_561, %parallel_loop3A_562] : memref<3x64x128xf32, #tpu.memory_space<vmem>> -> memref<1x64x128xf32, #tpu.memory_space<vmem>>
      %parallel_loop3A_564 = tpu.memref_squeeze %parallel_loop3A_563 : memref<1x64x128xf32, #tpu.memory_space<vmem>> -> memref<64x128xf32, #tpu.memory_space<vmem>>
      %parallel_loop3A_565 = arith.index_cast %parallel_loop3A_457 : i32 to index
      %parallel_loop3A_566 = arith.constant 80 : index
      %parallel_loop3A_567 = tpu.vector_load %parallel_loop3A_564[%parallel_loop3A_565, %parallel_loop3A_566] {strides = array<i32>} : memref<64x128xf32, #tpu.memory_space<vmem>>, vector<1x16xf32>,
      %parallel_loop3A_568 = vector.shape_cast %parallel_loop3A_567 : vector<1x16xf32> to vector<16xf32>
      %parallel_loop3A_569 = arith.constant 0 : i32
      %parallel_loop3A_570 = arith.constant 0 : i32
      %parallel_loop3A_571 = tpu.memref_slice %arg8[%parallel_loop3A_171, %parallel_loop3A_569, %parallel_loop3A_570] : memref<3x64x128xf32, #tpu.memory_space<vmem>> -> memref<1x64x128xf32, #tpu.memory_space<vmem>>
      %parallel_loop3A_572 = tpu.memref_squeeze %parallel_loop3A_571 : memref<1x64x128xf32, #tpu.memory_space<vmem>> -> memref<64x128xf32, #tpu.memory_space<vmem>>
      %parallel_loop3A_573 = arith.index_cast %parallel_loop3A_457 : i32 to index
      %parallel_loop3A_574 = arith.constant 80 : index
      %parallel_loop3A_575 = tpu.vector_load %parallel_loop3A_572[%parallel_loop3A_573, %parallel_loop3A_574] {strides = array<i32>} : memref<64x128xf32, #tpu.memory_space<vmem>>, vector<1x16xf32>,
      %parallel_loop3A_576 = vector.shape_cast %parallel_loop3A_575 : vector<1x16xf32> to vector<16xf32>
      %parallel_loop3A_577 = arith.subf %parallel_loop3A_568, %parallel_loop3A_576 : vector<16xf32>
      %parallel_loop3A_578 = arith.mulf %parallel_loop3A_577, %parallel_loop3A_577 : vector<16xf32>
      %parallel_loop3A_579 = arith.addf %parallel_loop3A_463, %parallel_loop3A_578 : vector<16xf32>
      %parallel_loop3A_580 = arith.constant 0 : i32
      %parallel_loop3A_581 = arith.constant 0 : i32
      %parallel_loop3A_582 = tpu.memref_slice %arg7[%parallel_loop3A_170, %parallel_loop3A_580, %parallel_loop3A_581] : memref<3x64x128xf32, #tpu.memory_space<vmem>> -> memref<1x64x128xf32, #tpu.memory_space<vmem>>
      %parallel_loop3A_583 = tpu.memref_squeeze %parallel_loop3A_582 : memref<1x64x128xf32, #tpu.memory_space<vmem>> -> memref<64x128xf32, #tpu.memory_space<vmem>>
      %parallel_loop3A_584 = arith.index_cast %parallel_loop3A_457 : i32 to index
      %parallel_loop3A_585 = arith.constant 96 : index
      %parallel_loop3A_586 = tpu.vector_load %parallel_loop3A_583[%parallel_loop3A_584, %parallel_loop3A_585] {strides = array<i32>} : memref<64x128xf32, #tpu.memory_space<vmem>>, vector<1x16xf32>,
      %parallel_loop3A_587 = vector.shape_cast %parallel_loop3A_586 : vector<1x16xf32> to vector<16xf32>
      %parallel_loop3A_588 = arith.constant 0 : i32
      %parallel_loop3A_589 = arith.constant 0 : i32
      %parallel_loop3A_590 = tpu.memref_slice %arg8[%parallel_loop3A_171, %parallel_loop3A_588, %parallel_loop3A_589] : memref<3x64x128xf32, #tpu.memory_space<vmem>> -> memref<1x64x128xf32, #tpu.memory_space<vmem>>
      %parallel_loop3A_591 = tpu.memref_squeeze %parallel_loop3A_590 : memref<1x64x128xf32, #tpu.memory_space<vmem>> -> memref<64x128xf32, #tpu.memory_space<vmem>>
      %parallel_loop3A_592 = arith.index_cast %parallel_loop3A_457 : i32 to index
      %parallel_loop3A_593 = arith.constant 96 : index
      %parallel_loop3A_594 = tpu.vector_load %parallel_loop3A_591[%parallel_loop3A_592, %parallel_loop3A_593] {strides = array<i32>} : memref<64x128xf32, #tpu.memory_space<vmem>>, vector<1x16xf32>,
      %parallel_loop3A_595 = vector.shape_cast %parallel_loop3A_594 : vector<1x16xf32> to vector<16xf32>
      %parallel_loop3A_596 = arith.subf %parallel_loop3A_587, %parallel_loop3A_595 : vector<16xf32>
      %parallel_loop3A_597 = arith.mulf %parallel_loop3A_596, %parallel_loop3A_596 : vector<16xf32>
      %parallel_loop3A_598 = arith.addf %parallel_loop3A_464, %parallel_loop3A_597 : vector<16xf32>
      %parallel_loop3A_599 = arith.constant 0 : i32
      %parallel_loop3A_600 = arith.constant 0 : i32
      %parallel_loop3A_601 = tpu.memref_slice %arg7[%parallel_loop3A_170, %parallel_loop3A_599, %parallel_loop3A_600] : memref<3x64x128xf32, #tpu.memory_space<vmem>> -> memref<1x64x128xf32, #tpu.memory_space<vmem>>
      %parallel_loop3A_602 = tpu.memref_squeeze %parallel_loop3A_601 : memref<1x64x128xf32, #tpu.memory_space<vmem>> -> memref<64x128xf32, #tpu.memory_space<vmem>>
      %parallel_loop3A_603 = arith.index_cast %parallel_loop3A_457 : i32 to index
      %parallel_loop3A_604 = arith.constant 112 : index
      %parallel_loop3A_605 = tpu.vector_load %parallel_loop3A_602[%parallel_loop3A_603, %parallel_loop3A_604] {strides = array<i32>} : memref<64x128xf32, #tpu.memory_space<vmem>>, vector<1x16xf32>,
      %parallel_loop3A_606 = vector.shape_cast %parallel_loop3A_605 : vector<1x16xf32> to vector<16xf32>
      %parallel_loop3A_607 = arith.constant 0 : i32
      %parallel_loop3A_608 = arith.constant 0 : i32
      %parallel_loop3A_609 = tpu.memref_slice %arg8[%parallel_loop3A_171, %parallel_loop3A_607, %parallel_loop3A_608] : memref<3x64x128xf32, #tpu.memory_space<vmem>> -> memref<1x64x128xf32, #tpu.memory_space<vmem>>
      %parallel_loop3A_610 = tpu.memref_squeeze %parallel_loop3A_609 : memref<1x64x128xf32, #tpu.memory_space<vmem>> -> memref<64x128xf32, #tpu.memory_space<vmem>>
      %parallel_loop3A_611 = arith.index_cast %parallel_loop3A_457 : i32 to index
      %parallel_loop3A_612 = arith.constant 112 : index
      %parallel_loop3A_613 = tpu.vector_load %parallel_loop3A_610[%parallel_loop3A_611, %parallel_loop3A_612] {strides = array<i32>} : memref<64x128xf32, #tpu.memory_space<vmem>>, vector<1x16xf32>,
      %parallel_loop3A_614 = vector.shape_cast %parallel_loop3A_613 : vector<1x16xf32> to vector<16xf32>
      %parallel_loop3A_615 = arith.subf %parallel_loop3A_606, %parallel_loop3A_614 : vector<16xf32>
      %parallel_loop3A_616 = arith.mulf %parallel_loop3A_615, %parallel_loop3A_615 : vector<16xf32>
      %parallel_loop3A_617 = arith.addf %parallel_loop3A_465, %parallel_loop3A_616 : vector<16xf32>
      scf.yield %parallel_loop3A_484, %parallel_loop3A_503, %parallel_loop3A_522, %parallel_loop3A_541, %parallel_loop3A_560, %parallel_loop3A_579, %parallel_loop3A_598, %parallel_loop3A_617 : vector<16xf32>, vector<16xf32>, vector<16xf32>, vector<16xf32>, vector<16xf32>, vector<16xf32>, vector<16xf32>, vector<16xf32>
    } {sc.loop_unroll_factor = 4 : i64, sc.parallel_access}
    %add3A_173 = arith.constant 256 : i32
    %add3A_174 = arith.addi %mul3A_2, %add3A_173 : i32
    %dma_start3A_175 = arith.constant 1 : i32
    %dma_start3A_176 = arith.constant 0 : i32
    %dma_start3A_177 = arith.constant 0 : i32
    %dma_start3A_178 = tpu.memref_slice %arg7[%dma_start3A_175, %dma_start3A_176, %dma_start3A_177] : memref<3x64x128xf32, #tpu.memory_space<vmem>> -> memref<1x64x128xf32, #tpu.memory_space<vmem>>
    %dma_start3A_179 = tpu.memref_squeeze %dma_start3A_178 : memref<1x64x128xf32, #tpu.memory_space<vmem>> -> memref<64x128xf32, #tpu.memory_space<vmem>>
    %dma_start3A_180 = arith.constant 0 : i32
    %dma_start3A_181 = tpu.memref_slice %arg2[%add3A_174, %dma_start3A_180] : memref<16384x128xf32, #tpu.memory_space<hbm>> -> memref<64x128xf32, #tpu.memory_space<hbm>>
    %dma_start3A_182 = arith.constant 0 : i32
    %dma_start3A_183 = arith.constant 0 : i32
    %dma_start3A_184 = tpu.memref_slice %arg7[%dma_start3A_175, %dma_start3A_182, %dma_start3A_183] : memref<3x64x128xf32, #tpu.memory_space<vmem>> -> memref<1x64x128xf32, #tpu.memory_space<vmem>>
    %dma_start3A_185 = tpu.memref_squeeze %dma_start3A_184 : memref<1x64x128xf32, #tpu.memory_space<vmem>> -> memref<64x128xf32, #tpu.memory_space<vmem>>
    %dma_start3A_186 = arith.constant 0 : i32
    %dma_start3A_187 = tpu.memref_slice %arg2[%add3A_174, %dma_start3A_186] : memref<16384x128xf32, #tpu.memory_space<hbm>> -> memref<64x128xf32, #tpu.memory_space<hbm>>
    tpu.enqueue_dma source(%dma_start3A_187 : memref<64x128xf32, #tpu.memory_space<hbm>>) target(%dma_start3A_185 : memref<64x128xf32, #tpu.memory_space<vmem>>) target_semaphore(%arg11 : memref<!tpu.dma_semaphore, #tpu.memory_space<semaphore_mem>>)
    %dma_start3A_188 = arith.constant 1 : i32
    %dma_start3A_189 = arith.constant 0 : i32
    %dma_start3A_190 = arith.constant 0 : i32
    %dma_start3A_191 = tpu.memref_slice %arg8[%dma_start3A_188, %dma_start3A_189, %dma_start3A_190] : memref<3x64x128xf32, #tpu.memory_space<vmem>> -> memref<1x64x128xf32, #tpu.memory_space<vmem>>
    %dma_start3A_192 = tpu.memref_squeeze %dma_start3A_191 : memref<1x64x128xf32, #tpu.memory_space<vmem>> -> memref<64x128xf32, #tpu.memory_space<vmem>>
    %dma_start3A_193 = arith.constant 256 : i32
    %dma_start3A_194 = tpu.memref_slice %arg6[%dma_start3A_193] : memref<512xi32, #tpu.memory_space<vmem>> -> memref<64xi32, #tpu.memory_space<vmem>>
    %dma_start3A_195 = arith.constant 0 : i32
    %dma_start3A_196 = arith.constant 0 : i32
    %dma_start3A_197 = tpu.memref_slice %arg4[%dma_start3A_195, %dma_start3A_196] : memref<100000x128xf32, #tpu.memory_space<hbm>> -> memref<100000x128xf32, #tpu.memory_space<hbm>>
    tpu.enqueue_indirect_dma source(%dma_start3A_197 : memref<100000x128xf32, #tpu.memory_space<hbm>>) target(%dma_start3A_192 : memref<64x128xf32, #tpu.memory_space<vmem>>) offsets(%dma_start3A_194 : memref<64xi32, #tpu.memory_space<vmem>>) semaphore(%arg14 : memref<!tpu.dma_semaphore, #tpu.memory_space<semaphore_mem>>)
    %dma_wait3A_198 = arith.constant 2 : i32
    %dma_wait3A_199 = arith.constant 0 : i32
    %dma_wait3A_200 = arith.constant 0 : i32
    %dma_wait3A_201 = tpu.memref_slice %arg7[%dma_wait3A_198, %dma_wait3A_199, %dma_wait3A_200] : memref<3x64x128xf32, #tpu.memory_space<vmem>> -> memref<1x64x128xf32, #tpu.memory_space<vmem>>
    %dma_wait3A_202 = tpu.memref_squeeze %dma_wait3A_201 : memref<1x64x128xf32, #tpu.memory_space<vmem>> -> memref<64x128xf32, #tpu.memory_space<vmem>>
    %dma_wait3A_203 = arith.constant 0 : i32
    %dma_wait3A_204 = tpu.memref_slice %arg2[%add3A_33, %dma_wait3A_203] : memref<16384x128xf32, #tpu.memory_space<hbm>> -> memref<64x128xf32, #tpu.memory_space<hbm>>
    %dma_wait3A_205 = arith.constant 0 : i32
    %dma_wait3A_206 = arith.constant 0 : i32
    %dma_wait3A_207 = tpu.memref_slice %arg7[%dma_wait3A_198, %dma_wait3A_205, %dma_wait3A_206] : memref<3x64x128xf32, #tpu.memory_space<vmem>> -> memref<1x64x128xf32, #tpu.memory_space<vmem>>
    %dma_wait3A_208 = tpu.memref_squeeze %dma_wait3A_207 : memref<1x64x128xf32, #tpu.memory_space<vmem>> -> memref<64x128xf32, #tpu.memory_space<vmem>>
    %dma_wait3A_209 = arith.constant 0 : i32
    %dma_wait3A_210 = tpu.memref_slice %arg2[%add3A_33, %dma_wait3A_209] : memref<16384x128xf32, #tpu.memory_space<hbm>> -> memref<64x128xf32, #tpu.memory_space<hbm>>
    tpu.wait_dma2 semaphore(%arg12 : memref<!tpu.dma_semaphore, #tpu.memory_space<semaphore_mem>>) src(%dma_wait3A_210 : memref<64x128xf32, #tpu.memory_space<hbm>>) dst(%dma_wait3A_208 : memref<64x128xf32, #tpu.memory_space<vmem>>)
    %dma_wait3A_211 = arith.constant 2 : i32
    %dma_wait3A_212 = arith.constant 0 : i32
    %dma_wait3A_213 = arith.constant 0 : i32
    %dma_wait3A_214 = tpu.memref_slice %arg8[%dma_wait3A_211, %dma_wait3A_212, %dma_wait3A_213] : memref<3x64x128xf32, #tpu.memory_space<vmem>> -> memref<1x64x128xf32, #tpu.memory_space<vmem>>
    %dma_wait3A_215 = tpu.memref_squeeze %dma_wait3A_214 : memref<1x64x128xf32, #tpu.memory_space<vmem>> -> memref<64x128xf32, #tpu.memory_space<vmem>>
    %dma_wait3A_216 = arith.constant 128 : i32
    %dma_wait3A_217 = tpu.memref_slice %arg6[%dma_wait3A_216] : memref<512xi32, #tpu.memory_space<vmem>> -> memref<64xi32, #tpu.memory_space<vmem>>
    %dma_wait3A_218 = arith.constant 0 : i32
    %dma_wait3A_219 = arith.constant 0 : i32
    %dma_wait3A_220 = tpu.memref_slice %arg4[%dma_wait3A_218, %dma_wait3A_219] : memref<100000x128xf32, #tpu.memory_space<hbm>> -> memref<100000x128xf32, #tpu.memory_space<hbm>>
    tpu.wait_indirect_dma semaphore(%arg15 : memref<!tpu.dma_semaphore, #tpu.memory_space<semaphore_mem>>) src(%dma_wait3A_220 : memref<100000x128xf32, #tpu.memory_space<hbm>>) dst(%dma_wait3A_215 : memref<64x128xf32, #tpu.memory_space<vmem>>)
    %parallel_loop3A_221 = arith.constant 0 : i32
    %parallel_loop3A_222 = arith.constant 64 : i32
    %parallel_loop3A_223 = arith.constant 1 : i32
    %parallel_loop3A_224 = arith.constant 2 : i32
    %parallel_loop3A_225 = arith.constant 2 : i32
    %parallel_loop3A_226:8 = scf.for %parallel_loop3A_457 = %parallel_loop3A_221 to %parallel_loop3A_222 step %parallel_loop3A_223 iter_args(%parallel_loop3A_458 = %parallel_loop3A_172#0, %parallel_loop3A_459 = %parallel_loop3A_172#1, %parallel_loop3A_460 = %parallel_loop3A_172#2, %parallel_loop3A_461 = %parallel_loop3A_172#3, %parallel_loop3A_462 = %parallel_loop3A_172#4, %parallel_loop3A_463 = %parallel_loop3A_172#5, %parallel_loop3A_464 = %parallel_loop3A_172#6, %parallel_loop3A_465 = %parallel_loop3A_172#7) -> (vector<16xf32>, vector<16xf32>, vector<16xf32>, vector<16xf32>, vector<16xf32>, vector<16xf32>, vector<16xf32>, vector<16xf32>)  : i32 {
      %parallel_loop3A_466 = arith.constant 0 : i32
      %parallel_loop3A_467 = arith.constant 0 : i32
      %parallel_loop3A_468 = tpu.memref_slice %arg7[%parallel_loop3A_224, %parallel_loop3A_466, %parallel_loop3A_467] : memref<3x64x128xf32, #tpu.memory_space<vmem>> -> memref<1x64x128xf32, #tpu.memory_space<vmem>>
      %parallel_loop3A_469 = tpu.memref_squeeze %parallel_loop3A_468 : memref<1x64x128xf32, #tpu.memory_space<vmem>> -> memref<64x128xf32, #tpu.memory_space<vmem>>
      %parallel_loop3A_470 = arith.index_cast %parallel_loop3A_457 : i32 to index
      %parallel_loop3A_471 = arith.constant 0 : index
      %parallel_loop3A_472 = tpu.vector_load %parallel_loop3A_469[%parallel_loop3A_470, %parallel_loop3A_471] {strides = array<i32>} : memref<64x128xf32, #tpu.memory_space<vmem>>, vector<1x16xf32>,
      %parallel_loop3A_473 = vector.shape_cast %parallel_loop3A_472 : vector<1x16xf32> to vector<16xf32>
      %parallel_loop3A_474 = arith.constant 0 : i32
      %parallel_loop3A_475 = arith.constant 0 : i32
      %parallel_loop3A_476 = tpu.memref_slice %arg8[%parallel_loop3A_225, %parallel_loop3A_474, %parallel_loop3A_475] : memref<3x64x128xf32, #tpu.memory_space<vmem>> -> memref<1x64x128xf32, #tpu.memory_space<vmem>>
      %parallel_loop3A_477 = tpu.memref_squeeze %parallel_loop3A_476 : memref<1x64x128xf32, #tpu.memory_space<vmem>> -> memref<64x128xf32, #tpu.memory_space<vmem>>
      %parallel_loop3A_478 = arith.index_cast %parallel_loop3A_457 : i32 to index
      %parallel_loop3A_479 = arith.constant 0 : index
      %parallel_loop3A_480 = tpu.vector_load %parallel_loop3A_477[%parallel_loop3A_478, %parallel_loop3A_479] {strides = array<i32>} : memref<64x128xf32, #tpu.memory_space<vmem>>, vector<1x16xf32>,
      %parallel_loop3A_481 = vector.shape_cast %parallel_loop3A_480 : vector<1x16xf32> to vector<16xf32>
      %parallel_loop3A_482 = arith.subf %parallel_loop3A_473, %parallel_loop3A_481 : vector<16xf32>
      %parallel_loop3A_483 = arith.mulf %parallel_loop3A_482, %parallel_loop3A_482 : vector<16xf32>
      %parallel_loop3A_484 = arith.addf %parallel_loop3A_458, %parallel_loop3A_483 : vector<16xf32>
      %parallel_loop3A_485 = arith.constant 0 : i32
      %parallel_loop3A_486 = arith.constant 0 : i32
      %parallel_loop3A_487 = tpu.memref_slice %arg7[%parallel_loop3A_224, %parallel_loop3A_485, %parallel_loop3A_486] : memref<3x64x128xf32, #tpu.memory_space<vmem>> -> memref<1x64x128xf32, #tpu.memory_space<vmem>>
      %parallel_loop3A_488 = tpu.memref_squeeze %parallel_loop3A_487 : memref<1x64x128xf32, #tpu.memory_space<vmem>> -> memref<64x128xf32, #tpu.memory_space<vmem>>
      %parallel_loop3A_489 = arith.index_cast %parallel_loop3A_457 : i32 to index
      %parallel_loop3A_490 = arith.constant 16 : index
      %parallel_loop3A_491 = tpu.vector_load %parallel_loop3A_488[%parallel_loop3A_489, %parallel_loop3A_490] {strides = array<i32>} : memref<64x128xf32, #tpu.memory_space<vmem>>, vector<1x16xf32>,
      %parallel_loop3A_492 = vector.shape_cast %parallel_loop3A_491 : vector<1x16xf32> to vector<16xf32>
      %parallel_loop3A_493 = arith.constant 0 : i32
      %parallel_loop3A_494 = arith.constant 0 : i32
      %parallel_loop3A_495 = tpu.memref_slice %arg8[%parallel_loop3A_225, %parallel_loop3A_493, %parallel_loop3A_494] : memref<3x64x128xf32, #tpu.memory_space<vmem>> -> memref<1x64x128xf32, #tpu.memory_space<vmem>>
      %parallel_loop3A_496 = tpu.memref_squeeze %parallel_loop3A_495 : memref<1x64x128xf32, #tpu.memory_space<vmem>> -> memref<64x128xf32, #tpu.memory_space<vmem>>
      %parallel_loop3A_497 = arith.index_cast %parallel_loop3A_457 : i32 to index
      %parallel_loop3A_498 = arith.constant 16 : index
      %parallel_loop3A_499 = tpu.vector_load %parallel_loop3A_496[%parallel_loop3A_497, %parallel_loop3A_498] {strides = array<i32>} : memref<64x128xf32, #tpu.memory_space<vmem>>, vector<1x16xf32>,
      %parallel_loop3A_500 = vector.shape_cast %parallel_loop3A_499 : vector<1x16xf32> to vector<16xf32>
      %parallel_loop3A_501 = arith.subf %parallel_loop3A_492, %parallel_loop3A_500 : vector<16xf32>
      %parallel_loop3A_502 = arith.mulf %parallel_loop3A_501, %parallel_loop3A_501 : vector<16xf32>
      %parallel_loop3A_503 = arith.addf %parallel_loop3A_459, %parallel_loop3A_502 : vector<16xf32>
      %parallel_loop3A_504 = arith.constant 0 : i32
      %parallel_loop3A_505 = arith.constant 0 : i32
      %parallel_loop3A_506 = tpu.memref_slice %arg7[%parallel_loop3A_224, %parallel_loop3A_504, %parallel_loop3A_505] : memref<3x64x128xf32, #tpu.memory_space<vmem>> -> memref<1x64x128xf32, #tpu.memory_space<vmem>>
      %parallel_loop3A_507 = tpu.memref_squeeze %parallel_loop3A_506 : memref<1x64x128xf32, #tpu.memory_space<vmem>> -> memref<64x128xf32, #tpu.memory_space<vmem>>
      %parallel_loop3A_508 = arith.index_cast %parallel_loop3A_457 : i32 to index
      %parallel_loop3A_509 = arith.constant 32 : index
      %parallel_loop3A_510 = tpu.vector_load %parallel_loop3A_507[%parallel_loop3A_508, %parallel_loop3A_509] {strides = array<i32>} : memref<64x128xf32, #tpu.memory_space<vmem>>, vector<1x16xf32>,
      %parallel_loop3A_511 = vector.shape_cast %parallel_loop3A_510 : vector<1x16xf32> to vector<16xf32>
      %parallel_loop3A_512 = arith.constant 0 : i32
      %parallel_loop3A_513 = arith.constant 0 : i32
      %parallel_loop3A_514 = tpu.memref_slice %arg8[%parallel_loop3A_225, %parallel_loop3A_512, %parallel_loop3A_513] : memref<3x64x128xf32, #tpu.memory_space<vmem>> -> memref<1x64x128xf32, #tpu.memory_space<vmem>>
      %parallel_loop3A_515 = tpu.memref_squeeze %parallel_loop3A_514 : memref<1x64x128xf32, #tpu.memory_space<vmem>> -> memref<64x128xf32, #tpu.memory_space<vmem>>
      %parallel_loop3A_516 = arith.index_cast %parallel_loop3A_457 : i32 to index
      %parallel_loop3A_517 = arith.constant 32 : index
      %parallel_loop3A_518 = tpu.vector_load %parallel_loop3A_515[%parallel_loop3A_516, %parallel_loop3A_517] {strides = array<i32>} : memref<64x128xf32, #tpu.memory_space<vmem>>, vector<1x16xf32>,
      %parallel_loop3A_519 = vector.shape_cast %parallel_loop3A_518 : vector<1x16xf32> to vector<16xf32>
      %parallel_loop3A_520 = arith.subf %parallel_loop3A_511, %parallel_loop3A_519 : vector<16xf32>
      %parallel_loop3A_521 = arith.mulf %parallel_loop3A_520, %parallel_loop3A_520 : vector<16xf32>
      %parallel_loop3A_522 = arith.addf %parallel_loop3A_460, %parallel_loop3A_521 : vector<16xf32>
      %parallel_loop3A_523 = arith.constant 0 : i32
      %parallel_loop3A_524 = arith.constant 0 : i32
      %parallel_loop3A_525 = tpu.memref_slice %arg7[%parallel_loop3A_224, %parallel_loop3A_523, %parallel_loop3A_524] : memref<3x64x128xf32, #tpu.memory_space<vmem>> -> memref<1x64x128xf32, #tpu.memory_space<vmem>>
      %parallel_loop3A_526 = tpu.memref_squeeze %parallel_loop3A_525 : memref<1x64x128xf32, #tpu.memory_space<vmem>> -> memref<64x128xf32, #tpu.memory_space<vmem>>
      %parallel_loop3A_527 = arith.index_cast %parallel_loop3A_457 : i32 to index
      %parallel_loop3A_528 = arith.constant 48 : index
      %parallel_loop3A_529 = tpu.vector_load %parallel_loop3A_526[%parallel_loop3A_527, %parallel_loop3A_528] {strides = array<i32>} : memref<64x128xf32, #tpu.memory_space<vmem>>, vector<1x16xf32>,
      %parallel_loop3A_530 = vector.shape_cast %parallel_loop3A_529 : vector<1x16xf32> to vector<16xf32>
      %parallel_loop3A_531 = arith.constant 0 : i32
      %parallel_loop3A_532 = arith.constant 0 : i32
      %parallel_loop3A_533 = tpu.memref_slice %arg8[%parallel_loop3A_225, %parallel_loop3A_531, %parallel_loop3A_532] : memref<3x64x128xf32, #tpu.memory_space<vmem>> -> memref<1x64x128xf32, #tpu.memory_space<vmem>>
      %parallel_loop3A_534 = tpu.memref_squeeze %parallel_loop3A_533 : memref<1x64x128xf32, #tpu.memory_space<vmem>> -> memref<64x128xf32, #tpu.memory_space<vmem>>
      %parallel_loop3A_535 = arith.index_cast %parallel_loop3A_457 : i32 to index
      %parallel_loop3A_536 = arith.constant 48 : index
      %parallel_loop3A_537 = tpu.vector_load %parallel_loop3A_534[%parallel_loop3A_535, %parallel_loop3A_536] {strides = array<i32>} : memref<64x128xf32, #tpu.memory_space<vmem>>, vector<1x16xf32>,
      %parallel_loop3A_538 = vector.shape_cast %parallel_loop3A_537 : vector<1x16xf32> to vector<16xf32>
      %parallel_loop3A_539 = arith.subf %parallel_loop3A_530, %parallel_loop3A_538 : vector<16xf32>
      %parallel_loop3A_540 = arith.mulf %parallel_loop3A_539, %parallel_loop3A_539 : vector<16xf32>
      %parallel_loop3A_541 = arith.addf %parallel_loop3A_461, %parallel_loop3A_540 : vector<16xf32>
      %parallel_loop3A_542 = arith.constant 0 : i32
      %parallel_loop3A_543 = arith.constant 0 : i32
      %parallel_loop3A_544 = tpu.memref_slice %arg7[%parallel_loop3A_224, %parallel_loop3A_542, %parallel_loop3A_543] : memref<3x64x128xf32, #tpu.memory_space<vmem>> -> memref<1x64x128xf32, #tpu.memory_space<vmem>>
      %parallel_loop3A_545 = tpu.memref_squeeze %parallel_loop3A_544 : memref<1x64x128xf32, #tpu.memory_space<vmem>> -> memref<64x128xf32, #tpu.memory_space<vmem>>
      %parallel_loop3A_546 = arith.index_cast %parallel_loop3A_457 : i32 to index
      %parallel_loop3A_547 = arith.constant 64 : index
      %parallel_loop3A_548 = tpu.vector_load %parallel_loop3A_545[%parallel_loop3A_546, %parallel_loop3A_547] {strides = array<i32>} : memref<64x128xf32, #tpu.memory_space<vmem>>, vector<1x16xf32>,
      %parallel_loop3A_549 = vector.shape_cast %parallel_loop3A_548 : vector<1x16xf32> to vector<16xf32>
      %parallel_loop3A_550 = arith.constant 0 : i32
      %parallel_loop3A_551 = arith.constant 0 : i32
      %parallel_loop3A_552 = tpu.memref_slice %arg8[%parallel_loop3A_225, %parallel_loop3A_550, %parallel_loop3A_551] : memref<3x64x128xf32, #tpu.memory_space<vmem>> -> memref<1x64x128xf32, #tpu.memory_space<vmem>>
      %parallel_loop3A_553 = tpu.memref_squeeze %parallel_loop3A_552 : memref<1x64x128xf32, #tpu.memory_space<vmem>> -> memref<64x128xf32, #tpu.memory_space<vmem>>
      %parallel_loop3A_554 = arith.index_cast %parallel_loop3A_457 : i32 to index
      %parallel_loop3A_555 = arith.constant 64 : index
      %parallel_loop3A_556 = tpu.vector_load %parallel_loop3A_553[%parallel_loop3A_554, %parallel_loop3A_555] {strides = array<i32>} : memref<64x128xf32, #tpu.memory_space<vmem>>, vector<1x16xf32>,
      %parallel_loop3A_557 = vector.shape_cast %parallel_loop3A_556 : vector<1x16xf32> to vector<16xf32>
      %parallel_loop3A_558 = arith.subf %parallel_loop3A_549, %parallel_loop3A_557 : vector<16xf32>
      %parallel_loop3A_559 = arith.mulf %parallel_loop3A_558, %parallel_loop3A_558 : vector<16xf32>
      %parallel_loop3A_560 = arith.addf %parallel_loop3A_462, %parallel_loop3A_559 : vector<16xf32>
      %parallel_loop3A_561 = arith.constant 0 : i32
      %parallel_loop3A_562 = arith.constant 0 : i32
      %parallel_loop3A_563 = tpu.memref_slice %arg7[%parallel_loop3A_224, %parallel_loop3A_561, %parallel_loop3A_562] : memref<3x64x128xf32, #tpu.memory_space<vmem>> -> memref<1x64x128xf32, #tpu.memory_space<vmem>>
      %parallel_loop3A_564 = tpu.memref_squeeze %parallel_loop3A_563 : memref<1x64x128xf32, #tpu.memory_space<vmem>> -> memref<64x128xf32, #tpu.memory_space<vmem>>
      %parallel_loop3A_565 = arith.index_cast %parallel_loop3A_457 : i32 to index
      %parallel_loop3A_566 = arith.constant 80 : index
      %parallel_loop3A_567 = tpu.vector_load %parallel_loop3A_564[%parallel_loop3A_565, %parallel_loop3A_566] {strides = array<i32>} : memref<64x128xf32, #tpu.memory_space<vmem>>, vector<1x16xf32>,
      %parallel_loop3A_568 = vector.shape_cast %parallel_loop3A_567 : vector<1x16xf32> to vector<16xf32>
      %parallel_loop3A_569 = arith.constant 0 : i32
      %parallel_loop3A_570 = arith.constant 0 : i32
      %parallel_loop3A_571 = tpu.memref_slice %arg8[%parallel_loop3A_225, %parallel_loop3A_569, %parallel_loop3A_570] : memref<3x64x128xf32, #tpu.memory_space<vmem>> -> memref<1x64x128xf32, #tpu.memory_space<vmem>>
      %parallel_loop3A_572 = tpu.memref_squeeze %parallel_loop3A_571 : memref<1x64x128xf32, #tpu.memory_space<vmem>> -> memref<64x128xf32, #tpu.memory_space<vmem>>
      %parallel_loop3A_573 = arith.index_cast %parallel_loop3A_457 : i32 to index
      %parallel_loop3A_574 = arith.constant 80 : index
      %parallel_loop3A_575 = tpu.vector_load %parallel_loop3A_572[%parallel_loop3A_573, %parallel_loop3A_574] {strides = array<i32>} : memref<64x128xf32, #tpu.memory_space<vmem>>, vector<1x16xf32>,
      %parallel_loop3A_576 = vector.shape_cast %parallel_loop3A_575 : vector<1x16xf32> to vector<16xf32>
      %parallel_loop3A_577 = arith.subf %parallel_loop3A_568, %parallel_loop3A_576 : vector<16xf32>
      %parallel_loop3A_578 = arith.mulf %parallel_loop3A_577, %parallel_loop3A_577 : vector<16xf32>
      %parallel_loop3A_579 = arith.addf %parallel_loop3A_463, %parallel_loop3A_578 : vector<16xf32>
      %parallel_loop3A_580 = arith.constant 0 : i32
      %parallel_loop3A_581 = arith.constant 0 : i32
      %parallel_loop3A_582 = tpu.memref_slice %arg7[%parallel_loop3A_224, %parallel_loop3A_580, %parallel_loop3A_581] : memref<3x64x128xf32, #tpu.memory_space<vmem>> -> memref<1x64x128xf32, #tpu.memory_space<vmem>>
      %parallel_loop3A_583 = tpu.memref_squeeze %parallel_loop3A_582 : memref<1x64x128xf32, #tpu.memory_space<vmem>> -> memref<64x128xf32, #tpu.memory_space<vmem>>
      %parallel_loop3A_584 = arith.index_cast %parallel_loop3A_457 : i32 to index
      %parallel_loop3A_585 = arith.constant 96 : index
      %parallel_loop3A_586 = tpu.vector_load %parallel_loop3A_583[%parallel_loop3A_584, %parallel_loop3A_585] {strides = array<i32>} : memref<64x128xf32, #tpu.memory_space<vmem>>, vector<1x16xf32>,
      %parallel_loop3A_587 = vector.shape_cast %parallel_loop3A_586 : vector<1x16xf32> to vector<16xf32>
      %parallel_loop3A_588 = arith.constant 0 : i32
      %parallel_loop3A_589 = arith.constant 0 : i32
      %parallel_loop3A_590 = tpu.memref_slice %arg8[%parallel_loop3A_225, %parallel_loop3A_588, %parallel_loop3A_589] : memref<3x64x128xf32, #tpu.memory_space<vmem>> -> memref<1x64x128xf32, #tpu.memory_space<vmem>>
      %parallel_loop3A_591 = tpu.memref_squeeze %parallel_loop3A_590 : memref<1x64x128xf32, #tpu.memory_space<vmem>> -> memref<64x128xf32, #tpu.memory_space<vmem>>
      %parallel_loop3A_592 = arith.index_cast %parallel_loop3A_457 : i32 to index
      %parallel_loop3A_593 = arith.constant 96 : index
      %parallel_loop3A_594 = tpu.vector_load %parallel_loop3A_591[%parallel_loop3A_592, %parallel_loop3A_593] {strides = array<i32>} : memref<64x128xf32, #tpu.memory_space<vmem>>, vector<1x16xf32>,
      %parallel_loop3A_595 = vector.shape_cast %parallel_loop3A_594 : vector<1x16xf32> to vector<16xf32>
      %parallel_loop3A_596 = arith.subf %parallel_loop3A_587, %parallel_loop3A_595 : vector<16xf32>
      %parallel_loop3A_597 = arith.mulf %parallel_loop3A_596, %parallel_loop3A_596 : vector<16xf32>
      %parallel_loop3A_598 = arith.addf %parallel_loop3A_464, %parallel_loop3A_597 : vector<16xf32>
      %parallel_loop3A_599 = arith.constant 0 : i32
      %parallel_loop3A_600 = arith.constant 0 : i32
      %parallel_loop3A_601 = tpu.memref_slice %arg7[%parallel_loop3A_224, %parallel_loop3A_599, %parallel_loop3A_600] : memref<3x64x128xf32, #tpu.memory_space<vmem>> -> memref<1x64x128xf32, #tpu.memory_space<vmem>>
      %parallel_loop3A_602 = tpu.memref_squeeze %parallel_loop3A_601 : memref<1x64x128xf32, #tpu.memory_space<vmem>> -> memref<64x128xf32, #tpu.memory_space<vmem>>
      %parallel_loop3A_603 = arith.index_cast %parallel_loop3A_457 : i32 to index
      %parallel_loop3A_604 = arith.constant 112 : index
      %parallel_loop3A_605 = tpu.vector_load %parallel_loop3A_602[%parallel_loop3A_603, %parallel_loop3A_604] {strides = array<i32>} : memref<64x128xf32, #tpu.memory_space<vmem>>, vector<1x16xf32>,
      %parallel_loop3A_606 = vector.shape_cast %parallel_loop3A_605 : vector<1x16xf32> to vector<16xf32>
      %parallel_loop3A_607 = arith.constant 0 : i32
      %parallel_loop3A_608 = arith.constant 0 : i32
      %parallel_loop3A_609 = tpu.memref_slice %arg8[%parallel_loop3A_225, %parallel_loop3A_607, %parallel_loop3A_608] : memref<3x64x128xf32, #tpu.memory_space<vmem>> -> memref<1x64x128xf32, #tpu.memory_space<vmem>>
      %parallel_loop3A_610 = tpu.memref_squeeze %parallel_loop3A_609 : memref<1x64x128xf32, #tpu.memory_space<vmem>> -> memref<64x128xf32, #tpu.memory_space<vmem>>
      %parallel_loop3A_611 = arith.index_cast %parallel_loop3A_457 : i32 to index
      %parallel_loop3A_612 = arith.constant 112 : index
      %parallel_loop3A_613 = tpu.vector_load %parallel_loop3A_610[%parallel_loop3A_611, %parallel_loop3A_612] {strides = array<i32>} : memref<64x128xf32, #tpu.memory_space<vmem>>, vector<1x16xf32>,
      %parallel_loop3A_614 = vector.shape_cast %parallel_loop3A_613 : vector<1x16xf32> to vector<16xf32>
      %parallel_loop3A_615 = arith.subf %parallel_loop3A_606, %parallel_loop3A_614 : vector<16xf32>
      %parallel_loop3A_616 = arith.mulf %parallel_loop3A_615, %parallel_loop3A_615 : vector<16xf32>
      %parallel_loop3A_617 = arith.addf %parallel_loop3A_465, %parallel_loop3A_616 : vector<16xf32>
      scf.yield %parallel_loop3A_484, %parallel_loop3A_503, %parallel_loop3A_522, %parallel_loop3A_541, %parallel_loop3A_560, %parallel_loop3A_579, %parallel_loop3A_598, %parallel_loop3A_617 : vector<16xf32>, vector<16xf32>, vector<16xf32>, vector<16xf32>, vector<16xf32>, vector<16xf32>, vector<16xf32>, vector<16xf32>
    } {sc.loop_unroll_factor = 4 : i64, sc.parallel_access}
    %add3A_227 = arith.constant 320 : i32
    %add3A_228 = arith.addi %mul3A_2, %add3A_227 : i32
    %dma_start3A_229 = arith.constant 2 : i32
    %dma_start3A_230 = arith.constant 0 : i32
    %dma_start3A_231 = arith.constant 0 : i32
    %dma_start3A_232 = tpu.memref_slice %arg7[%dma_start3A_229, %dma_start3A_230, %dma_start3A_231] : memref<3x64x128xf32, #tpu.memory_space<vmem>> -> memref<1x64x128xf32, #tpu.memory_space<vmem>>
    %dma_start3A_233 = tpu.memref_squeeze %dma_start3A_232 : memref<1x64x128xf32, #tpu.memory_space<vmem>> -> memref<64x128xf32, #tpu.memory_space<vmem>>
    %dma_start3A_234 = arith.constant 0 : i32
    %dma_start3A_235 = tpu.memref_slice %arg2[%add3A_228, %dma_start3A_234] : memref<16384x128xf32, #tpu.memory_space<hbm>> -> memref<64x128xf32, #tpu.memory_space<hbm>>
    %dma_start3A_236 = arith.constant 0 : i32
    %dma_start3A_237 = arith.constant 0 : i32
    %dma_start3A_238 = tpu.memref_slice %arg7[%dma_start3A_229, %dma_start3A_236, %dma_start3A_237] : memref<3x64x128xf32, #tpu.memory_space<vmem>> -> memref<1x64x128xf32, #tpu.memory_space<vmem>>
    %dma_start3A_239 = tpu.memref_squeeze %dma_start3A_238 : memref<1x64x128xf32, #tpu.memory_space<vmem>> -> memref<64x128xf32, #tpu.memory_space<vmem>>
    %dma_start3A_240 = arith.constant 0 : i32
    %dma_start3A_241 = tpu.memref_slice %arg2[%add3A_228, %dma_start3A_240] : memref<16384x128xf32, #tpu.memory_space<hbm>> -> memref<64x128xf32, #tpu.memory_space<hbm>>
    tpu.enqueue_dma source(%dma_start3A_241 : memref<64x128xf32, #tpu.memory_space<hbm>>) target(%dma_start3A_239 : memref<64x128xf32, #tpu.memory_space<vmem>>) target_semaphore(%arg12 : memref<!tpu.dma_semaphore, #tpu.memory_space<semaphore_mem>>)
    %dma_start3A_242 = arith.constant 2 : i32
    %dma_start3A_243 = arith.constant 0 : i32
    %dma_start3A_244 = arith.constant 0 : i32
    %dma_start3A_245 = tpu.memref_slice %arg8[%dma_start3A_242, %dma_start3A_243, %dma_start3A_244] : memref<3x64x128xf32, #tpu.memory_space<vmem>> -> memref<1x64x128xf32, #tpu.memory_space<vmem>>
    %dma_start3A_246 = tpu.memref_squeeze %dma_start3A_245 : memref<1x64x128xf32, #tpu.memory_space<vmem>> -> memref<64x128xf32, #tpu.memory_space<vmem>>
    %dma_start3A_247 = arith.constant 320 : i32
    %dma_start3A_248 = tpu.memref_slice %arg6[%dma_start3A_247] : memref<512xi32, #tpu.memory_space<vmem>> -> memref<64xi32, #tpu.memory_space<vmem>>
    %dma_start3A_249 = arith.constant 0 : i32
    %dma_start3A_250 = arith.constant 0 : i32
    %dma_start3A_251 = tpu.memref_slice %arg4[%dma_start3A_249, %dma_start3A_250] : memref<100000x128xf32, #tpu.memory_space<hbm>> -> memref<100000x128xf32, #tpu.memory_space<hbm>>
    tpu.enqueue_indirect_dma source(%dma_start3A_251 : memref<100000x128xf32, #tpu.memory_space<hbm>>) target(%dma_start3A_246 : memref<64x128xf32, #tpu.memory_space<vmem>>) offsets(%dma_start3A_248 : memref<64xi32, #tpu.memory_space<vmem>>) semaphore(%arg15 : memref<!tpu.dma_semaphore, #tpu.memory_space<semaphore_mem>>)
    %dma_wait3A_252 = arith.constant 0 : i32
    %dma_wait3A_253 = arith.constant 0 : i32
    %dma_wait3A_254 = arith.constant 0 : i32
    %dma_wait3A_255 = tpu.memref_slice %arg7[%dma_wait3A_252, %dma_wait3A_253, %dma_wait3A_254] : memref<3x64x128xf32, #tpu.memory_space<vmem>> -> memref<1x64x128xf32, #tpu.memory_space<vmem>>
    %dma_wait3A_256 = tpu.memref_squeeze %dma_wait3A_255 : memref<1x64x128xf32, #tpu.memory_space<vmem>> -> memref<64x128xf32, #tpu.memory_space<vmem>>
    %dma_wait3A_257 = arith.constant 0 : i32
    %dma_wait3A_258 = tpu.memref_slice %arg2[%add3A_120, %dma_wait3A_257] : memref<16384x128xf32, #tpu.memory_space<hbm>> -> memref<64x128xf32, #tpu.memory_space<hbm>>
    %dma_wait3A_259 = arith.constant 0 : i32
    %dma_wait3A_260 = arith.constant 0 : i32
    %dma_wait3A_261 = tpu.memref_slice %arg7[%dma_wait3A_252, %dma_wait3A_259, %dma_wait3A_260] : memref<3x64x128xf32, #tpu.memory_space<vmem>> -> memref<1x64x128xf32, #tpu.memory_space<vmem>>
    %dma_wait3A_262 = tpu.memref_squeeze %dma_wait3A_261 : memref<1x64x128xf32, #tpu.memory_space<vmem>> -> memref<64x128xf32, #tpu.memory_space<vmem>>
    %dma_wait3A_263 = arith.constant 0 : i32
    %dma_wait3A_264 = tpu.memref_slice %arg2[%add3A_120, %dma_wait3A_263] : memref<16384x128xf32, #tpu.memory_space<hbm>> -> memref<64x128xf32, #tpu.memory_space<hbm>>
    tpu.wait_dma2 semaphore(%arg10 : memref<!tpu.dma_semaphore, #tpu.memory_space<semaphore_mem>>) src(%dma_wait3A_264 : memref<64x128xf32, #tpu.memory_space<hbm>>) dst(%dma_wait3A_262 : memref<64x128xf32, #tpu.memory_space<vmem>>)
    %dma_wait3A_265 = arith.constant 0 : i32
    %dma_wait3A_266 = arith.constant 0 : i32
    %dma_wait3A_267 = arith.constant 0 : i32
    %dma_wait3A_268 = tpu.memref_slice %arg8[%dma_wait3A_265, %dma_wait3A_266, %dma_wait3A_267] : memref<3x64x128xf32, #tpu.memory_space<vmem>> -> memref<1x64x128xf32, #tpu.memory_space<vmem>>
    %dma_wait3A_269 = tpu.memref_squeeze %dma_wait3A_268 : memref<1x64x128xf32, #tpu.memory_space<vmem>> -> memref<64x128xf32, #tpu.memory_space<vmem>>
    %dma_wait3A_270 = arith.constant 192 : i32
    %dma_wait3A_271 = tpu.memref_slice %arg6[%dma_wait3A_270] : memref<512xi32, #tpu.memory_space<vmem>> -> memref<64xi32, #tpu.memory_space<vmem>>
    %dma_wait3A_272 = arith.constant 0 : i32
    %dma_wait3A_273 = arith.constant 0 : i32
    %dma_wait3A_274 = tpu.memref_slice %arg4[%dma_wait3A_272, %dma_wait3A_273] : memref<100000x128xf32, #tpu.memory_space<hbm>> -> memref<100000x128xf32, #tpu.memory_space<hbm>>
    tpu.wait_indirect_dma semaphore(%arg13 : memref<!tpu.dma_semaphore, #tpu.memory_space<semaphore_mem>>) src(%dma_wait3A_274 : memref<100000x128xf32, #tpu.memory_space<hbm>>) dst(%dma_wait3A_269 : memref<64x128xf32, #tpu.memory_space<vmem>>)
    %parallel_loop3A_275 = arith.constant 0 : i32
    %parallel_loop3A_276 = arith.constant 64 : i32
    %parallel_loop3A_277 = arith.constant 1 : i32
    %parallel_loop3A_278 = arith.constant 0 : i32
    %parallel_loop3A_279 = arith.constant 0 : i32
    %parallel_loop3A_280:8 = scf.for %parallel_loop3A_457 = %parallel_loop3A_275 to %parallel_loop3A_276 step %parallel_loop3A_277 iter_args(%parallel_loop3A_458 = %parallel_loop3A_226#0, %parallel_loop3A_459 = %parallel_loop3A_226#1, %parallel_loop3A_460 = %parallel_loop3A_226#2, %parallel_loop3A_461 = %parallel_loop3A_226#3, %parallel_loop3A_462 = %parallel_loop3A_226#4, %parallel_loop3A_463 = %parallel_loop3A_226#5, %parallel_loop3A_464 = %parallel_loop3A_226#6, %parallel_loop3A_465 = %parallel_loop3A_226#7) -> (vector<16xf32>, vector<16xf32>, vector<16xf32>, vector<16xf32>, vector<16xf32>, vector<16xf32>, vector<16xf32>, vector<16xf32>)  : i32 {
      %parallel_loop3A_466 = arith.constant 0 : i32
      %parallel_loop3A_467 = arith.constant 0 : i32
      %parallel_loop3A_468 = tpu.memref_slice %arg7[%parallel_loop3A_278, %parallel_loop3A_466, %parallel_loop3A_467] : memref<3x64x128xf32, #tpu.memory_space<vmem>> -> memref<1x64x128xf32, #tpu.memory_space<vmem>>
      %parallel_loop3A_469 = tpu.memref_squeeze %parallel_loop3A_468 : memref<1x64x128xf32, #tpu.memory_space<vmem>> -> memref<64x128xf32, #tpu.memory_space<vmem>>
      %parallel_loop3A_470 = arith.index_cast %parallel_loop3A_457 : i32 to index
      %parallel_loop3A_471 = arith.constant 0 : index
      %parallel_loop3A_472 = tpu.vector_load %parallel_loop3A_469[%parallel_loop3A_470, %parallel_loop3A_471] {strides = array<i32>} : memref<64x128xf32, #tpu.memory_space<vmem>>, vector<1x16xf32>,
      %parallel_loop3A_473 = vector.shape_cast %parallel_loop3A_472 : vector<1x16xf32> to vector<16xf32>
      %parallel_loop3A_474 = arith.constant 0 : i32
      %parallel_loop3A_475 = arith.constant 0 : i32
      %parallel_loop3A_476 = tpu.memref_slice %arg8[%parallel_loop3A_279, %parallel_loop3A_474, %parallel_loop3A_475] : memref<3x64x128xf32, #tpu.memory_space<vmem>> -> memref<1x64x128xf32, #tpu.memory_space<vmem>>
      %parallel_loop3A_477 = tpu.memref_squeeze %parallel_loop3A_476 : memref<1x64x128xf32, #tpu.memory_space<vmem>> -> memref<64x128xf32, #tpu.memory_space<vmem>>
      %parallel_loop3A_478 = arith.index_cast %parallel_loop3A_457 : i32 to index
      %parallel_loop3A_479 = arith.constant 0 : index
      %parallel_loop3A_480 = tpu.vector_load %parallel_loop3A_477[%parallel_loop3A_478, %parallel_loop3A_479] {strides = array<i32>} : memref<64x128xf32, #tpu.memory_space<vmem>>, vector<1x16xf32>,
      %parallel_loop3A_481 = vector.shape_cast %parallel_loop3A_480 : vector<1x16xf32> to vector<16xf32>
      %parallel_loop3A_482 = arith.subf %parallel_loop3A_473, %parallel_loop3A_481 : vector<16xf32>
      %parallel_loop3A_483 = arith.mulf %parallel_loop3A_482, %parallel_loop3A_482 : vector<16xf32>
      %parallel_loop3A_484 = arith.addf %parallel_loop3A_458, %parallel_loop3A_483 : vector<16xf32>
      %parallel_loop3A_485 = arith.constant 0 : i32
      %parallel_loop3A_486 = arith.constant 0 : i32
      %parallel_loop3A_487 = tpu.memref_slice %arg7[%parallel_loop3A_278, %parallel_loop3A_485, %parallel_loop3A_486] : memref<3x64x128xf32, #tpu.memory_space<vmem>> -> memref<1x64x128xf32, #tpu.memory_space<vmem>>
      %parallel_loop3A_488 = tpu.memref_squeeze %parallel_loop3A_487 : memref<1x64x128xf32, #tpu.memory_space<vmem>> -> memref<64x128xf32, #tpu.memory_space<vmem>>
      %parallel_loop3A_489 = arith.index_cast %parallel_loop3A_457 : i32 to index
      %parallel_loop3A_490 = arith.constant 16 : index
      %parallel_loop3A_491 = tpu.vector_load %parallel_loop3A_488[%parallel_loop3A_489, %parallel_loop3A_490] {strides = array<i32>} : memref<64x128xf32, #tpu.memory_space<vmem>>, vector<1x16xf32>,
      %parallel_loop3A_492 = vector.shape_cast %parallel_loop3A_491 : vector<1x16xf32> to vector<16xf32>
      %parallel_loop3A_493 = arith.constant 0 : i32
      %parallel_loop3A_494 = arith.constant 0 : i32
      %parallel_loop3A_495 = tpu.memref_slice %arg8[%parallel_loop3A_279, %parallel_loop3A_493, %parallel_loop3A_494] : memref<3x64x128xf32, #tpu.memory_space<vmem>> -> memref<1x64x128xf32, #tpu.memory_space<vmem>>
      %parallel_loop3A_496 = tpu.memref_squeeze %parallel_loop3A_495 : memref<1x64x128xf32, #tpu.memory_space<vmem>> -> memref<64x128xf32, #tpu.memory_space<vmem>>
      %parallel_loop3A_497 = arith.index_cast %parallel_loop3A_457 : i32 to index
      %parallel_loop3A_498 = arith.constant 16 : index
      %parallel_loop3A_499 = tpu.vector_load %parallel_loop3A_496[%parallel_loop3A_497, %parallel_loop3A_498] {strides = array<i32>} : memref<64x128xf32, #tpu.memory_space<vmem>>, vector<1x16xf32>,
      %parallel_loop3A_500 = vector.shape_cast %parallel_loop3A_499 : vector<1x16xf32> to vector<16xf32>
      %parallel_loop3A_501 = arith.subf %parallel_loop3A_492, %parallel_loop3A_500 : vector<16xf32>
      %parallel_loop3A_502 = arith.mulf %parallel_loop3A_501, %parallel_loop3A_501 : vector<16xf32>
      %parallel_loop3A_503 = arith.addf %parallel_loop3A_459, %parallel_loop3A_502 : vector<16xf32>
      %parallel_loop3A_504 = arith.constant 0 : i32
      %parallel_loop3A_505 = arith.constant 0 : i32
      %parallel_loop3A_506 = tpu.memref_slice %arg7[%parallel_loop3A_278, %parallel_loop3A_504, %parallel_loop3A_505] : memref<3x64x128xf32, #tpu.memory_space<vmem>> -> memref<1x64x128xf32, #tpu.memory_space<vmem>>
      %parallel_loop3A_507 = tpu.memref_squeeze %parallel_loop3A_506 : memref<1x64x128xf32, #tpu.memory_space<vmem>> -> memref<64x128xf32, #tpu.memory_space<vmem>>
      %parallel_loop3A_508 = arith.index_cast %parallel_loop3A_457 : i32 to index
      %parallel_loop3A_509 = arith.constant 32 : index
      %parallel_loop3A_510 = tpu.vector_load %parallel_loop3A_507[%parallel_loop3A_508, %parallel_loop3A_509] {strides = array<i32>} : memref<64x128xf32, #tpu.memory_space<vmem>>, vector<1x16xf32>,
      %parallel_loop3A_511 = vector.shape_cast %parallel_loop3A_510 : vector<1x16xf32> to vector<16xf32>
      %parallel_loop3A_512 = arith.constant 0 : i32
      %parallel_loop3A_513 = arith.constant 0 : i32
      %parallel_loop3A_514 = tpu.memref_slice %arg8[%parallel_loop3A_279, %parallel_loop3A_512, %parallel_loop3A_513] : memref<3x64x128xf32, #tpu.memory_space<vmem>> -> memref<1x64x128xf32, #tpu.memory_space<vmem>>
      %parallel_loop3A_515 = tpu.memref_squeeze %parallel_loop3A_514 : memref<1x64x128xf32, #tpu.memory_space<vmem>> -> memref<64x128xf32, #tpu.memory_space<vmem>>
      %parallel_loop3A_516 = arith.index_cast %parallel_loop3A_457 : i32 to index
      %parallel_loop3A_517 = arith.constant 32 : index
      %parallel_loop3A_518 = tpu.vector_load %parallel_loop3A_515[%parallel_loop3A_516, %parallel_loop3A_517] {strides = array<i32>} : memref<64x128xf32, #tpu.memory_space<vmem>>, vector<1x16xf32>,
      %parallel_loop3A_519 = vector.shape_cast %parallel_loop3A_518 : vector<1x16xf32> to vector<16xf32>
      %parallel_loop3A_520 = arith.subf %parallel_loop3A_511, %parallel_loop3A_519 : vector<16xf32>
      %parallel_loop3A_521 = arith.mulf %parallel_loop3A_520, %parallel_loop3A_520 : vector<16xf32>
      %parallel_loop3A_522 = arith.addf %parallel_loop3A_460, %parallel_loop3A_521 : vector<16xf32>
      %parallel_loop3A_523 = arith.constant 0 : i32
      %parallel_loop3A_524 = arith.constant 0 : i32
      %parallel_loop3A_525 = tpu.memref_slice %arg7[%parallel_loop3A_278, %parallel_loop3A_523, %parallel_loop3A_524] : memref<3x64x128xf32, #tpu.memory_space<vmem>> -> memref<1x64x128xf32, #tpu.memory_space<vmem>>
      %parallel_loop3A_526 = tpu.memref_squeeze %parallel_loop3A_525 : memref<1x64x128xf32, #tpu.memory_space<vmem>> -> memref<64x128xf32, #tpu.memory_space<vmem>>
      %parallel_loop3A_527 = arith.index_cast %parallel_loop3A_457 : i32 to index
      %parallel_loop3A_528 = arith.constant 48 : index
      %parallel_loop3A_529 = tpu.vector_load %parallel_loop3A_526[%parallel_loop3A_527, %parallel_loop3A_528] {strides = array<i32>} : memref<64x128xf32, #tpu.memory_space<vmem>>, vector<1x16xf32>,
      %parallel_loop3A_530 = vector.shape_cast %parallel_loop3A_529 : vector<1x16xf32> to vector<16xf32>
      %parallel_loop3A_531 = arith.constant 0 : i32
      %parallel_loop3A_532 = arith.constant 0 : i32
      %parallel_loop3A_533 = tpu.memref_slice %arg8[%parallel_loop3A_279, %parallel_loop3A_531, %parallel_loop3A_532] : memref<3x64x128xf32, #tpu.memory_space<vmem>> -> memref<1x64x128xf32, #tpu.memory_space<vmem>>
      %parallel_loop3A_534 = tpu.memref_squeeze %parallel_loop3A_533 : memref<1x64x128xf32, #tpu.memory_space<vmem>> -> memref<64x128xf32, #tpu.memory_space<vmem>>
      %parallel_loop3A_535 = arith.index_cast %parallel_loop3A_457 : i32 to index
      %parallel_loop3A_536 = arith.constant 48 : index
      %parallel_loop3A_537 = tpu.vector_load %parallel_loop3A_534[%parallel_loop3A_535, %parallel_loop3A_536] {strides = array<i32>} : memref<64x128xf32, #tpu.memory_space<vmem>>, vector<1x16xf32>,
      %parallel_loop3A_538 = vector.shape_cast %parallel_loop3A_537 : vector<1x16xf32> to vector<16xf32>
      %parallel_loop3A_539 = arith.subf %parallel_loop3A_530, %parallel_loop3A_538 : vector<16xf32>
      %parallel_loop3A_540 = arith.mulf %parallel_loop3A_539, %parallel_loop3A_539 : vector<16xf32>
      %parallel_loop3A_541 = arith.addf %parallel_loop3A_461, %parallel_loop3A_540 : vector<16xf32>
      %parallel_loop3A_542 = arith.constant 0 : i32
      %parallel_loop3A_543 = arith.constant 0 : i32
      %parallel_loop3A_544 = tpu.memref_slice %arg7[%parallel_loop3A_278, %parallel_loop3A_542, %parallel_loop3A_543] : memref<3x64x128xf32, #tpu.memory_space<vmem>> -> memref<1x64x128xf32, #tpu.memory_space<vmem>>
      %parallel_loop3A_545 = tpu.memref_squeeze %parallel_loop3A_544 : memref<1x64x128xf32, #tpu.memory_space<vmem>> -> memref<64x128xf32, #tpu.memory_space<vmem>>
      %parallel_loop3A_546 = arith.index_cast %parallel_loop3A_457 : i32 to index
      %parallel_loop3A_547 = arith.constant 64 : index
      %parallel_loop3A_548 = tpu.vector_load %parallel_loop3A_545[%parallel_loop3A_546, %parallel_loop3A_547] {strides = array<i32>} : memref<64x128xf32, #tpu.memory_space<vmem>>, vector<1x16xf32>,
      %parallel_loop3A_549 = vector.shape_cast %parallel_loop3A_548 : vector<1x16xf32> to vector<16xf32>
      %parallel_loop3A_550 = arith.constant 0 : i32
      %parallel_loop3A_551 = arith.constant 0 : i32
      %parallel_loop3A_552 = tpu.memref_slice %arg8[%parallel_loop3A_279, %parallel_loop3A_550, %parallel_loop3A_551] : memref<3x64x128xf32, #tpu.memory_space<vmem>> -> memref<1x64x128xf32, #tpu.memory_space<vmem>>
      %parallel_loop3A_553 = tpu.memref_squeeze %parallel_loop3A_552 : memref<1x64x128xf32, #tpu.memory_space<vmem>> -> memref<64x128xf32, #tpu.memory_space<vmem>>
      %parallel_loop3A_554 = arith.index_cast %parallel_loop3A_457 : i32 to index
      %parallel_loop3A_555 = arith.constant 64 : index
      %parallel_loop3A_556 = tpu.vector_load %parallel_loop3A_553[%parallel_loop3A_554, %parallel_loop3A_555] {strides = array<i32>} : memref<64x128xf32, #tpu.memory_space<vmem>>, vector<1x16xf32>,
      %parallel_loop3A_557 = vector.shape_cast %parallel_loop3A_556 : vector<1x16xf32> to vector<16xf32>
      %parallel_loop3A_558 = arith.subf %parallel_loop3A_549, %parallel_loop3A_557 : vector<16xf32>
      %parallel_loop3A_559 = arith.mulf %parallel_loop3A_558, %parallel_loop3A_558 : vector<16xf32>
      %parallel_loop3A_560 = arith.addf %parallel_loop3A_462, %parallel_loop3A_559 : vector<16xf32>
      %parallel_loop3A_561 = arith.constant 0 : i32
      %parallel_loop3A_562 = arith.constant 0 : i32
      %parallel_loop3A_563 = tpu.memref_slice %arg7[%parallel_loop3A_278, %parallel_loop3A_561, %parallel_loop3A_562] : memref<3x64x128xf32, #tpu.memory_space<vmem>> -> memref<1x64x128xf32, #tpu.memory_space<vmem>>
      %parallel_loop3A_564 = tpu.memref_squeeze %parallel_loop3A_563 : memref<1x64x128xf32, #tpu.memory_space<vmem>> -> memref<64x128xf32, #tpu.memory_space<vmem>>
      %parallel_loop3A_565 = arith.index_cast %parallel_loop3A_457 : i32 to index
      %parallel_loop3A_566 = arith.constant 80 : index
      %parallel_loop3A_567 = tpu.vector_load %parallel_loop3A_564[%parallel_loop3A_565, %parallel_loop3A_566] {strides = array<i32>} : memref<64x128xf32, #tpu.memory_space<vmem>>, vector<1x16xf32>,
      %parallel_loop3A_568 = vector.shape_cast %parallel_loop3A_567 : vector<1x16xf32> to vector<16xf32>
      %parallel_loop3A_569 = arith.constant 0 : i32
      %parallel_loop3A_570 = arith.constant 0 : i32
      %parallel_loop3A_571 = tpu.memref_slice %arg8[%parallel_loop3A_279, %parallel_loop3A_569, %parallel_loop3A_570] : memref<3x64x128xf32, #tpu.memory_space<vmem>> -> memref<1x64x128xf32, #tpu.memory_space<vmem>>
      %parallel_loop3A_572 = tpu.memref_squeeze %parallel_loop3A_571 : memref<1x64x128xf32, #tpu.memory_space<vmem>> -> memref<64x128xf32, #tpu.memory_space<vmem>>
      %parallel_loop3A_573 = arith.index_cast %parallel_loop3A_457 : i32 to index
      %parallel_loop3A_574 = arith.constant 80 : index
      %parallel_loop3A_575 = tpu.vector_load %parallel_loop3A_572[%parallel_loop3A_573, %parallel_loop3A_574] {strides = array<i32>} : memref<64x128xf32, #tpu.memory_space<vmem>>, vector<1x16xf32>,
      %parallel_loop3A_576 = vector.shape_cast %parallel_loop3A_575 : vector<1x16xf32> to vector<16xf32>
      %parallel_loop3A_577 = arith.subf %parallel_loop3A_568, %parallel_loop3A_576 : vector<16xf32>
      %parallel_loop3A_578 = arith.mulf %parallel_loop3A_577, %parallel_loop3A_577 : vector<16xf32>
      %parallel_loop3A_579 = arith.addf %parallel_loop3A_463, %parallel_loop3A_578 : vector<16xf32>
      %parallel_loop3A_580 = arith.constant 0 : i32
      %parallel_loop3A_581 = arith.constant 0 : i32
      %parallel_loop3A_582 = tpu.memref_slice %arg7[%parallel_loop3A_278, %parallel_loop3A_580, %parallel_loop3A_581] : memref<3x64x128xf32, #tpu.memory_space<vmem>> -> memref<1x64x128xf32, #tpu.memory_space<vmem>>
      %parallel_loop3A_583 = tpu.memref_squeeze %parallel_loop3A_582 : memref<1x64x128xf32, #tpu.memory_space<vmem>> -> memref<64x128xf32, #tpu.memory_space<vmem>>
      %parallel_loop3A_584 = arith.index_cast %parallel_loop3A_457 : i32 to index
      %parallel_loop3A_585 = arith.constant 96 : index
      %parallel_loop3A_586 = tpu.vector_load %parallel_loop3A_583[%parallel_loop3A_584, %parallel_loop3A_585] {strides = array<i32>} : memref<64x128xf32, #tpu.memory_space<vmem>>, vector<1x16xf32>,
      %parallel_loop3A_587 = vector.shape_cast %parallel_loop3A_586 : vector<1x16xf32> to vector<16xf32>
      %parallel_loop3A_588 = arith.constant 0 : i32
      %parallel_loop3A_589 = arith.constant 0 : i32
      %parallel_loop3A_590 = tpu.memref_slice %arg8[%parallel_loop3A_279, %parallel_loop3A_588, %parallel_loop3A_589] : memref<3x64x128xf32, #tpu.memory_space<vmem>> -> memref<1x64x128xf32, #tpu.memory_space<vmem>>
      %parallel_loop3A_591 = tpu.memref_squeeze %parallel_loop3A_590 : memref<1x64x128xf32, #tpu.memory_space<vmem>> -> memref<64x128xf32, #tpu.memory_space<vmem>>
      %parallel_loop3A_592 = arith.index_cast %parallel_loop3A_457 : i32 to index
      %parallel_loop3A_593 = arith.constant 96 : index
      %parallel_loop3A_594 = tpu.vector_load %parallel_loop3A_591[%parallel_loop3A_592, %parallel_loop3A_593] {strides = array<i32>} : memref<64x128xf32, #tpu.memory_space<vmem>>, vector<1x16xf32>,
      %parallel_loop3A_595 = vector.shape_cast %parallel_loop3A_594 : vector<1x16xf32> to vector<16xf32>
      %parallel_loop3A_596 = arith.subf %parallel_loop3A_587, %parallel_loop3A_595 : vector<16xf32>
      %parallel_loop3A_597 = arith.mulf %parallel_loop3A_596, %parallel_loop3A_596 : vector<16xf32>
      %parallel_loop3A_598 = arith.addf %parallel_loop3A_464, %parallel_loop3A_597 : vector<16xf32>
      %parallel_loop3A_599 = arith.constant 0 : i32
      %parallel_loop3A_600 = arith.constant 0 : i32
      %parallel_loop3A_601 = tpu.memref_slice %arg7[%parallel_loop3A_278, %parallel_loop3A_599, %parallel_loop3A_600] : memref<3x64x128xf32, #tpu.memory_space<vmem>> -> memref<1x64x128xf32, #tpu.memory_space<vmem>>
      %parallel_loop3A_602 = tpu.memref_squeeze %parallel_loop3A_601 : memref<1x64x128xf32, #tpu.memory_space<vmem>> -> memref<64x128xf32, #tpu.memory_space<vmem>>
      %parallel_loop3A_603 = arith.index_cast %parallel_loop3A_457 : i32 to index
      %parallel_loop3A_604 = arith.constant 112 : index
      %parallel_loop3A_605 = tpu.vector_load %parallel_loop3A_602[%parallel_loop3A_603, %parallel_loop3A_604] {strides = array<i32>} : memref<64x128xf32, #tpu.memory_space<vmem>>, vector<1x16xf32>,
      %parallel_loop3A_606 = vector.shape_cast %parallel_loop3A_605 : vector<1x16xf32> to vector<16xf32>
      %parallel_loop3A_607 = arith.constant 0 : i32
      %parallel_loop3A_608 = arith.constant 0 : i32
      %parallel_loop3A_609 = tpu.memref_slice %arg8[%parallel_loop3A_279, %parallel_loop3A_607, %parallel_loop3A_608] : memref<3x64x128xf32, #tpu.memory_space<vmem>> -> memref<1x64x128xf32, #tpu.memory_space<vmem>>
      %parallel_loop3A_610 = tpu.memref_squeeze %parallel_loop3A_609 : memref<1x64x128xf32, #tpu.memory_space<vmem>> -> memref<64x128xf32, #tpu.memory_space<vmem>>
      %parallel_loop3A_611 = arith.index_cast %parallel_loop3A_457 : i32 to index
      %parallel_loop3A_612 = arith.constant 112 : index
      %parallel_loop3A_613 = tpu.vector_load %parallel_loop3A_610[%parallel_loop3A_611, %parallel_loop3A_612] {strides = array<i32>} : memref<64x128xf32, #tpu.memory_space<vmem>>, vector<1x16xf32>,
      %parallel_loop3A_614 = vector.shape_cast %parallel_loop3A_613 : vector<1x16xf32> to vector<16xf32>
      %parallel_loop3A_615 = arith.subf %parallel_loop3A_606, %parallel_loop3A_614 : vector<16xf32>
      %parallel_loop3A_616 = arith.mulf %parallel_loop3A_615, %parallel_loop3A_615 : vector<16xf32>
      %parallel_loop3A_617 = arith.addf %parallel_loop3A_465, %parallel_loop3A_616 : vector<16xf32>
      scf.yield %parallel_loop3A_484, %parallel_loop3A_503, %parallel_loop3A_522, %parallel_loop3A_541, %parallel_loop3A_560, %parallel_loop3A_579, %parallel_loop3A_598, %parallel_loop3A_617 : vector<16xf32>, vector<16xf32>, vector<16xf32>, vector<16xf32>, vector<16xf32>, vector<16xf32>, vector<16xf32>, vector<16xf32>
    } {sc.loop_unroll_factor = 4 : i64, sc.parallel_access}
    %add3A_281 = arith.constant 384 : i32
    %add3A_282 = arith.addi %mul3A_2, %add3A_281 : i32
    %dma_start3A_283 = arith.constant 0 : i32
    %dma_start3A_284 = arith.constant 0 : i32
    %dma_start3A_285 = arith.constant 0 : i32
    %dma_start3A_286 = tpu.memref_slice %arg7[%dma_start3A_283, %dma_start3A_284, %dma_start3A_285] : memref<3x64x128xf32, #tpu.memory_space<vmem>> -> memref<1x64x128xf32, #tpu.memory_space<vmem>>
    %dma_start3A_287 = tpu.memref_squeeze %dma_start3A_286 : memref<1x64x128xf32, #tpu.memory_space<vmem>> -> memref<64x128xf32, #tpu.memory_space<vmem>>
    %dma_start3A_288 = arith.constant 0 : i32
    %dma_start3A_289 = tpu.memref_slice %arg2[%add3A_282, %dma_start3A_288] : memref<16384x128xf32, #tpu.memory_space<hbm>> -> memref<64x128xf32, #tpu.memory_space<hbm>>
    %dma_start3A_290 = arith.constant 0 : i32
    %dma_start3A_291 = arith.constant 0 : i32
    %dma_start3A_292 = tpu.memref_slice %arg7[%dma_start3A_283, %dma_start3A_290, %dma_start3A_291] : memref<3x64x128xf32, #tpu.memory_space<vmem>> -> memref<1x64x128xf32, #tpu.memory_space<vmem>>
    %dma_start3A_293 = tpu.memref_squeeze %dma_start3A_292 : memref<1x64x128xf32, #tpu.memory_space<vmem>> -> memref<64x128xf32, #tpu.memory_space<vmem>>
    %dma_start3A_294 = arith.constant 0 : i32
    %dma_start3A_295 = tpu.memref_slice %arg2[%add3A_282, %dma_start3A_294] : memref<16384x128xf32, #tpu.memory_space<hbm>> -> memref<64x128xf32, #tpu.memory_space<hbm>>
    tpu.enqueue_dma source(%dma_start3A_295 : memref<64x128xf32, #tpu.memory_space<hbm>>) target(%dma_start3A_293 : memref<64x128xf32, #tpu.memory_space<vmem>>) target_semaphore(%arg10 : memref<!tpu.dma_semaphore, #tpu.memory_space<semaphore_mem>>)
    %dma_start3A_296 = arith.constant 0 : i32
    %dma_start3A_297 = arith.constant 0 : i32
    %dma_start3A_298 = arith.constant 0 : i32
    %dma_start3A_299 = tpu.memref_slice %arg8[%dma_start3A_296, %dma_start3A_297, %dma_start3A_298] : memref<3x64x128xf32, #tpu.memory_space<vmem>> -> memref<1x64x128xf32, #tpu.memory_space<vmem>>
    %dma_start3A_300 = tpu.memref_squeeze %dma_start3A_299 : memref<1x64x128xf32, #tpu.memory_space<vmem>> -> memref<64x128xf32, #tpu.memory_space<vmem>>
    %dma_start3A_301 = arith.constant 384 : i32
    %dma_start3A_302 = tpu.memref_slice %arg6[%dma_start3A_301] : memref<512xi32, #tpu.memory_space<vmem>> -> memref<64xi32, #tpu.memory_space<vmem>>
    %dma_start3A_303 = arith.constant 0 : i32
    %dma_start3A_304 = arith.constant 0 : i32
    %dma_start3A_305 = tpu.memref_slice %arg4[%dma_start3A_303, %dma_start3A_304] : memref<100000x128xf32, #tpu.memory_space<hbm>> -> memref<100000x128xf32, #tpu.memory_space<hbm>>
    tpu.enqueue_indirect_dma source(%dma_start3A_305 : memref<100000x128xf32, #tpu.memory_space<hbm>>) target(%dma_start3A_300 : memref<64x128xf32, #tpu.memory_space<vmem>>) offsets(%dma_start3A_302 : memref<64xi32, #tpu.memory_space<vmem>>) semaphore(%arg13 : memref<!tpu.dma_semaphore, #tpu.memory_space<semaphore_mem>>)
    %dma_wait3A_306 = arith.constant 1 : i32
    %dma_wait3A_307 = arith.constant 0 : i32
    %dma_wait3A_308 = arith.constant 0 : i32
    %dma_wait3A_309 = tpu.memref_slice %arg7[%dma_wait3A_306, %dma_wait3A_307, %dma_wait3A_308] : memref<3x64x128xf32, #tpu.memory_space<vmem>> -> memref<1x64x128xf32, #tpu.memory_space<vmem>>
    %dma_wait3A_310 = tpu.memref_squeeze %dma_wait3A_309 : memref<1x64x128xf32, #tpu.memory_space<vmem>> -> memref<64x128xf32, #tpu.memory_space<vmem>>
    %dma_wait3A_311 = arith.constant 0 : i32
    %dma_wait3A_312 = tpu.memref_slice %arg2[%add3A_174, %dma_wait3A_311] : memref<16384x128xf32, #tpu.memory_space<hbm>> -> memref<64x128xf32, #tpu.memory_space<hbm>>
    %dma_wait3A_313 = arith.constant 0 : i32
    %dma_wait3A_314 = arith.constant 0 : i32
    %dma_wait3A_315 = tpu.memref_slice %arg7[%dma_wait3A_306, %dma_wait3A_313, %dma_wait3A_314] : memref<3x64x128xf32, #tpu.memory_space<vmem>> -> memref<1x64x128xf32, #tpu.memory_space<vmem>>
    %dma_wait3A_316 = tpu.memref_squeeze %dma_wait3A_315 : memref<1x64x128xf32, #tpu.memory_space<vmem>> -> memref<64x128xf32, #tpu.memory_space<vmem>>
    %dma_wait3A_317 = arith.constant 0 : i32
    %dma_wait3A_318 = tpu.memref_slice %arg2[%add3A_174, %dma_wait3A_317] : memref<16384x128xf32, #tpu.memory_space<hbm>> -> memref<64x128xf32, #tpu.memory_space<hbm>>
    tpu.wait_dma2 semaphore(%arg11 : memref<!tpu.dma_semaphore, #tpu.memory_space<semaphore_mem>>) src(%dma_wait3A_318 : memref<64x128xf32, #tpu.memory_space<hbm>>) dst(%dma_wait3A_316 : memref<64x128xf32, #tpu.memory_space<vmem>>)
    %dma_wait3A_319 = arith.constant 1 : i32
    %dma_wait3A_320 = arith.constant 0 : i32
    %dma_wait3A_321 = arith.constant 0 : i32
    %dma_wait3A_322 = tpu.memref_slice %arg8[%dma_wait3A_319, %dma_wait3A_320, %dma_wait3A_321] : memref<3x64x128xf32, #tpu.memory_space<vmem>> -> memref<1x64x128xf32, #tpu.memory_space<vmem>>
    %dma_wait3A_323 = tpu.memref_squeeze %dma_wait3A_322 : memref<1x64x128xf32, #tpu.memory_space<vmem>> -> memref<64x128xf32, #tpu.memory_space<vmem>>
    %dma_wait3A_324 = arith.constant 256 : i32
    %dma_wait3A_325 = tpu.memref_slice %arg6[%dma_wait3A_324] : memref<512xi32, #tpu.memory_space<vmem>> -> memref<64xi32, #tpu.memory_space<vmem>>
    %dma_wait3A_326 = arith.constant 0 : i32
    %dma_wait3A_327 = arith.constant 0 : i32
    %dma_wait3A_328 = tpu.memref_slice %arg4[%dma_wait3A_326, %dma_wait3A_327] : memref<100000x128xf32, #tpu.memory_space<hbm>> -> memref<100000x128xf32, #tpu.memory_space<hbm>>
    tpu.wait_indirect_dma semaphore(%arg14 : memref<!tpu.dma_semaphore, #tpu.memory_space<semaphore_mem>>) src(%dma_wait3A_328 : memref<100000x128xf32, #tpu.memory_space<hbm>>) dst(%dma_wait3A_323 : memref<64x128xf32, #tpu.memory_space<vmem>>)
    %parallel_loop3A_329 = arith.constant 0 : i32
    %parallel_loop3A_330 = arith.constant 64 : i32
    %parallel_loop3A_331 = arith.constant 1 : i32
    %parallel_loop3A_332 = arith.constant 1 : i32
    %parallel_loop3A_333 = arith.constant 1 : i32
    %parallel_loop3A_334:8 = scf.for %parallel_loop3A_457 = %parallel_loop3A_329 to %parallel_loop3A_330 step %parallel_loop3A_331 iter_args(%parallel_loop3A_458 = %parallel_loop3A_280#0, %parallel_loop3A_459 = %parallel_loop3A_280#1, %parallel_loop3A_460 = %parallel_loop3A_280#2, %parallel_loop3A_461 = %parallel_loop3A_280#3, %parallel_loop3A_462 = %parallel_loop3A_280#4, %parallel_loop3A_463 = %parallel_loop3A_280#5, %parallel_loop3A_464 = %parallel_loop3A_280#6, %parallel_loop3A_465 = %parallel_loop3A_280#7) -> (vector<16xf32>, vector<16xf32>, vector<16xf32>, vector<16xf32>, vector<16xf32>, vector<16xf32>, vector<16xf32>, vector<16xf32>)  : i32 {
      %parallel_loop3A_466 = arith.constant 0 : i32
      %parallel_loop3A_467 = arith.constant 0 : i32
      %parallel_loop3A_468 = tpu.memref_slice %arg7[%parallel_loop3A_332, %parallel_loop3A_466, %parallel_loop3A_467] : memref<3x64x128xf32, #tpu.memory_space<vmem>> -> memref<1x64x128xf32, #tpu.memory_space<vmem>>
      %parallel_loop3A_469 = tpu.memref_squeeze %parallel_loop3A_468 : memref<1x64x128xf32, #tpu.memory_space<vmem>> -> memref<64x128xf32, #tpu.memory_space<vmem>>
      %parallel_loop3A_470 = arith.index_cast %parallel_loop3A_457 : i32 to index
      %parallel_loop3A_471 = arith.constant 0 : index
      %parallel_loop3A_472 = tpu.vector_load %parallel_loop3A_469[%parallel_loop3A_470, %parallel_loop3A_471] {strides = array<i32>} : memref<64x128xf32, #tpu.memory_space<vmem>>, vector<1x16xf32>,
      %parallel_loop3A_473 = vector.shape_cast %parallel_loop3A_472 : vector<1x16xf32> to vector<16xf32>
      %parallel_loop3A_474 = arith.constant 0 : i32
      %parallel_loop3A_475 = arith.constant 0 : i32
      %parallel_loop3A_476 = tpu.memref_slice %arg8[%parallel_loop3A_333, %parallel_loop3A_474, %parallel_loop3A_475] : memref<3x64x128xf32, #tpu.memory_space<vmem>> -> memref<1x64x128xf32, #tpu.memory_space<vmem>>
      %parallel_loop3A_477 = tpu.memref_squeeze %parallel_loop3A_476 : memref<1x64x128xf32, #tpu.memory_space<vmem>> -> memref<64x128xf32, #tpu.memory_space<vmem>>
      %parallel_loop3A_478 = arith.index_cast %parallel_loop3A_457 : i32 to index
      %parallel_loop3A_479 = arith.constant 0 : index
      %parallel_loop3A_480 = tpu.vector_load %parallel_loop3A_477[%parallel_loop3A_478, %parallel_loop3A_479] {strides = array<i32>} : memref<64x128xf32, #tpu.memory_space<vmem>>, vector<1x16xf32>,
      %parallel_loop3A_481 = vector.shape_cast %parallel_loop3A_480 : vector<1x16xf32> to vector<16xf32>
      %parallel_loop3A_482 = arith.subf %parallel_loop3A_473, %parallel_loop3A_481 : vector<16xf32>
      %parallel_loop3A_483 = arith.mulf %parallel_loop3A_482, %parallel_loop3A_482 : vector<16xf32>
      %parallel_loop3A_484 = arith.addf %parallel_loop3A_458, %parallel_loop3A_483 : vector<16xf32>
      %parallel_loop3A_485 = arith.constant 0 : i32
      %parallel_loop3A_486 = arith.constant 0 : i32
      %parallel_loop3A_487 = tpu.memref_slice %arg7[%parallel_loop3A_332, %parallel_loop3A_485, %parallel_loop3A_486] : memref<3x64x128xf32, #tpu.memory_space<vmem>> -> memref<1x64x128xf32, #tpu.memory_space<vmem>>
      %parallel_loop3A_488 = tpu.memref_squeeze %parallel_loop3A_487 : memref<1x64x128xf32, #tpu.memory_space<vmem>> -> memref<64x128xf32, #tpu.memory_space<vmem>>
      %parallel_loop3A_489 = arith.index_cast %parallel_loop3A_457 : i32 to index
      %parallel_loop3A_490 = arith.constant 16 : index
      %parallel_loop3A_491 = tpu.vector_load %parallel_loop3A_488[%parallel_loop3A_489, %parallel_loop3A_490] {strides = array<i32>} : memref<64x128xf32, #tpu.memory_space<vmem>>, vector<1x16xf32>,
      %parallel_loop3A_492 = vector.shape_cast %parallel_loop3A_491 : vector<1x16xf32> to vector<16xf32>
      %parallel_loop3A_493 = arith.constant 0 : i32
      %parallel_loop3A_494 = arith.constant 0 : i32
      %parallel_loop3A_495 = tpu.memref_slice %arg8[%parallel_loop3A_333, %parallel_loop3A_493, %parallel_loop3A_494] : memref<3x64x128xf32, #tpu.memory_space<vmem>> -> memref<1x64x128xf32, #tpu.memory_space<vmem>>
      %parallel_loop3A_496 = tpu.memref_squeeze %parallel_loop3A_495 : memref<1x64x128xf32, #tpu.memory_space<vmem>> -> memref<64x128xf32, #tpu.memory_space<vmem>>
      %parallel_loop3A_497 = arith.index_cast %parallel_loop3A_457 : i32 to index
      %parallel_loop3A_498 = arith.constant 16 : index
      %parallel_loop3A_499 = tpu.vector_load %parallel_loop3A_496[%parallel_loop3A_497, %parallel_loop3A_498] {strides = array<i32>} : memref<64x128xf32, #tpu.memory_space<vmem>>, vector<1x16xf32>,
      %parallel_loop3A_500 = vector.shape_cast %parallel_loop3A_499 : vector<1x16xf32> to vector<16xf32>
      %parallel_loop3A_501 = arith.subf %parallel_loop3A_492, %parallel_loop3A_500 : vector<16xf32>
      %parallel_loop3A_502 = arith.mulf %parallel_loop3A_501, %parallel_loop3A_501 : vector<16xf32>
      %parallel_loop3A_503 = arith.addf %parallel_loop3A_459, %parallel_loop3A_502 : vector<16xf32>
      %parallel_loop3A_504 = arith.constant 0 : i32
      %parallel_loop3A_505 = arith.constant 0 : i32
      %parallel_loop3A_506 = tpu.memref_slice %arg7[%parallel_loop3A_332, %parallel_loop3A_504, %parallel_loop3A_505] : memref<3x64x128xf32, #tpu.memory_space<vmem>> -> memref<1x64x128xf32, #tpu.memory_space<vmem>>
      %parallel_loop3A_507 = tpu.memref_squeeze %parallel_loop3A_506 : memref<1x64x128xf32, #tpu.memory_space<vmem>> -> memref<64x128xf32, #tpu.memory_space<vmem>>
      %parallel_loop3A_508 = arith.index_cast %parallel_loop3A_457 : i32 to index
      %parallel_loop3A_509 = arith.constant 32 : index
      %parallel_loop3A_510 = tpu.vector_load %parallel_loop3A_507[%parallel_loop3A_508, %parallel_loop3A_509] {strides = array<i32>} : memref<64x128xf32, #tpu.memory_space<vmem>>, vector<1x16xf32>,
      %parallel_loop3A_511 = vector.shape_cast %parallel_loop3A_510 : vector<1x16xf32> to vector<16xf32>
      %parallel_loop3A_512 = arith.constant 0 : i32
      %parallel_loop3A_513 = arith.constant 0 : i32
      %parallel_loop3A_514 = tpu.memref_slice %arg8[%parallel_loop3A_333, %parallel_loop3A_512, %parallel_loop3A_513] : memref<3x64x128xf32, #tpu.memory_space<vmem>> -> memref<1x64x128xf32, #tpu.memory_space<vmem>>
      %parallel_loop3A_515 = tpu.memref_squeeze %parallel_loop3A_514 : memref<1x64x128xf32, #tpu.memory_space<vmem>> -> memref<64x128xf32, #tpu.memory_space<vmem>>
      %parallel_loop3A_516 = arith.index_cast %parallel_loop3A_457 : i32 to index
      %parallel_loop3A_517 = arith.constant 32 : index
      %parallel_loop3A_518 = tpu.vector_load %parallel_loop3A_515[%parallel_loop3A_516, %parallel_loop3A_517] {strides = array<i32>} : memref<64x128xf32, #tpu.memory_space<vmem>>, vector<1x16xf32>,
      %parallel_loop3A_519 = vector.shape_cast %parallel_loop3A_518 : vector<1x16xf32> to vector<16xf32>
      %parallel_loop3A_520 = arith.subf %parallel_loop3A_511, %parallel_loop3A_519 : vector<16xf32>
      %parallel_loop3A_521 = arith.mulf %parallel_loop3A_520, %parallel_loop3A_520 : vector<16xf32>
      %parallel_loop3A_522 = arith.addf %parallel_loop3A_460, %parallel_loop3A_521 : vector<16xf32>
      %parallel_loop3A_523 = arith.constant 0 : i32
      %parallel_loop3A_524 = arith.constant 0 : i32
      %parallel_loop3A_525 = tpu.memref_slice %arg7[%parallel_loop3A_332, %parallel_loop3A_523, %parallel_loop3A_524] : memref<3x64x128xf32, #tpu.memory_space<vmem>> -> memref<1x64x128xf32, #tpu.memory_space<vmem>>
      %parallel_loop3A_526 = tpu.memref_squeeze %parallel_loop3A_525 : memref<1x64x128xf32, #tpu.memory_space<vmem>> -> memref<64x128xf32, #tpu.memory_space<vmem>>
      %parallel_loop3A_527 = arith.index_cast %parallel_loop3A_457 : i32 to index
      %parallel_loop3A_528 = arith.constant 48 : index
      %parallel_loop3A_529 = tpu.vector_load %parallel_loop3A_526[%parallel_loop3A_527, %parallel_loop3A_528] {strides = array<i32>} : memref<64x128xf32, #tpu.memory_space<vmem>>, vector<1x16xf32>,
      %parallel_loop3A_530 = vector.shape_cast %parallel_loop3A_529 : vector<1x16xf32> to vector<16xf32>
      %parallel_loop3A_531 = arith.constant 0 : i32
      %parallel_loop3A_532 = arith.constant 0 : i32
      %parallel_loop3A_533 = tpu.memref_slice %arg8[%parallel_loop3A_333, %parallel_loop3A_531, %parallel_loop3A_532] : memref<3x64x128xf32, #tpu.memory_space<vmem>> -> memref<1x64x128xf32, #tpu.memory_space<vmem>>
      %parallel_loop3A_534 = tpu.memref_squeeze %parallel_loop3A_533 : memref<1x64x128xf32, #tpu.memory_space<vmem>> -> memref<64x128xf32, #tpu.memory_space<vmem>>
      %parallel_loop3A_535 = arith.index_cast %parallel_loop3A_457 : i32 to index
      %parallel_loop3A_536 = arith.constant 48 : index
      %parallel_loop3A_537 = tpu.vector_load %parallel_loop3A_534[%parallel_loop3A_535, %parallel_loop3A_536] {strides = array<i32>} : memref<64x128xf32, #tpu.memory_space<vmem>>, vector<1x16xf32>,
      %parallel_loop3A_538 = vector.shape_cast %parallel_loop3A_537 : vector<1x16xf32> to vector<16xf32>
      %parallel_loop3A_539 = arith.subf %parallel_loop3A_530, %parallel_loop3A_538 : vector<16xf32>
      %parallel_loop3A_540 = arith.mulf %parallel_loop3A_539, %parallel_loop3A_539 : vector<16xf32>
      %parallel_loop3A_541 = arith.addf %parallel_loop3A_461, %parallel_loop3A_540 : vector<16xf32>
      %parallel_loop3A_542 = arith.constant 0 : i32
      %parallel_loop3A_543 = arith.constant 0 : i32
      %parallel_loop3A_544 = tpu.memref_slice %arg7[%parallel_loop3A_332, %parallel_loop3A_542, %parallel_loop3A_543] : memref<3x64x128xf32, #tpu.memory_space<vmem>> -> memref<1x64x128xf32, #tpu.memory_space<vmem>>
      %parallel_loop3A_545 = tpu.memref_squeeze %parallel_loop3A_544 : memref<1x64x128xf32, #tpu.memory_space<vmem>> -> memref<64x128xf32, #tpu.memory_space<vmem>>
      %parallel_loop3A_546 = arith.index_cast %parallel_loop3A_457 : i32 to index
      %parallel_loop3A_547 = arith.constant 64 : index
      %parallel_loop3A_548 = tpu.vector_load %parallel_loop3A_545[%parallel_loop3A_546, %parallel_loop3A_547] {strides = array<i32>} : memref<64x128xf32, #tpu.memory_space<vmem>>, vector<1x16xf32>,
      %parallel_loop3A_549 = vector.shape_cast %parallel_loop3A_548 : vector<1x16xf32> to vector<16xf32>
      %parallel_loop3A_550 = arith.constant 0 : i32
      %parallel_loop3A_551 = arith.constant 0 : i32
      %parallel_loop3A_552 = tpu.memref_slice %arg8[%parallel_loop3A_333, %parallel_loop3A_550, %parallel_loop3A_551] : memref<3x64x128xf32, #tpu.memory_space<vmem>> -> memref<1x64x128xf32, #tpu.memory_space<vmem>>
      %parallel_loop3A_553 = tpu.memref_squeeze %parallel_loop3A_552 : memref<1x64x128xf32, #tpu.memory_space<vmem>> -> memref<64x128xf32, #tpu.memory_space<vmem>>
      %parallel_loop3A_554 = arith.index_cast %parallel_loop3A_457 : i32 to index
      %parallel_loop3A_555 = arith.constant 64 : index
      %parallel_loop3A_556 = tpu.vector_load %parallel_loop3A_553[%parallel_loop3A_554, %parallel_loop3A_555] {strides = array<i32>} : memref<64x128xf32, #tpu.memory_space<vmem>>, vector<1x16xf32>,
      %parallel_loop3A_557 = vector.shape_cast %parallel_loop3A_556 : vector<1x16xf32> to vector<16xf32>
      %parallel_loop3A_558 = arith.subf %parallel_loop3A_549, %parallel_loop3A_557 : vector<16xf32>
      %parallel_loop3A_559 = arith.mulf %parallel_loop3A_558, %parallel_loop3A_558 : vector<16xf32>
      %parallel_loop3A_560 = arith.addf %parallel_loop3A_462, %parallel_loop3A_559 : vector<16xf32>
      %parallel_loop3A_561 = arith.constant 0 : i32
      %parallel_loop3A_562 = arith.constant 0 : i32
      %parallel_loop3A_563 = tpu.memref_slice %arg7[%parallel_loop3A_332, %parallel_loop3A_561, %parallel_loop3A_562] : memref<3x64x128xf32, #tpu.memory_space<vmem>> -> memref<1x64x128xf32, #tpu.memory_space<vmem>>
      %parallel_loop3A_564 = tpu.memref_squeeze %parallel_loop3A_563 : memref<1x64x128xf32, #tpu.memory_space<vmem>> -> memref<64x128xf32, #tpu.memory_space<vmem>>
      %parallel_loop3A_565 = arith.index_cast %parallel_loop3A_457 : i32 to index
      %parallel_loop3A_566 = arith.constant 80 : index
      %parallel_loop3A_567 = tpu.vector_load %parallel_loop3A_564[%parallel_loop3A_565, %parallel_loop3A_566] {strides = array<i32>} : memref<64x128xf32, #tpu.memory_space<vmem>>, vector<1x16xf32>,
      %parallel_loop3A_568 = vector.shape_cast %parallel_loop3A_567 : vector<1x16xf32> to vector<16xf32>
      %parallel_loop3A_569 = arith.constant 0 : i32
      %parallel_loop3A_570 = arith.constant 0 : i32
      %parallel_loop3A_571 = tpu.memref_slice %arg8[%parallel_loop3A_333, %parallel_loop3A_569, %parallel_loop3A_570] : memref<3x64x128xf32, #tpu.memory_space<vmem>> -> memref<1x64x128xf32, #tpu.memory_space<vmem>>
      %parallel_loop3A_572 = tpu.memref_squeeze %parallel_loop3A_571 : memref<1x64x128xf32, #tpu.memory_space<vmem>> -> memref<64x128xf32, #tpu.memory_space<vmem>>
      %parallel_loop3A_573 = arith.index_cast %parallel_loop3A_457 : i32 to index
      %parallel_loop3A_574 = arith.constant 80 : index
      %parallel_loop3A_575 = tpu.vector_load %parallel_loop3A_572[%parallel_loop3A_573, %parallel_loop3A_574] {strides = array<i32>} : memref<64x128xf32, #tpu.memory_space<vmem>>, vector<1x16xf32>,
      %parallel_loop3A_576 = vector.shape_cast %parallel_loop3A_575 : vector<1x16xf32> to vector<16xf32>
      %parallel_loop3A_577 = arith.subf %parallel_loop3A_568, %parallel_loop3A_576 : vector<16xf32>
      %parallel_loop3A_578 = arith.mulf %parallel_loop3A_577, %parallel_loop3A_577 : vector<16xf32>
      %parallel_loop3A_579 = arith.addf %parallel_loop3A_463, %parallel_loop3A_578 : vector<16xf32>
      %parallel_loop3A_580 = arith.constant 0 : i32
      %parallel_loop3A_581 = arith.constant 0 : i32
      %parallel_loop3A_582 = tpu.memref_slice %arg7[%parallel_loop3A_332, %parallel_loop3A_580, %parallel_loop3A_581] : memref<3x64x128xf32, #tpu.memory_space<vmem>> -> memref<1x64x128xf32, #tpu.memory_space<vmem>>
      %parallel_loop3A_583 = tpu.memref_squeeze %parallel_loop3A_582 : memref<1x64x128xf32, #tpu.memory_space<vmem>> -> memref<64x128xf32, #tpu.memory_space<vmem>>
      %parallel_loop3A_584 = arith.index_cast %parallel_loop3A_457 : i32 to index
      %parallel_loop3A_585 = arith.constant 96 : index
      %parallel_loop3A_586 = tpu.vector_load %parallel_loop3A_583[%parallel_loop3A_584, %parallel_loop3A_585] {strides = array<i32>} : memref<64x128xf32, #tpu.memory_space<vmem>>, vector<1x16xf32>,
      %parallel_loop3A_587 = vector.shape_cast %parallel_loop3A_586 : vector<1x16xf32> to vector<16xf32>
      %parallel_loop3A_588 = arith.constant 0 : i32
      %parallel_loop3A_589 = arith.constant 0 : i32
      %parallel_loop3A_590 = tpu.memref_slice %arg8[%parallel_loop3A_333, %parallel_loop3A_588, %parallel_loop3A_589] : memref<3x64x128xf32, #tpu.memory_space<vmem>> -> memref<1x64x128xf32, #tpu.memory_space<vmem>>
      %parallel_loop3A_591 = tpu.memref_squeeze %parallel_loop3A_590 : memref<1x64x128xf32, #tpu.memory_space<vmem>> -> memref<64x128xf32, #tpu.memory_space<vmem>>
      %parallel_loop3A_592 = arith.index_cast %parallel_loop3A_457 : i32 to index
      %parallel_loop3A_593 = arith.constant 96 : index
      %parallel_loop3A_594 = tpu.vector_load %parallel_loop3A_591[%parallel_loop3A_592, %parallel_loop3A_593] {strides = array<i32>} : memref<64x128xf32, #tpu.memory_space<vmem>>, vector<1x16xf32>,
      %parallel_loop3A_595 = vector.shape_cast %parallel_loop3A_594 : vector<1x16xf32> to vector<16xf32>
      %parallel_loop3A_596 = arith.subf %parallel_loop3A_587, %parallel_loop3A_595 : vector<16xf32>
      %parallel_loop3A_597 = arith.mulf %parallel_loop3A_596, %parallel_loop3A_596 : vector<16xf32>
      %parallel_loop3A_598 = arith.addf %parallel_loop3A_464, %parallel_loop3A_597 : vector<16xf32>
      %parallel_loop3A_599 = arith.constant 0 : i32
      %parallel_loop3A_600 = arith.constant 0 : i32
      %parallel_loop3A_601 = tpu.memref_slice %arg7[%parallel_loop3A_332, %parallel_loop3A_599, %parallel_loop3A_600] : memref<3x64x128xf32, #tpu.memory_space<vmem>> -> memref<1x64x128xf32, #tpu.memory_space<vmem>>
      %parallel_loop3A_602 = tpu.memref_squeeze %parallel_loop3A_601 : memref<1x64x128xf32, #tpu.memory_space<vmem>> -> memref<64x128xf32, #tpu.memory_space<vmem>>
      %parallel_loop3A_603 = arith.index_cast %parallel_loop3A_457 : i32 to index
      %parallel_loop3A_604 = arith.constant 112 : index
      %parallel_loop3A_605 = tpu.vector_load %parallel_loop3A_602[%parallel_loop3A_603, %parallel_loop3A_604] {strides = array<i32>} : memref<64x128xf32, #tpu.memory_space<vmem>>, vector<1x16xf32>,
      %parallel_loop3A_606 = vector.shape_cast %parallel_loop3A_605 : vector<1x16xf32> to vector<16xf32>
      %parallel_loop3A_607 = arith.constant 0 : i32
      %parallel_loop3A_608 = arith.constant 0 : i32
      %parallel_loop3A_609 = tpu.memref_slice %arg8[%parallel_loop3A_333, %parallel_loop3A_607, %parallel_loop3A_608] : memref<3x64x128xf32, #tpu.memory_space<vmem>> -> memref<1x64x128xf32, #tpu.memory_space<vmem>>
      %parallel_loop3A_610 = tpu.memref_squeeze %parallel_loop3A_609 : memref<1x64x128xf32, #tpu.memory_space<vmem>> -> memref<64x128xf32, #tpu.memory_space<vmem>>
      %parallel_loop3A_611 = arith.index_cast %parallel_loop3A_457 : i32 to index
      %parallel_loop3A_612 = arith.constant 112 : index
      %parallel_loop3A_613 = tpu.vector_load %parallel_loop3A_610[%parallel_loop3A_611, %parallel_loop3A_612] {strides = array<i32>} : memref<64x128xf32, #tpu.memory_space<vmem>>, vector<1x16xf32>,
      %parallel_loop3A_614 = vector.shape_cast %parallel_loop3A_613 : vector<1x16xf32> to vector<16xf32>
      %parallel_loop3A_615 = arith.subf %parallel_loop3A_606, %parallel_loop3A_614 : vector<16xf32>
      %parallel_loop3A_616 = arith.mulf %parallel_loop3A_615, %parallel_loop3A_615 : vector<16xf32>
      %parallel_loop3A_617 = arith.addf %parallel_loop3A_465, %parallel_loop3A_616 : vector<16xf32>
      scf.yield %parallel_loop3A_484, %parallel_loop3A_503, %parallel_loop3A_522, %parallel_loop3A_541, %parallel_loop3A_560, %parallel_loop3A_579, %parallel_loop3A_598, %parallel_loop3A_617 : vector<16xf32>, vector<16xf32>, vector<16xf32>, vector<16xf32>, vector<16xf32>, vector<16xf32>, vector<16xf32>, vector<16xf32>
    } {sc.loop_unroll_factor = 4 : i64, sc.parallel_access}
    %add3A_335 = arith.constant 448 : i32
    %add3A_336 = arith.addi %mul3A_2, %add3A_335 : i32
    %dma_start3A_337 = arith.constant 1 : i32
    %dma_start3A_338 = arith.constant 0 : i32
    %dma_start3A_339 = arith.constant 0 : i32
    %dma_start3A_340 = tpu.memref_slice %arg7[%dma_start3A_337, %dma_start3A_338, %dma_start3A_339] : memref<3x64x128xf32, #tpu.memory_space<vmem>> -> memref<1x64x128xf32, #tpu.memory_space<vmem>>
    %dma_start3A_341 = tpu.memref_squeeze %dma_start3A_340 : memref<1x64x128xf32, #tpu.memory_space<vmem>> -> memref<64x128xf32, #tpu.memory_space<vmem>>
    %dma_start3A_342 = arith.constant 0 : i32
    %dma_start3A_343 = tpu.memref_slice %arg2[%add3A_336, %dma_start3A_342] : memref<16384x128xf32, #tpu.memory_space<hbm>> -> memref<64x128xf32, #tpu.memory_space<hbm>>
    %dma_start3A_344 = arith.constant 0 : i32
    %dma_start3A_345 = arith.constant 0 : i32
    %dma_start3A_346 = tpu.memref_slice %arg7[%dma_start3A_337, %dma_start3A_344, %dma_start3A_345] : memref<3x64x128xf32, #tpu.memory_space<vmem>> -> memref<1x64x128xf32, #tpu.memory_space<vmem>>
    %dma_start3A_347 = tpu.memref_squeeze %dma_start3A_346 : memref<1x64x128xf32, #tpu.memory_space<vmem>> -> memref<64x128xf32, #tpu.memory_space<vmem>>
    %dma_start3A_348 = arith.constant 0 : i32
    %dma_start3A_349 = tpu.memref_slice %arg2[%add3A_336, %dma_start3A_348] : memref<16384x128xf32, #tpu.memory_space<hbm>> -> memref<64x128xf32, #tpu.memory_space<hbm>>
    tpu.enqueue_dma source(%dma_start3A_349 : memref<64x128xf32, #tpu.memory_space<hbm>>) target(%dma_start3A_347 : memref<64x128xf32, #tpu.memory_space<vmem>>) target_semaphore(%arg11 : memref<!tpu.dma_semaphore, #tpu.memory_space<semaphore_mem>>)
    %dma_start3A_350 = arith.constant 1 : i32
    %dma_start3A_351 = arith.constant 0 : i32
    %dma_start3A_352 = arith.constant 0 : i32
    %dma_start3A_353 = tpu.memref_slice %arg8[%dma_start3A_350, %dma_start3A_351, %dma_start3A_352] : memref<3x64x128xf32, #tpu.memory_space<vmem>> -> memref<1x64x128xf32, #tpu.memory_space<vmem>>
    %dma_start3A_354 = tpu.memref_squeeze %dma_start3A_353 : memref<1x64x128xf32, #tpu.memory_space<vmem>> -> memref<64x128xf32, #tpu.memory_space<vmem>>
    %dma_start3A_355 = arith.constant 448 : i32
    %dma_start3A_356 = tpu.memref_slice %arg6[%dma_start3A_355] : memref<512xi32, #tpu.memory_space<vmem>> -> memref<64xi32, #tpu.memory_space<vmem>>
    %dma_start3A_357 = arith.constant 0 : i32
    %dma_start3A_358 = arith.constant 0 : i32
    %dma_start3A_359 = tpu.memref_slice %arg4[%dma_start3A_357, %dma_start3A_358] : memref<100000x128xf32, #tpu.memory_space<hbm>> -> memref<100000x128xf32, #tpu.memory_space<hbm>>
    tpu.enqueue_indirect_dma source(%dma_start3A_359 : memref<100000x128xf32, #tpu.memory_space<hbm>>) target(%dma_start3A_354 : memref<64x128xf32, #tpu.memory_space<vmem>>) offsets(%dma_start3A_356 : memref<64xi32, #tpu.memory_space<vmem>>) semaphore(%arg14 : memref<!tpu.dma_semaphore, #tpu.memory_space<semaphore_mem>>)
    %dma_wait3A_360 = arith.constant 2 : i32
    %dma_wait3A_361 = arith.constant 0 : i32
    %dma_wait3A_362 = arith.constant 0 : i32
    %dma_wait3A_363 = tpu.memref_slice %arg7[%dma_wait3A_360, %dma_wait3A_361, %dma_wait3A_362] : memref<3x64x128xf32, #tpu.memory_space<vmem>> -> memref<1x64x128xf32, #tpu.memory_space<vmem>>
    %dma_wait3A_364 = tpu.memref_squeeze %dma_wait3A_363 : memref<1x64x128xf32, #tpu.memory_space<vmem>> -> memref<64x128xf32, #tpu.memory_space<vmem>>
    %dma_wait3A_365 = arith.constant 0 : i32
    %dma_wait3A_366 = tpu.memref_slice %arg2[%add3A_228, %dma_wait3A_365] : memref<16384x128xf32, #tpu.memory_space<hbm>> -> memref<64x128xf32, #tpu.memory_space<hbm>>
    %dma_wait3A_367 = arith.constant 0 : i32
    %dma_wait3A_368 = arith.constant 0 : i32
    %dma_wait3A_369 = tpu.memref_slice %arg7[%dma_wait3A_360, %dma_wait3A_367, %dma_wait3A_368] : memref<3x64x128xf32, #tpu.memory_space<vmem>> -> memref<1x64x128xf32, #tpu.memory_space<vmem>>
    %dma_wait3A_370 = tpu.memref_squeeze %dma_wait3A_369 : memref<1x64x128xf32, #tpu.memory_space<vmem>> -> memref<64x128xf32, #tpu.memory_space<vmem>>
    %dma_wait3A_371 = arith.constant 0 : i32
    %dma_wait3A_372 = tpu.memref_slice %arg2[%add3A_228, %dma_wait3A_371] : memref<16384x128xf32, #tpu.memory_space<hbm>> -> memref<64x128xf32, #tpu.memory_space<hbm>>
    tpu.wait_dma2 semaphore(%arg12 : memref<!tpu.dma_semaphore, #tpu.memory_space<semaphore_mem>>) src(%dma_wait3A_372 : memref<64x128xf32, #tpu.memory_space<hbm>>) dst(%dma_wait3A_370 : memref<64x128xf32, #tpu.memory_space<vmem>>)
    %dma_wait3A_373 = arith.constant 2 : i32
    %dma_wait3A_374 = arith.constant 0 : i32
    %dma_wait3A_375 = arith.constant 0 : i32
    %dma_wait3A_376 = tpu.memref_slice %arg8[%dma_wait3A_373, %dma_wait3A_374, %dma_wait3A_375] : memref<3x64x128xf32, #tpu.memory_space<vmem>> -> memref<1x64x128xf32, #tpu.memory_space<vmem>>
    %dma_wait3A_377 = tpu.memref_squeeze %dma_wait3A_376 : memref<1x64x128xf32, #tpu.memory_space<vmem>> -> memref<64x128xf32, #tpu.memory_space<vmem>>
    %dma_wait3A_378 = arith.constant 320 : i32
    %dma_wait3A_379 = tpu.memref_slice %arg6[%dma_wait3A_378] : memref<512xi32, #tpu.memory_space<vmem>> -> memref<64xi32, #tpu.memory_space<vmem>>
    %dma_wait3A_380 = arith.constant 0 : i32
    %dma_wait3A_381 = arith.constant 0 : i32
    %dma_wait3A_382 = tpu.memref_slice %arg4[%dma_wait3A_380, %dma_wait3A_381] : memref<100000x128xf32, #tpu.memory_space<hbm>> -> memref<100000x128xf32, #tpu.memory_space<hbm>>
    tpu.wait_indirect_dma semaphore(%arg15 : memref<!tpu.dma_semaphore, #tpu.memory_space<semaphore_mem>>) src(%dma_wait3A_382 : memref<100000x128xf32, #tpu.memory_space<hbm>>) dst(%dma_wait3A_377 : memref<64x128xf32, #tpu.memory_space<vmem>>)
    %parallel_loop3A_383 = arith.constant 0 : i32
    %parallel_loop3A_384 = arith.constant 64 : i32
    %parallel_loop3A_385 = arith.constant 1 : i32
    %parallel_loop3A_386 = arith.constant 2 : i32
    %parallel_loop3A_387 = arith.constant 2 : i32
    %parallel_loop3A_388:8 = scf.for %parallel_loop3A_457 = %parallel_loop3A_383 to %parallel_loop3A_384 step %parallel_loop3A_385 iter_args(%parallel_loop3A_458 = %parallel_loop3A_334#0, %parallel_loop3A_459 = %parallel_loop3A_334#1, %parallel_loop3A_460 = %parallel_loop3A_334#2, %parallel_loop3A_461 = %parallel_loop3A_334#3, %parallel_loop3A_462 = %parallel_loop3A_334#4, %parallel_loop3A_463 = %parallel_loop3A_334#5, %parallel_loop3A_464 = %parallel_loop3A_334#6, %parallel_loop3A_465 = %parallel_loop3A_334#7) -> (vector<16xf32>, vector<16xf32>, vector<16xf32>, vector<16xf32>, vector<16xf32>, vector<16xf32>, vector<16xf32>, vector<16xf32>)  : i32 {
      %parallel_loop3A_466 = arith.constant 0 : i32
      %parallel_loop3A_467 = arith.constant 0 : i32
      %parallel_loop3A_468 = tpu.memref_slice %arg7[%parallel_loop3A_386, %parallel_loop3A_466, %parallel_loop3A_467] : memref<3x64x128xf32, #tpu.memory_space<vmem>> -> memref<1x64x128xf32, #tpu.memory_space<vmem>>
      %parallel_loop3A_469 = tpu.memref_squeeze %parallel_loop3A_468 : memref<1x64x128xf32, #tpu.memory_space<vmem>> -> memref<64x128xf32, #tpu.memory_space<vmem>>
      %parallel_loop3A_470 = arith.index_cast %parallel_loop3A_457 : i32 to index
      %parallel_loop3A_471 = arith.constant 0 : index
      %parallel_loop3A_472 = tpu.vector_load %parallel_loop3A_469[%parallel_loop3A_470, %parallel_loop3A_471] {strides = array<i32>} : memref<64x128xf32, #tpu.memory_space<vmem>>, vector<1x16xf32>,
      %parallel_loop3A_473 = vector.shape_cast %parallel_loop3A_472 : vector<1x16xf32> to vector<16xf32>
      %parallel_loop3A_474 = arith.constant 0 : i32
      %parallel_loop3A_475 = arith.constant 0 : i32
      %parallel_loop3A_476 = tpu.memref_slice %arg8[%parallel_loop3A_387, %parallel_loop3A_474, %parallel_loop3A_475] : memref<3x64x128xf32, #tpu.memory_space<vmem>> -> memref<1x64x128xf32, #tpu.memory_space<vmem>>
      %parallel_loop3A_477 = tpu.memref_squeeze %parallel_loop3A_476 : memref<1x64x128xf32, #tpu.memory_space<vmem>> -> memref<64x128xf32, #tpu.memory_space<vmem>>
      %parallel_loop3A_478 = arith.index_cast %parallel_loop3A_457 : i32 to index
      %parallel_loop3A_479 = arith.constant 0 : index
      %parallel_loop3A_480 = tpu.vector_load %parallel_loop3A_477[%parallel_loop3A_478, %parallel_loop3A_479] {strides = array<i32>} : memref<64x128xf32, #tpu.memory_space<vmem>>, vector<1x16xf32>,
      %parallel_loop3A_481 = vector.shape_cast %parallel_loop3A_480 : vector<1x16xf32> to vector<16xf32>
      %parallel_loop3A_482 = arith.subf %parallel_loop3A_473, %parallel_loop3A_481 : vector<16xf32>
      %parallel_loop3A_483 = arith.mulf %parallel_loop3A_482, %parallel_loop3A_482 : vector<16xf32>
      %parallel_loop3A_484 = arith.addf %parallel_loop3A_458, %parallel_loop3A_483 : vector<16xf32>
      %parallel_loop3A_485 = arith.constant 0 : i32
      %parallel_loop3A_486 = arith.constant 0 : i32
      %parallel_loop3A_487 = tpu.memref_slice %arg7[%parallel_loop3A_386, %parallel_loop3A_485, %parallel_loop3A_486] : memref<3x64x128xf32, #tpu.memory_space<vmem>> -> memref<1x64x128xf32, #tpu.memory_space<vmem>>
      %parallel_loop3A_488 = tpu.memref_squeeze %parallel_loop3A_487 : memref<1x64x128xf32, #tpu.memory_space<vmem>> -> memref<64x128xf32, #tpu.memory_space<vmem>>
      %parallel_loop3A_489 = arith.index_cast %parallel_loop3A_457 : i32 to index
      %parallel_loop3A_490 = arith.constant 16 : index
      %parallel_loop3A_491 = tpu.vector_load %parallel_loop3A_488[%parallel_loop3A_489, %parallel_loop3A_490] {strides = array<i32>} : memref<64x128xf32, #tpu.memory_space<vmem>>, vector<1x16xf32>,
      %parallel_loop3A_492 = vector.shape_cast %parallel_loop3A_491 : vector<1x16xf32> to vector<16xf32>
      %parallel_loop3A_493 = arith.constant 0 : i32
      %parallel_loop3A_494 = arith.constant 0 : i32
      %parallel_loop3A_495 = tpu.memref_slice %arg8[%parallel_loop3A_387, %parallel_loop3A_493, %parallel_loop3A_494] : memref<3x64x128xf32, #tpu.memory_space<vmem>> -> memref<1x64x128xf32, #tpu.memory_space<vmem>>
      %parallel_loop3A_496 = tpu.memref_squeeze %parallel_loop3A_495 : memref<1x64x128xf32, #tpu.memory_space<vmem>> -> memref<64x128xf32, #tpu.memory_space<vmem>>
      %parallel_loop3A_497 = arith.index_cast %parallel_loop3A_457 : i32 to index
      %parallel_loop3A_498 = arith.constant 16 : index
      %parallel_loop3A_499 = tpu.vector_load %parallel_loop3A_496[%parallel_loop3A_497, %parallel_loop3A_498] {strides = array<i32>} : memref<64x128xf32, #tpu.memory_space<vmem>>, vector<1x16xf32>,
      %parallel_loop3A_500 = vector.shape_cast %parallel_loop3A_499 : vector<1x16xf32> to vector<16xf32>
      %parallel_loop3A_501 = arith.subf %parallel_loop3A_492, %parallel_loop3A_500 : vector<16xf32>
      %parallel_loop3A_502 = arith.mulf %parallel_loop3A_501, %parallel_loop3A_501 : vector<16xf32>
      %parallel_loop3A_503 = arith.addf %parallel_loop3A_459, %parallel_loop3A_502 : vector<16xf32>
      %parallel_loop3A_504 = arith.constant 0 : i32
      %parallel_loop3A_505 = arith.constant 0 : i32
      %parallel_loop3A_506 = tpu.memref_slice %arg7[%parallel_loop3A_386, %parallel_loop3A_504, %parallel_loop3A_505] : memref<3x64x128xf32, #tpu.memory_space<vmem>> -> memref<1x64x128xf32, #tpu.memory_space<vmem>>
      %parallel_loop3A_507 = tpu.memref_squeeze %parallel_loop3A_506 : memref<1x64x128xf32, #tpu.memory_space<vmem>> -> memref<64x128xf32, #tpu.memory_space<vmem>>
      %parallel_loop3A_508 = arith.index_cast %parallel_loop3A_457 : i32 to index
      %parallel_loop3A_509 = arith.constant 32 : index
      %parallel_loop3A_510 = tpu.vector_load %parallel_loop3A_507[%parallel_loop3A_508, %parallel_loop3A_509] {strides = array<i32>} : memref<64x128xf32, #tpu.memory_space<vmem>>, vector<1x16xf32>,
      %parallel_loop3A_511 = vector.shape_cast %parallel_loop3A_510 : vector<1x16xf32> to vector<16xf32>
      %parallel_loop3A_512 = arith.constant 0 : i32
      %parallel_loop3A_513 = arith.constant 0 : i32
      %parallel_loop3A_514 = tpu.memref_slice %arg8[%parallel_loop3A_387, %parallel_loop3A_512, %parallel_loop3A_513] : memref<3x64x128xf32, #tpu.memory_space<vmem>> -> memref<1x64x128xf32, #tpu.memory_space<vmem>>
      %parallel_loop3A_515 = tpu.memref_squeeze %parallel_loop3A_514 : memref<1x64x128xf32, #tpu.memory_space<vmem>> -> memref<64x128xf32, #tpu.memory_space<vmem>>
      %parallel_loop3A_516 = arith.index_cast %parallel_loop3A_457 : i32 to index
      %parallel_loop3A_517 = arith.constant 32 : index
      %parallel_loop3A_518 = tpu.vector_load %parallel_loop3A_515[%parallel_loop3A_516, %parallel_loop3A_517] {strides = array<i32>} : memref<64x128xf32, #tpu.memory_space<vmem>>, vector<1x16xf32>,
      %parallel_loop3A_519 = vector.shape_cast %parallel_loop3A_518 : vector<1x16xf32> to vector<16xf32>
      %parallel_loop3A_520 = arith.subf %parallel_loop3A_511, %parallel_loop3A_519 : vector<16xf32>
      %parallel_loop3A_521 = arith.mulf %parallel_loop3A_520, %parallel_loop3A_520 : vector<16xf32>
      %parallel_loop3A_522 = arith.addf %parallel_loop3A_460, %parallel_loop3A_521 : vector<16xf32>
      %parallel_loop3A_523 = arith.constant 0 : i32
      %parallel_loop3A_524 = arith.constant 0 : i32
      %parallel_loop3A_525 = tpu.memref_slice %arg7[%parallel_loop3A_386, %parallel_loop3A_523, %parallel_loop3A_524] : memref<3x64x128xf32, #tpu.memory_space<vmem>> -> memref<1x64x128xf32, #tpu.memory_space<vmem>>
      %parallel_loop3A_526 = tpu.memref_squeeze %parallel_loop3A_525 : memref<1x64x128xf32, #tpu.memory_space<vmem>> -> memref<64x128xf32, #tpu.memory_space<vmem>>
      %parallel_loop3A_527 = arith.index_cast %parallel_loop3A_457 : i32 to index
      %parallel_loop3A_528 = arith.constant 48 : index
      %parallel_loop3A_529 = tpu.vector_load %parallel_loop3A_526[%parallel_loop3A_527, %parallel_loop3A_528] {strides = array<i32>} : memref<64x128xf32, #tpu.memory_space<vmem>>, vector<1x16xf32>,
      %parallel_loop3A_530 = vector.shape_cast %parallel_loop3A_529 : vector<1x16xf32> to vector<16xf32>
      %parallel_loop3A_531 = arith.constant 0 : i32
      %parallel_loop3A_532 = arith.constant 0 : i32
      %parallel_loop3A_533 = tpu.memref_slice %arg8[%parallel_loop3A_387, %parallel_loop3A_531, %parallel_loop3A_532] : memref<3x64x128xf32, #tpu.memory_space<vmem>> -> memref<1x64x128xf32, #tpu.memory_space<vmem>>
      %parallel_loop3A_534 = tpu.memref_squeeze %parallel_loop3A_533 : memref<1x64x128xf32, #tpu.memory_space<vmem>> -> memref<64x128xf32, #tpu.memory_space<vmem>>
      %parallel_loop3A_535 = arith.index_cast %parallel_loop3A_457 : i32 to index
      %parallel_loop3A_536 = arith.constant 48 : index
      %parallel_loop3A_537 = tpu.vector_load %parallel_loop3A_534[%parallel_loop3A_535, %parallel_loop3A_536] {strides = array<i32>} : memref<64x128xf32, #tpu.memory_space<vmem>>, vector<1x16xf32>,
      %parallel_loop3A_538 = vector.shape_cast %parallel_loop3A_537 : vector<1x16xf32> to vector<16xf32>
      %parallel_loop3A_539 = arith.subf %parallel_loop3A_530, %parallel_loop3A_538 : vector<16xf32>
      %parallel_loop3A_540 = arith.mulf %parallel_loop3A_539, %parallel_loop3A_539 : vector<16xf32>
      %parallel_loop3A_541 = arith.addf %parallel_loop3A_461, %parallel_loop3A_540 : vector<16xf32>
      %parallel_loop3A_542 = arith.constant 0 : i32
      %parallel_loop3A_543 = arith.constant 0 : i32
      %parallel_loop3A_544 = tpu.memref_slice %arg7[%parallel_loop3A_386, %parallel_loop3A_542, %parallel_loop3A_543] : memref<3x64x128xf32, #tpu.memory_space<vmem>> -> memref<1x64x128xf32, #tpu.memory_space<vmem>>
      %parallel_loop3A_545 = tpu.memref_squeeze %parallel_loop3A_544 : memref<1x64x128xf32, #tpu.memory_space<vmem>> -> memref<64x128xf32, #tpu.memory_space<vmem>>
      %parallel_loop3A_546 = arith.index_cast %parallel_loop3A_457 : i32 to index
      %parallel_loop3A_547 = arith.constant 64 : index
      %parallel_loop3A_548 = tpu.vector_load %parallel_loop3A_545[%parallel_loop3A_546, %parallel_loop3A_547] {strides = array<i32>} : memref<64x128xf32, #tpu.memory_space<vmem>>, vector<1x16xf32>,
      %parallel_loop3A_549 = vector.shape_cast %parallel_loop3A_548 : vector<1x16xf32> to vector<16xf32>
      %parallel_loop3A_550 = arith.constant 0 : i32
      %parallel_loop3A_551 = arith.constant 0 : i32
      %parallel_loop3A_552 = tpu.memref_slice %arg8[%parallel_loop3A_387, %parallel_loop3A_550, %parallel_loop3A_551] : memref<3x64x128xf32, #tpu.memory_space<vmem>> -> memref<1x64x128xf32, #tpu.memory_space<vmem>>
      %parallel_loop3A_553 = tpu.memref_squeeze %parallel_loop3A_552 : memref<1x64x128xf32, #tpu.memory_space<vmem>> -> memref<64x128xf32, #tpu.memory_space<vmem>>
      %parallel_loop3A_554 = arith.index_cast %parallel_loop3A_457 : i32 to index
      %parallel_loop3A_555 = arith.constant 64 : index
      %parallel_loop3A_556 = tpu.vector_load %parallel_loop3A_553[%parallel_loop3A_554, %parallel_loop3A_555] {strides = array<i32>} : memref<64x128xf32, #tpu.memory_space<vmem>>, vector<1x16xf32>,
      %parallel_loop3A_557 = vector.shape_cast %parallel_loop3A_556 : vector<1x16xf32> to vector<16xf32>
      %parallel_loop3A_558 = arith.subf %parallel_loop3A_549, %parallel_loop3A_557 : vector<16xf32>
      %parallel_loop3A_559 = arith.mulf %parallel_loop3A_558, %parallel_loop3A_558 : vector<16xf32>
      %parallel_loop3A_560 = arith.addf %parallel_loop3A_462, %parallel_loop3A_559 : vector<16xf32>
      %parallel_loop3A_561 = arith.constant 0 : i32
      %parallel_loop3A_562 = arith.constant 0 : i32
      %parallel_loop3A_563 = tpu.memref_slice %arg7[%parallel_loop3A_386, %parallel_loop3A_561, %parallel_loop3A_562] : memref<3x64x128xf32, #tpu.memory_space<vmem>> -> memref<1x64x128xf32, #tpu.memory_space<vmem>>
      %parallel_loop3A_564 = tpu.memref_squeeze %parallel_loop3A_563 : memref<1x64x128xf32, #tpu.memory_space<vmem>> -> memref<64x128xf32, #tpu.memory_space<vmem>>
      %parallel_loop3A_565 = arith.index_cast %parallel_loop3A_457 : i32 to index
      %parallel_loop3A_566 = arith.constant 80 : index
      %parallel_loop3A_567 = tpu.vector_load %parallel_loop3A_564[%parallel_loop3A_565, %parallel_loop3A_566] {strides = array<i32>} : memref<64x128xf32, #tpu.memory_space<vmem>>, vector<1x16xf32>,
      %parallel_loop3A_568 = vector.shape_cast %parallel_loop3A_567 : vector<1x16xf32> to vector<16xf32>
      %parallel_loop3A_569 = arith.constant 0 : i32
      %parallel_loop3A_570 = arith.constant 0 : i32
      %parallel_loop3A_571 = tpu.memref_slice %arg8[%parallel_loop3A_387, %parallel_loop3A_569, %parallel_loop3A_570] : memref<3x64x128xf32, #tpu.memory_space<vmem>> -> memref<1x64x128xf32, #tpu.memory_space<vmem>>
      %parallel_loop3A_572 = tpu.memref_squeeze %parallel_loop3A_571 : memref<1x64x128xf32, #tpu.memory_space<vmem>> -> memref<64x128xf32, #tpu.memory_space<vmem>>
      %parallel_loop3A_573 = arith.index_cast %parallel_loop3A_457 : i32 to index
      %parallel_loop3A_574 = arith.constant 80 : index
      %parallel_loop3A_575 = tpu.vector_load %parallel_loop3A_572[%parallel_loop3A_573, %parallel_loop3A_574] {strides = array<i32>} : memref<64x128xf32, #tpu.memory_space<vmem>>, vector<1x16xf32>,
      %parallel_loop3A_576 = vector.shape_cast %parallel_loop3A_575 : vector<1x16xf32> to vector<16xf32>
      %parallel_loop3A_577 = arith.subf %parallel_loop3A_568, %parallel_loop3A_576 : vector<16xf32>
      %parallel_loop3A_578 = arith.mulf %parallel_loop3A_577, %parallel_loop3A_577 : vector<16xf32>
      %parallel_loop3A_579 = arith.addf %parallel_loop3A_463, %parallel_loop3A_578 : vector<16xf32>
      %parallel_loop3A_580 = arith.constant 0 : i32
      %parallel_loop3A_581 = arith.constant 0 : i32
      %parallel_loop3A_582 = tpu.memref_slice %arg7[%parallel_loop3A_386, %parallel_loop3A_580, %parallel_loop3A_581] : memref<3x64x128xf32, #tpu.memory_space<vmem>> -> memref<1x64x128xf32, #tpu.memory_space<vmem>>
      %parallel_loop3A_583 = tpu.memref_squeeze %parallel_loop3A_582 : memref<1x64x128xf32, #tpu.memory_space<vmem>> -> memref<64x128xf32, #tpu.memory_space<vmem>>
      %parallel_loop3A_584 = arith.index_cast %parallel_loop3A_457 : i32 to index
      %parallel_loop3A_585 = arith.constant 96 : index
      %parallel_loop3A_586 = tpu.vector_load %parallel_loop3A_583[%parallel_loop3A_584, %parallel_loop3A_585] {strides = array<i32>} : memref<64x128xf32, #tpu.memory_space<vmem>>, vector<1x16xf32>,
      %parallel_loop3A_587 = vector.shape_cast %parallel_loop3A_586 : vector<1x16xf32> to vector<16xf32>
      %parallel_loop3A_588 = arith.constant 0 : i32
      %parallel_loop3A_589 = arith.constant 0 : i32
      %parallel_loop3A_590 = tpu.memref_slice %arg8[%parallel_loop3A_387, %parallel_loop3A_588, %parallel_loop3A_589] : memref<3x64x128xf32, #tpu.memory_space<vmem>> -> memref<1x64x128xf32, #tpu.memory_space<vmem>>
      %parallel_loop3A_591 = tpu.memref_squeeze %parallel_loop3A_590 : memref<1x64x128xf32, #tpu.memory_space<vmem>> -> memref<64x128xf32, #tpu.memory_space<vmem>>
      %parallel_loop3A_592 = arith.index_cast %parallel_loop3A_457 : i32 to index
      %parallel_loop3A_593 = arith.constant 96 : index
      %parallel_loop3A_594 = tpu.vector_load %parallel_loop3A_591[%parallel_loop3A_592, %parallel_loop3A_593] {strides = array<i32>} : memref<64x128xf32, #tpu.memory_space<vmem>>, vector<1x16xf32>,
      %parallel_loop3A_595 = vector.shape_cast %parallel_loop3A_594 : vector<1x16xf32> to vector<16xf32>
      %parallel_loop3A_596 = arith.subf %parallel_loop3A_587, %parallel_loop3A_595 : vector<16xf32>
      %parallel_loop3A_597 = arith.mulf %parallel_loop3A_596, %parallel_loop3A_596 : vector<16xf32>
      %parallel_loop3A_598 = arith.addf %parallel_loop3A_464, %parallel_loop3A_597 : vector<16xf32>
      %parallel_loop3A_599 = arith.constant 0 : i32
      %parallel_loop3A_600 = arith.constant 0 : i32
      %parallel_loop3A_601 = tpu.memref_slice %arg7[%parallel_loop3A_386, %parallel_loop3A_599, %parallel_loop3A_600] : memref<3x64x128xf32, #tpu.memory_space<vmem>> -> memref<1x64x128xf32, #tpu.memory_space<vmem>>
      %parallel_loop3A_602 = tpu.memref_squeeze %parallel_loop3A_601 : memref<1x64x128xf32, #tpu.memory_space<vmem>> -> memref<64x128xf32, #tpu.memory_space<vmem>>
      %parallel_loop3A_603 = arith.index_cast %parallel_loop3A_457 : i32 to index
      %parallel_loop3A_604 = arith.constant 112 : index
      %parallel_loop3A_605 = tpu.vector_load %parallel_loop3A_602[%parallel_loop3A_603, %parallel_loop3A_604] {strides = array<i32>} : memref<64x128xf32, #tpu.memory_space<vmem>>, vector<1x16xf32>,
      %parallel_loop3A_606 = vector.shape_cast %parallel_loop3A_605 : vector<1x16xf32> to vector<16xf32>
      %parallel_loop3A_607 = arith.constant 0 : i32
      %parallel_loop3A_608 = arith.constant 0 : i32
      %parallel_loop3A_609 = tpu.memref_slice %arg8[%parallel_loop3A_387, %parallel_loop3A_607, %parallel_loop3A_608] : memref<3x64x128xf32, #tpu.memory_space<vmem>> -> memref<1x64x128xf32, #tpu.memory_space<vmem>>
      %parallel_loop3A_610 = tpu.memref_squeeze %parallel_loop3A_609 : memref<1x64x128xf32, #tpu.memory_space<vmem>> -> memref<64x128xf32, #tpu.memory_space<vmem>>
      %parallel_loop3A_611 = arith.index_cast %parallel_loop3A_457 : i32 to index
      %parallel_loop3A_612 = arith.constant 112 : index
      %parallel_loop3A_613 = tpu.vector_load %parallel_loop3A_610[%parallel_loop3A_611, %parallel_loop3A_612] {strides = array<i32>} : memref<64x128xf32, #tpu.memory_space<vmem>>, vector<1x16xf32>,
      %parallel_loop3A_614 = vector.shape_cast %parallel_loop3A_613 : vector<1x16xf32> to vector<16xf32>
      %parallel_loop3A_615 = arith.subf %parallel_loop3A_606, %parallel_loop3A_614 : vector<16xf32>
      %parallel_loop3A_616 = arith.mulf %parallel_loop3A_615, %parallel_loop3A_615 : vector<16xf32>
      %parallel_loop3A_617 = arith.addf %parallel_loop3A_465, %parallel_loop3A_616 : vector<16xf32>
      scf.yield %parallel_loop3A_484, %parallel_loop3A_503, %parallel_loop3A_522, %parallel_loop3A_541, %parallel_loop3A_560, %parallel_loop3A_579, %parallel_loop3A_598, %parallel_loop3A_617 : vector<16xf32>, vector<16xf32>, vector<16xf32>, vector<16xf32>, vector<16xf32>, vector<16xf32>, vector<16xf32>, vector<16xf32>
    } {sc.loop_unroll_factor = 4 : i64, sc.parallel_access}
    %dma_wait3A_389 = arith.constant 0 : i32
    %dma_wait3A_390 = arith.constant 0 : i32
    %dma_wait3A_391 = arith.constant 0 : i32
    %dma_wait3A_392 = tpu.memref_slice %arg7[%dma_wait3A_389, %dma_wait3A_390, %dma_wait3A_391] : memref<3x64x128xf32, #tpu.memory_space<vmem>> -> memref<1x64x128xf32, #tpu.memory_space<vmem>>
    %dma_wait3A_393 = tpu.memref_squeeze %dma_wait3A_392 : memref<1x64x128xf32, #tpu.memory_space<vmem>> -> memref<64x128xf32, #tpu.memory_space<vmem>>
    %dma_wait3A_394 = arith.constant 0 : i32
    %dma_wait3A_395 = tpu.memref_slice %arg2[%add3A_282, %dma_wait3A_394] : memref<16384x128xf32, #tpu.memory_space<hbm>> -> memref<64x128xf32, #tpu.memory_space<hbm>>
    %dma_wait3A_396 = arith.constant 0 : i32
    %dma_wait3A_397 = arith.constant 0 : i32
    %dma_wait3A_398 = tpu.memref_slice %arg7[%dma_wait3A_389, %dma_wait3A_396, %dma_wait3A_397] : memref<3x64x128xf32, #tpu.memory_space<vmem>> -> memref<1x64x128xf32, #tpu.memory_space<vmem>>
    %dma_wait3A_399 = tpu.memref_squeeze %dma_wait3A_398 : memref<1x64x128xf32, #tpu.memory_space<vmem>> -> memref<64x128xf32, #tpu.memory_space<vmem>>
    %dma_wait3A_400 = arith.constant 0 : i32
    %dma_wait3A_401 = tpu.memref_slice %arg2[%add3A_282, %dma_wait3A_400] : memref<16384x128xf32, #tpu.memory_space<hbm>> -> memref<64x128xf32, #tpu.memory_space<hbm>>
    tpu.wait_dma2 semaphore(%arg10 : memref<!tpu.dma_semaphore, #tpu.memory_space<semaphore_mem>>) src(%dma_wait3A_401 : memref<64x128xf32, #tpu.memory_space<hbm>>) dst(%dma_wait3A_399 : memref<64x128xf32, #tpu.memory_space<vmem>>)
    %dma_wait3A_402 = arith.constant 0 : i32
    %dma_wait3A_403 = arith.constant 0 : i32
    %dma_wait3A_404 = arith.constant 0 : i32
    %dma_wait3A_405 = tpu.memref_slice %arg8[%dma_wait3A_402, %dma_wait3A_403, %dma_wait3A_404] : memref<3x64x128xf32, #tpu.memory_space<vmem>> -> memref<1x64x128xf32, #tpu.memory_space<vmem>>
    %dma_wait3A_406 = tpu.memref_squeeze %dma_wait3A_405 : memref<1x64x128xf32, #tpu.memory_space<vmem>> -> memref<64x128xf32, #tpu.memory_space<vmem>>
    %dma_wait3A_407 = arith.constant 384 : i32
    %dma_wait3A_408 = tpu.memref_slice %arg6[%dma_wait3A_407] : memref<512xi32, #tpu.memory_space<vmem>> -> memref<64xi32, #tpu.memory_space<vmem>>
    %dma_wait3A_409 = arith.constant 0 : i32
    %dma_wait3A_410 = arith.constant 0 : i32
    %dma_wait3A_411 = tpu.memref_slice %arg4[%dma_wait3A_409, %dma_wait3A_410] : memref<100000x128xf32, #tpu.memory_space<hbm>> -> memref<100000x128xf32, #tpu.memory_space<hbm>>
    tpu.wait_indirect_dma semaphore(%arg13 : memref<!tpu.dma_semaphore, #tpu.memory_space<semaphore_mem>>) src(%dma_wait3A_411 : memref<100000x128xf32, #tpu.memory_space<hbm>>) dst(%dma_wait3A_406 : memref<64x128xf32, #tpu.memory_space<vmem>>)
    %parallel_loop3A_412 = arith.constant 0 : i32
    %parallel_loop3A_413 = arith.constant 64 : i32
    %parallel_loop3A_414 = arith.constant 1 : i32
    %parallel_loop3A_415 = arith.constant 0 : i32
    %parallel_loop3A_416 = arith.constant 0 : i32
    %parallel_loop3A_417:8 = scf.for %parallel_loop3A_457 = %parallel_loop3A_412 to %parallel_loop3A_413 step %parallel_loop3A_414 iter_args(%parallel_loop3A_458 = %parallel_loop3A_388#0, %parallel_loop3A_459 = %parallel_loop3A_388#1, %parallel_loop3A_460 = %parallel_loop3A_388#2, %parallel_loop3A_461 = %parallel_loop3A_388#3, %parallel_loop3A_462 = %parallel_loop3A_388#4, %parallel_loop3A_463 = %parallel_loop3A_388#5, %parallel_loop3A_464 = %parallel_loop3A_388#6, %parallel_loop3A_465 = %parallel_loop3A_388#7) -> (vector<16xf32>, vector<16xf32>, vector<16xf32>, vector<16xf32>, vector<16xf32>, vector<16xf32>, vector<16xf32>, vector<16xf32>)  : i32 {
      %parallel_loop3A_466 = arith.constant 0 : i32
      %parallel_loop3A_467 = arith.constant 0 : i32
      %parallel_loop3A_468 = tpu.memref_slice %arg7[%parallel_loop3A_415, %parallel_loop3A_466, %parallel_loop3A_467] : memref<3x64x128xf32, #tpu.memory_space<vmem>> -> memref<1x64x128xf32, #tpu.memory_space<vmem>>
      %parallel_loop3A_469 = tpu.memref_squeeze %parallel_loop3A_468 : memref<1x64x128xf32, #tpu.memory_space<vmem>> -> memref<64x128xf32, #tpu.memory_space<vmem>>
      %parallel_loop3A_470 = arith.index_cast %parallel_loop3A_457 : i32 to index
      %parallel_loop3A_471 = arith.constant 0 : index
      %parallel_loop3A_472 = tpu.vector_load %parallel_loop3A_469[%parallel_loop3A_470, %parallel_loop3A_471] {strides = array<i32>} : memref<64x128xf32, #tpu.memory_space<vmem>>, vector<1x16xf32>,
      %parallel_loop3A_473 = vector.shape_cast %parallel_loop3A_472 : vector<1x16xf32> to vector<16xf32>
      %parallel_loop3A_474 = arith.constant 0 : i32
      %parallel_loop3A_475 = arith.constant 0 : i32
      %parallel_loop3A_476 = tpu.memref_slice %arg8[%parallel_loop3A_416, %parallel_loop3A_474, %parallel_loop3A_475] : memref<3x64x128xf32, #tpu.memory_space<vmem>> -> memref<1x64x128xf32, #tpu.memory_space<vmem>>
      %parallel_loop3A_477 = tpu.memref_squeeze %parallel_loop3A_476 : memref<1x64x128xf32, #tpu.memory_space<vmem>> -> memref<64x128xf32, #tpu.memory_space<vmem>>
      %parallel_loop3A_478 = arith.index_cast %parallel_loop3A_457 : i32 to index
      %parallel_loop3A_479 = arith.constant 0 : index
      %parallel_loop3A_480 = tpu.vector_load %parallel_loop3A_477[%parallel_loop3A_478, %parallel_loop3A_479] {strides = array<i32>} : memref<64x128xf32, #tpu.memory_space<vmem>>, vector<1x16xf32>,
      %parallel_loop3A_481 = vector.shape_cast %parallel_loop3A_480 : vector<1x16xf32> to vector<16xf32>
      %parallel_loop3A_482 = arith.subf %parallel_loop3A_473, %parallel_loop3A_481 : vector<16xf32>
      %parallel_loop3A_483 = arith.mulf %parallel_loop3A_482, %parallel_loop3A_482 : vector<16xf32>
      %parallel_loop3A_484 = arith.addf %parallel_loop3A_458, %parallel_loop3A_483 : vector<16xf32>
      %parallel_loop3A_485 = arith.constant 0 : i32
      %parallel_loop3A_486 = arith.constant 0 : i32
      %parallel_loop3A_487 = tpu.memref_slice %arg7[%parallel_loop3A_415, %parallel_loop3A_485, %parallel_loop3A_486] : memref<3x64x128xf32, #tpu.memory_space<vmem>> -> memref<1x64x128xf32, #tpu.memory_space<vmem>>
      %parallel_loop3A_488 = tpu.memref_squeeze %parallel_loop3A_487 : memref<1x64x128xf32, #tpu.memory_space<vmem>> -> memref<64x128xf32, #tpu.memory_space<vmem>>
      %parallel_loop3A_489 = arith.index_cast %parallel_loop3A_457 : i32 to index
      %parallel_loop3A_490 = arith.constant 16 : index
      %parallel_loop3A_491 = tpu.vector_load %parallel_loop3A_488[%parallel_loop3A_489, %parallel_loop3A_490] {strides = array<i32>} : memref<64x128xf32, #tpu.memory_space<vmem>>, vector<1x16xf32>,
      %parallel_loop3A_492 = vector.shape_cast %parallel_loop3A_491 : vector<1x16xf32> to vector<16xf32>
      %parallel_loop3A_493 = arith.constant 0 : i32
      %parallel_loop3A_494 = arith.constant 0 : i32
      %parallel_loop3A_495 = tpu.memref_slice %arg8[%parallel_loop3A_416, %parallel_loop3A_493, %parallel_loop3A_494] : memref<3x64x128xf32, #tpu.memory_space<vmem>> -> memref<1x64x128xf32, #tpu.memory_space<vmem>>
      %parallel_loop3A_496 = tpu.memref_squeeze %parallel_loop3A_495 : memref<1x64x128xf32, #tpu.memory_space<vmem>> -> memref<64x128xf32, #tpu.memory_space<vmem>>
      %parallel_loop3A_497 = arith.index_cast %parallel_loop3A_457 : i32 to index
      %parallel_loop3A_498 = arith.constant 16 : index
      %parallel_loop3A_499 = tpu.vector_load %parallel_loop3A_496[%parallel_loop3A_497, %parallel_loop3A_498] {strides = array<i32>} : memref<64x128xf32, #tpu.memory_space<vmem>>, vector<1x16xf32>,
      %parallel_loop3A_500 = vector.shape_cast %parallel_loop3A_499 : vector<1x16xf32> to vector<16xf32>
      %parallel_loop3A_501 = arith.subf %parallel_loop3A_492, %parallel_loop3A_500 : vector<16xf32>
      %parallel_loop3A_502 = arith.mulf %parallel_loop3A_501, %parallel_loop3A_501 : vector<16xf32>
      %parallel_loop3A_503 = arith.addf %parallel_loop3A_459, %parallel_loop3A_502 : vector<16xf32>
      %parallel_loop3A_504 = arith.constant 0 : i32
      %parallel_loop3A_505 = arith.constant 0 : i32
      %parallel_loop3A_506 = tpu.memref_slice %arg7[%parallel_loop3A_415, %parallel_loop3A_504, %parallel_loop3A_505] : memref<3x64x128xf32, #tpu.memory_space<vmem>> -> memref<1x64x128xf32, #tpu.memory_space<vmem>>
      %parallel_loop3A_507 = tpu.memref_squeeze %parallel_loop3A_506 : memref<1x64x128xf32, #tpu.memory_space<vmem>> -> memref<64x128xf32, #tpu.memory_space<vmem>>
      %parallel_loop3A_508 = arith.index_cast %parallel_loop3A_457 : i32 to index
      %parallel_loop3A_509 = arith.constant 32 : index
      %parallel_loop3A_510 = tpu.vector_load %parallel_loop3A_507[%parallel_loop3A_508, %parallel_loop3A_509] {strides = array<i32>} : memref<64x128xf32, #tpu.memory_space<vmem>>, vector<1x16xf32>,
      %parallel_loop3A_511 = vector.shape_cast %parallel_loop3A_510 : vector<1x16xf32> to vector<16xf32>
      %parallel_loop3A_512 = arith.constant 0 : i32
      %parallel_loop3A_513 = arith.constant 0 : i32
      %parallel_loop3A_514 = tpu.memref_slice %arg8[%parallel_loop3A_416, %parallel_loop3A_512, %parallel_loop3A_513] : memref<3x64x128xf32, #tpu.memory_space<vmem>> -> memref<1x64x128xf32, #tpu.memory_space<vmem>>
      %parallel_loop3A_515 = tpu.memref_squeeze %parallel_loop3A_514 : memref<1x64x128xf32, #tpu.memory_space<vmem>> -> memref<64x128xf32, #tpu.memory_space<vmem>>
      %parallel_loop3A_516 = arith.index_cast %parallel_loop3A_457 : i32 to index
      %parallel_loop3A_517 = arith.constant 32 : index
      %parallel_loop3A_518 = tpu.vector_load %parallel_loop3A_515[%parallel_loop3A_516, %parallel_loop3A_517] {strides = array<i32>} : memref<64x128xf32, #tpu.memory_space<vmem>>, vector<1x16xf32>,
      %parallel_loop3A_519 = vector.shape_cast %parallel_loop3A_518 : vector<1x16xf32> to vector<16xf32>
      %parallel_loop3A_520 = arith.subf %parallel_loop3A_511, %parallel_loop3A_519 : vector<16xf32>
      %parallel_loop3A_521 = arith.mulf %parallel_loop3A_520, %parallel_loop3A_520 : vector<16xf32>
      %parallel_loop3A_522 = arith.addf %parallel_loop3A_460, %parallel_loop3A_521 : vector<16xf32>
      %parallel_loop3A_523 = arith.constant 0 : i32
      %parallel_loop3A_524 = arith.constant 0 : i32
      %parallel_loop3A_525 = tpu.memref_slice %arg7[%parallel_loop3A_415, %parallel_loop3A_523, %parallel_loop3A_524] : memref<3x64x128xf32, #tpu.memory_space<vmem>> -> memref<1x64x128xf32, #tpu.memory_space<vmem>>
      %parallel_loop3A_526 = tpu.memref_squeeze %parallel_loop3A_525 : memref<1x64x128xf32, #tpu.memory_space<vmem>> -> memref<64x128xf32, #tpu.memory_space<vmem>>
      %parallel_loop3A_527 = arith.index_cast %parallel_loop3A_457 : i32 to index
      %parallel_loop3A_528 = arith.constant 48 : index
      %parallel_loop3A_529 = tpu.vector_load %parallel_loop3A_526[%parallel_loop3A_527, %parallel_loop3A_528] {strides = array<i32>} : memref<64x128xf32, #tpu.memory_space<vmem>>, vector<1x16xf32>,
      %parallel_loop3A_530 = vector.shape_cast %parallel_loop3A_529 : vector<1x16xf32> to vector<16xf32>
      %parallel_loop3A_531 = arith.constant 0 : i32
      %parallel_loop3A_532 = arith.constant 0 : i32
      %parallel_loop3A_533 = tpu.memref_slice %arg8[%parallel_loop3A_416, %parallel_loop3A_531, %parallel_loop3A_532] : memref<3x64x128xf32, #tpu.memory_space<vmem>> -> memref<1x64x128xf32, #tpu.memory_space<vmem>>
      %parallel_loop3A_534 = tpu.memref_squeeze %parallel_loop3A_533 : memref<1x64x128xf32, #tpu.memory_space<vmem>> -> memref<64x128xf32, #tpu.memory_space<vmem>>
      %parallel_loop3A_535 = arith.index_cast %parallel_loop3A_457 : i32 to index
      %parallel_loop3A_536 = arith.constant 48 : index
      %parallel_loop3A_537 = tpu.vector_load %parallel_loop3A_534[%parallel_loop3A_535, %parallel_loop3A_536] {strides = array<i32>} : memref<64x128xf32, #tpu.memory_space<vmem>>, vector<1x16xf32>,
      %parallel_loop3A_538 = vector.shape_cast %parallel_loop3A_537 : vector<1x16xf32> to vector<16xf32>
      %parallel_loop3A_539 = arith.subf %parallel_loop3A_530, %parallel_loop3A_538 : vector<16xf32>
      %parallel_loop3A_540 = arith.mulf %parallel_loop3A_539, %parallel_loop3A_539 : vector<16xf32>
      %parallel_loop3A_541 = arith.addf %parallel_loop3A_461, %parallel_loop3A_540 : vector<16xf32>
      %parallel_loop3A_542 = arith.constant 0 : i32
      %parallel_loop3A_543 = arith.constant 0 : i32
      %parallel_loop3A_544 = tpu.memref_slice %arg7[%parallel_loop3A_415, %parallel_loop3A_542, %parallel_loop3A_543] : memref<3x64x128xf32, #tpu.memory_space<vmem>> -> memref<1x64x128xf32, #tpu.memory_space<vmem>>
      %parallel_loop3A_545 = tpu.memref_squeeze %parallel_loop3A_544 : memref<1x64x128xf32, #tpu.memory_space<vmem>> -> memref<64x128xf32, #tpu.memory_space<vmem>>
      %parallel_loop3A_546 = arith.index_cast %parallel_loop3A_457 : i32 to index
      %parallel_loop3A_547 = arith.constant 64 : index
      %parallel_loop3A_548 = tpu.vector_load %parallel_loop3A_545[%parallel_loop3A_546, %parallel_loop3A_547] {strides = array<i32>} : memref<64x128xf32, #tpu.memory_space<vmem>>, vector<1x16xf32>,
      %parallel_loop3A_549 = vector.shape_cast %parallel_loop3A_548 : vector<1x16xf32> to vector<16xf32>
      %parallel_loop3A_550 = arith.constant 0 : i32
      %parallel_loop3A_551 = arith.constant 0 : i32
      %parallel_loop3A_552 = tpu.memref_slice %arg8[%parallel_loop3A_416, %parallel_loop3A_550, %parallel_loop3A_551] : memref<3x64x128xf32, #tpu.memory_space<vmem>> -> memref<1x64x128xf32, #tpu.memory_space<vmem>>
      %parallel_loop3A_553 = tpu.memref_squeeze %parallel_loop3A_552 : memref<1x64x128xf32, #tpu.memory_space<vmem>> -> memref<64x128xf32, #tpu.memory_space<vmem>>
      %parallel_loop3A_554 = arith.index_cast %parallel_loop3A_457 : i32 to index
      %parallel_loop3A_555 = arith.constant 64 : index
      %parallel_loop3A_556 = tpu.vector_load %parallel_loop3A_553[%parallel_loop3A_554, %parallel_loop3A_555] {strides = array<i32>} : memref<64x128xf32, #tpu.memory_space<vmem>>, vector<1x16xf32>,
      %parallel_loop3A_557 = vector.shape_cast %parallel_loop3A_556 : vector<1x16xf32> to vector<16xf32>
      %parallel_loop3A_558 = arith.subf %parallel_loop3A_549, %parallel_loop3A_557 : vector<16xf32>
      %parallel_loop3A_559 = arith.mulf %parallel_loop3A_558, %parallel_loop3A_558 : vector<16xf32>
      %parallel_loop3A_560 = arith.addf %parallel_loop3A_462, %parallel_loop3A_559 : vector<16xf32>
      %parallel_loop3A_561 = arith.constant 0 : i32
      %parallel_loop3A_562 = arith.constant 0 : i32
      %parallel_loop3A_563 = tpu.memref_slice %arg7[%parallel_loop3A_415, %parallel_loop3A_561, %parallel_loop3A_562] : memref<3x64x128xf32, #tpu.memory_space<vmem>> -> memref<1x64x128xf32, #tpu.memory_space<vmem>>
      %parallel_loop3A_564 = tpu.memref_squeeze %parallel_loop3A_563 : memref<1x64x128xf32, #tpu.memory_space<vmem>> -> memref<64x128xf32, #tpu.memory_space<vmem>>
      %parallel_loop3A_565 = arith.index_cast %parallel_loop3A_457 : i32 to index
      %parallel_loop3A_566 = arith.constant 80 : index
      %parallel_loop3A_567 = tpu.vector_load %parallel_loop3A_564[%parallel_loop3A_565, %parallel_loop3A_566] {strides = array<i32>} : memref<64x128xf32, #tpu.memory_space<vmem>>, vector<1x16xf32>,
      %parallel_loop3A_568 = vector.shape_cast %parallel_loop3A_567 : vector<1x16xf32> to vector<16xf32>
      %parallel_loop3A_569 = arith.constant 0 : i32
      %parallel_loop3A_570 = arith.constant 0 : i32
      %parallel_loop3A_571 = tpu.memref_slice %arg8[%parallel_loop3A_416, %parallel_loop3A_569, %parallel_loop3A_570] : memref<3x64x128xf32, #tpu.memory_space<vmem>> -> memref<1x64x128xf32, #tpu.memory_space<vmem>>
      %parallel_loop3A_572 = tpu.memref_squeeze %parallel_loop3A_571 : memref<1x64x128xf32, #tpu.memory_space<vmem>> -> memref<64x128xf32, #tpu.memory_space<vmem>>
      %parallel_loop3A_573 = arith.index_cast %parallel_loop3A_457 : i32 to index
      %parallel_loop3A_574 = arith.constant 80 : index
      %parallel_loop3A_575 = tpu.vector_load %parallel_loop3A_572[%parallel_loop3A_573, %parallel_loop3A_574] {strides = array<i32>} : memref<64x128xf32, #tpu.memory_space<vmem>>, vector<1x16xf32>,
      %parallel_loop3A_576 = vector.shape_cast %parallel_loop3A_575 : vector<1x16xf32> to vector<16xf32>
      %parallel_loop3A_577 = arith.subf %parallel_loop3A_568, %parallel_loop3A_576 : vector<16xf32>
      %parallel_loop3A_578 = arith.mulf %parallel_loop3A_577, %parallel_loop3A_577 : vector<16xf32>
      %parallel_loop3A_579 = arith.addf %parallel_loop3A_463, %parallel_loop3A_578 : vector<16xf32>
      %parallel_loop3A_580 = arith.constant 0 : i32
      %parallel_loop3A_581 = arith.constant 0 : i32
      %parallel_loop3A_582 = tpu.memref_slice %arg7[%parallel_loop3A_415, %parallel_loop3A_580, %parallel_loop3A_581] : memref<3x64x128xf32, #tpu.memory_space<vmem>> -> memref<1x64x128xf32, #tpu.memory_space<vmem>>
      %parallel_loop3A_583 = tpu.memref_squeeze %parallel_loop3A_582 : memref<1x64x128xf32, #tpu.memory_space<vmem>> -> memref<64x128xf32, #tpu.memory_space<vmem>>
      %parallel_loop3A_584 = arith.index_cast %parallel_loop3A_457 : i32 to index
      %parallel_loop3A_585 = arith.constant 96 : index
      %parallel_loop3A_586 = tpu.vector_load %parallel_loop3A_583[%parallel_loop3A_584, %parallel_loop3A_585] {strides = array<i32>} : memref<64x128xf32, #tpu.memory_space<vmem>>, vector<1x16xf32>,
      %parallel_loop3A_587 = vector.shape_cast %parallel_loop3A_586 : vector<1x16xf32> to vector<16xf32>
      %parallel_loop3A_588 = arith.constant 0 : i32
      %parallel_loop3A_589 = arith.constant 0 : i32
      %parallel_loop3A_590 = tpu.memref_slice %arg8[%parallel_loop3A_416, %parallel_loop3A_588, %parallel_loop3A_589] : memref<3x64x128xf32, #tpu.memory_space<vmem>> -> memref<1x64x128xf32, #tpu.memory_space<vmem>>
      %parallel_loop3A_591 = tpu.memref_squeeze %parallel_loop3A_590 : memref<1x64x128xf32, #tpu.memory_space<vmem>> -> memref<64x128xf32, #tpu.memory_space<vmem>>
      %parallel_loop3A_592 = arith.index_cast %parallel_loop3A_457 : i32 to index
      %parallel_loop3A_593 = arith.constant 96 : index
      %parallel_loop3A_594 = tpu.vector_load %parallel_loop3A_591[%parallel_loop3A_592, %parallel_loop3A_593] {strides = array<i32>} : memref<64x128xf32, #tpu.memory_space<vmem>>, vector<1x16xf32>,
      %parallel_loop3A_595 = vector.shape_cast %parallel_loop3A_594 : vector<1x16xf32> to vector<16xf32>
      %parallel_loop3A_596 = arith.subf %parallel_loop3A_587, %parallel_loop3A_595 : vector<16xf32>
      %parallel_loop3A_597 = arith.mulf %parallel_loop3A_596, %parallel_loop3A_596 : vector<16xf32>
      %parallel_loop3A_598 = arith.addf %parallel_loop3A_464, %parallel_loop3A_597 : vector<16xf32>
      %parallel_loop3A_599 = arith.constant 0 : i32
      %parallel_loop3A_600 = arith.constant 0 : i32
      %parallel_loop3A_601 = tpu.memref_slice %arg7[%parallel_loop3A_415, %parallel_loop3A_599, %parallel_loop3A_600] : memref<3x64x128xf32, #tpu.memory_space<vmem>> -> memref<1x64x128xf32, #tpu.memory_space<vmem>>
      %parallel_loop3A_602 = tpu.memref_squeeze %parallel_loop3A_601 : memref<1x64x128xf32, #tpu.memory_space<vmem>> -> memref<64x128xf32, #tpu.memory_space<vmem>>
      %parallel_loop3A_603 = arith.index_cast %parallel_loop3A_457 : i32 to index
      %parallel_loop3A_604 = arith.constant 112 : index
      %parallel_loop3A_605 = tpu.vector_load %parallel_loop3A_602[%parallel_loop3A_603, %parallel_loop3A_604] {strides = array<i32>} : memref<64x128xf32, #tpu.memory_space<vmem>>, vector<1x16xf32>,
      %parallel_loop3A_606 = vector.shape_cast %parallel_loop3A_605 : vector<1x16xf32> to vector<16xf32>
      %parallel_loop3A_607 = arith.constant 0 : i32
      %parallel_loop3A_608 = arith.constant 0 : i32
      %parallel_loop3A_609 = tpu.memref_slice %arg8[%parallel_loop3A_416, %parallel_loop3A_607, %parallel_loop3A_608] : memref<3x64x128xf32, #tpu.memory_space<vmem>> -> memref<1x64x128xf32, #tpu.memory_space<vmem>>
      %parallel_loop3A_610 = tpu.memref_squeeze %parallel_loop3A_609 : memref<1x64x128xf32, #tpu.memory_space<vmem>> -> memref<64x128xf32, #tpu.memory_space<vmem>>
      %parallel_loop3A_611 = arith.index_cast %parallel_loop3A_457 : i32 to index
      %parallel_loop3A_612 = arith.constant 112 : index
      %parallel_loop3A_613 = tpu.vector_load %parallel_loop3A_610[%parallel_loop3A_611, %parallel_loop3A_612] {strides = array<i32>} : memref<64x128xf32, #tpu.memory_space<vmem>>, vector<1x16xf32>,
      %parallel_loop3A_614 = vector.shape_cast %parallel_loop3A_613 : vector<1x16xf32> to vector<16xf32>
      %parallel_loop3A_615 = arith.subf %parallel_loop3A_606, %parallel_loop3A_614 : vector<16xf32>
      %parallel_loop3A_616 = arith.mulf %parallel_loop3A_615, %parallel_loop3A_615 : vector<16xf32>
      %parallel_loop3A_617 = arith.addf %parallel_loop3A_465, %parallel_loop3A_616 : vector<16xf32>
      scf.yield %parallel_loop3A_484, %parallel_loop3A_503, %parallel_loop3A_522, %parallel_loop3A_541, %parallel_loop3A_560, %parallel_loop3A_579, %parallel_loop3A_598, %parallel_loop3A_617 : vector<16xf32>, vector<16xf32>, vector<16xf32>, vector<16xf32>, vector<16xf32>, vector<16xf32>, vector<16xf32>, vector<16xf32>
    } {sc.loop_unroll_factor = 4 : i64, sc.parallel_access}
    %dma_wait3A_418 = arith.constant 1 : i32
    %dma_wait3A_419 = arith.constant 0 : i32
    %dma_wait3A_420 = arith.constant 0 : i32
    %dma_wait3A_421 = tpu.memref_slice %arg7[%dma_wait3A_418, %dma_wait3A_419, %dma_wait3A_420] : memref<3x64x128xf32, #tpu.memory_space<vmem>> -> memref<1x64x128xf32, #tpu.memory_space<vmem>>
    %dma_wait3A_422 = tpu.memref_squeeze %dma_wait3A_421 : memref<1x64x128xf32, #tpu.memory_space<vmem>> -> memref<64x128xf32, #tpu.memory_space<vmem>>
    %dma_wait3A_423 = arith.constant 0 : i32
    %dma_wait3A_424 = tpu.memref_slice %arg2[%add3A_336, %dma_wait3A_423] : memref<16384x128xf32, #tpu.memory_space<hbm>> -> memref<64x128xf32, #tpu.memory_space<hbm>>
    %dma_wait3A_425 = arith.constant 0 : i32
    %dma_wait3A_426 = arith.constant 0 : i32
    %dma_wait3A_427 = tpu.memref_slice %arg7[%dma_wait3A_418, %dma_wait3A_425, %dma_wait3A_426] : memref<3x64x128xf32, #tpu.memory_space<vmem>> -> memref<1x64x128xf32, #tpu.memory_space<vmem>>
    %dma_wait3A_428 = tpu.memref_squeeze %dma_wait3A_427 : memref<1x64x128xf32, #tpu.memory_space<vmem>> -> memref<64x128xf32, #tpu.memory_space<vmem>>
    %dma_wait3A_429 = arith.constant 0 : i32
    %dma_wait3A_430 = tpu.memref_slice %arg2[%add3A_336, %dma_wait3A_429] : memref<16384x128xf32, #tpu.memory_space<hbm>> -> memref<64x128xf32, #tpu.memory_space<hbm>>
    tpu.wait_dma2 semaphore(%arg11 : memref<!tpu.dma_semaphore, #tpu.memory_space<semaphore_mem>>) src(%dma_wait3A_430 : memref<64x128xf32, #tpu.memory_space<hbm>>) dst(%dma_wait3A_428 : memref<64x128xf32, #tpu.memory_space<vmem>>)
    %dma_wait3A_431 = arith.constant 1 : i32
    %dma_wait3A_432 = arith.constant 0 : i32
    %dma_wait3A_433 = arith.constant 0 : i32
    %dma_wait3A_434 = tpu.memref_slice %arg8[%dma_wait3A_431, %dma_wait3A_432, %dma_wait3A_433] : memref<3x64x128xf32, #tpu.memory_space<vmem>> -> memref<1x64x128xf32, #tpu.memory_space<vmem>>
    %dma_wait3A_435 = tpu.memref_squeeze %dma_wait3A_434 : memref<1x64x128xf32, #tpu.memory_space<vmem>> -> memref<64x128xf32, #tpu.memory_space<vmem>>
    %dma_wait3A_436 = arith.constant 448 : i32
    %dma_wait3A_437 = tpu.memref_slice %arg6[%dma_wait3A_436] : memref<512xi32, #tpu.memory_space<vmem>> -> memref<64xi32, #tpu.memory_space<vmem>>
    %dma_wait3A_438 = arith.constant 0 : i32
    %dma_wait3A_439 = arith.constant 0 : i32
    %dma_wait3A_440 = tpu.memref_slice %arg4[%dma_wait3A_438, %dma_wait3A_439] : memref<100000x128xf32, #tpu.memory_space<hbm>> -> memref<100000x128xf32, #tpu.memory_space<hbm>>
    tpu.wait_indirect_dma semaphore(%arg14 : memref<!tpu.dma_semaphore, #tpu.memory_space<semaphore_mem>>) src(%dma_wait3A_440 : memref<100000x128xf32, #tpu.memory_space<hbm>>) dst(%dma_wait3A_435 : memref<64x128xf32, #tpu.memory_space<vmem>>)
    %parallel_loop3A_441 = arith.constant 0 : i32
    %parallel_loop3A_442 = arith.constant 64 : i32
    %parallel_loop3A_443 = arith.constant 1 : i32
    %parallel_loop3A_444 = arith.constant 1 : i32
    %parallel_loop3A_445 = arith.constant 1 : i32
    %parallel_loop3A_446:8 = scf.for %parallel_loop3A_457 = %parallel_loop3A_441 to %parallel_loop3A_442 step %parallel_loop3A_443 iter_args(%parallel_loop3A_458 = %parallel_loop3A_417#0, %parallel_loop3A_459 = %parallel_loop3A_417#1, %parallel_loop3A_460 = %parallel_loop3A_417#2, %parallel_loop3A_461 = %parallel_loop3A_417#3, %parallel_loop3A_462 = %parallel_loop3A_417#4, %parallel_loop3A_463 = %parallel_loop3A_417#5, %parallel_loop3A_464 = %parallel_loop3A_417#6, %parallel_loop3A_465 = %parallel_loop3A_417#7) -> (vector<16xf32>, vector<16xf32>, vector<16xf32>, vector<16xf32>, vector<16xf32>, vector<16xf32>, vector<16xf32>, vector<16xf32>)  : i32 {
      %parallel_loop3A_466 = arith.constant 0 : i32
      %parallel_loop3A_467 = arith.constant 0 : i32
      %parallel_loop3A_468 = tpu.memref_slice %arg7[%parallel_loop3A_444, %parallel_loop3A_466, %parallel_loop3A_467] : memref<3x64x128xf32, #tpu.memory_space<vmem>> -> memref<1x64x128xf32, #tpu.memory_space<vmem>>
      %parallel_loop3A_469 = tpu.memref_squeeze %parallel_loop3A_468 : memref<1x64x128xf32, #tpu.memory_space<vmem>> -> memref<64x128xf32, #tpu.memory_space<vmem>>
      %parallel_loop3A_470 = arith.index_cast %parallel_loop3A_457 : i32 to index
      %parallel_loop3A_471 = arith.constant 0 : index
      %parallel_loop3A_472 = tpu.vector_load %parallel_loop3A_469[%parallel_loop3A_470, %parallel_loop3A_471] {strides = array<i32>} : memref<64x128xf32, #tpu.memory_space<vmem>>, vector<1x16xf32>,
      %parallel_loop3A_473 = vector.shape_cast %parallel_loop3A_472 : vector<1x16xf32> to vector<16xf32>
      %parallel_loop3A_474 = arith.constant 0 : i32
      %parallel_loop3A_475 = arith.constant 0 : i32
      %parallel_loop3A_476 = tpu.memref_slice %arg8[%parallel_loop3A_445, %parallel_loop3A_474, %parallel_loop3A_475] : memref<3x64x128xf32, #tpu.memory_space<vmem>> -> memref<1x64x128xf32, #tpu.memory_space<vmem>>
      %parallel_loop3A_477 = tpu.memref_squeeze %parallel_loop3A_476 : memref<1x64x128xf32, #tpu.memory_space<vmem>> -> memref<64x128xf32, #tpu.memory_space<vmem>>
      %parallel_loop3A_478 = arith.index_cast %parallel_loop3A_457 : i32 to index
      %parallel_loop3A_479 = arith.constant 0 : index
      %parallel_loop3A_480 = tpu.vector_load %parallel_loop3A_477[%parallel_loop3A_478, %parallel_loop3A_479] {strides = array<i32>} : memref<64x128xf32, #tpu.memory_space<vmem>>, vector<1x16xf32>,
      %parallel_loop3A_481 = vector.shape_cast %parallel_loop3A_480 : vector<1x16xf32> to vector<16xf32>
      %parallel_loop3A_482 = arith.subf %parallel_loop3A_473, %parallel_loop3A_481 : vector<16xf32>
      %parallel_loop3A_483 = arith.mulf %parallel_loop3A_482, %parallel_loop3A_482 : vector<16xf32>
      %parallel_loop3A_484 = arith.addf %parallel_loop3A_458, %parallel_loop3A_483 : vector<16xf32>
      %parallel_loop3A_485 = arith.constant 0 : i32
      %parallel_loop3A_486 = arith.constant 0 : i32
      %parallel_loop3A_487 = tpu.memref_slice %arg7[%parallel_loop3A_444, %parallel_loop3A_485, %parallel_loop3A_486] : memref<3x64x128xf32, #tpu.memory_space<vmem>> -> memref<1x64x128xf32, #tpu.memory_space<vmem>>
      %parallel_loop3A_488 = tpu.memref_squeeze %parallel_loop3A_487 : memref<1x64x128xf32, #tpu.memory_space<vmem>> -> memref<64x128xf32, #tpu.memory_space<vmem>>
      %parallel_loop3A_489 = arith.index_cast %parallel_loop3A_457 : i32 to index
      %parallel_loop3A_490 = arith.constant 16 : index
      %parallel_loop3A_491 = tpu.vector_load %parallel_loop3A_488[%parallel_loop3A_489, %parallel_loop3A_490] {strides = array<i32>} : memref<64x128xf32, #tpu.memory_space<vmem>>, vector<1x16xf32>,
      %parallel_loop3A_492 = vector.shape_cast %parallel_loop3A_491 : vector<1x16xf32> to vector<16xf32>
      %parallel_loop3A_493 = arith.constant 0 : i32
      %parallel_loop3A_494 = arith.constant 0 : i32
      %parallel_loop3A_495 = tpu.memref_slice %arg8[%parallel_loop3A_445, %parallel_loop3A_493, %parallel_loop3A_494] : memref<3x64x128xf32, #tpu.memory_space<vmem>> -> memref<1x64x128xf32, #tpu.memory_space<vmem>>
      %parallel_loop3A_496 = tpu.memref_squeeze %parallel_loop3A_495 : memref<1x64x128xf32, #tpu.memory_space<vmem>> -> memref<64x128xf32, #tpu.memory_space<vmem>>
      %parallel_loop3A_497 = arith.index_cast %parallel_loop3A_457 : i32 to index
      %parallel_loop3A_498 = arith.constant 16 : index
      %parallel_loop3A_499 = tpu.vector_load %parallel_loop3A_496[%parallel_loop3A_497, %parallel_loop3A_498] {strides = array<i32>} : memref<64x128xf32, #tpu.memory_space<vmem>>, vector<1x16xf32>,
      %parallel_loop3A_500 = vector.shape_cast %parallel_loop3A_499 : vector<1x16xf32> to vector<16xf32>
      %parallel_loop3A_501 = arith.subf %parallel_loop3A_492, %parallel_loop3A_500 : vector<16xf32>
      %parallel_loop3A_502 = arith.mulf %parallel_loop3A_501, %parallel_loop3A_501 : vector<16xf32>
      %parallel_loop3A_503 = arith.addf %parallel_loop3A_459, %parallel_loop3A_502 : vector<16xf32>
      %parallel_loop3A_504 = arith.constant 0 : i32
      %parallel_loop3A_505 = arith.constant 0 : i32
      %parallel_loop3A_506 = tpu.memref_slice %arg7[%parallel_loop3A_444, %parallel_loop3A_504, %parallel_loop3A_505] : memref<3x64x128xf32, #tpu.memory_space<vmem>> -> memref<1x64x128xf32, #tpu.memory_space<vmem>>
      %parallel_loop3A_507 = tpu.memref_squeeze %parallel_loop3A_506 : memref<1x64x128xf32, #tpu.memory_space<vmem>> -> memref<64x128xf32, #tpu.memory_space<vmem>>
      %parallel_loop3A_508 = arith.index_cast %parallel_loop3A_457 : i32 to index
      %parallel_loop3A_509 = arith.constant 32 : index
      %parallel_loop3A_510 = tpu.vector_load %parallel_loop3A_507[%parallel_loop3A_508, %parallel_loop3A_509] {strides = array<i32>} : memref<64x128xf32, #tpu.memory_space<vmem>>, vector<1x16xf32>,
      %parallel_loop3A_511 = vector.shape_cast %parallel_loop3A_510 : vector<1x16xf32> to vector<16xf32>
      %parallel_loop3A_512 = arith.constant 0 : i32
      %parallel_loop3A_513 = arith.constant 0 : i32
      %parallel_loop3A_514 = tpu.memref_slice %arg8[%parallel_loop3A_445, %parallel_loop3A_512, %parallel_loop3A_513] : memref<3x64x128xf32, #tpu.memory_space<vmem>> -> memref<1x64x128xf32, #tpu.memory_space<vmem>>
      %parallel_loop3A_515 = tpu.memref_squeeze %parallel_loop3A_514 : memref<1x64x128xf32, #tpu.memory_space<vmem>> -> memref<64x128xf32, #tpu.memory_space<vmem>>
      %parallel_loop3A_516 = arith.index_cast %parallel_loop3A_457 : i32 to index
      %parallel_loop3A_517 = arith.constant 32 : index
      %parallel_loop3A_518 = tpu.vector_load %parallel_loop3A_515[%parallel_loop3A_516, %parallel_loop3A_517] {strides = array<i32>} : memref<64x128xf32, #tpu.memory_space<vmem>>, vector<1x16xf32>,
      %parallel_loop3A_519 = vector.shape_cast %parallel_loop3A_518 : vector<1x16xf32> to vector<16xf32>
      %parallel_loop3A_520 = arith.subf %parallel_loop3A_511, %parallel_loop3A_519 : vector<16xf32>
      %parallel_loop3A_521 = arith.mulf %parallel_loop3A_520, %parallel_loop3A_520 : vector<16xf32>
      %parallel_loop3A_522 = arith.addf %parallel_loop3A_460, %parallel_loop3A_521 : vector<16xf32>
      %parallel_loop3A_523 = arith.constant 0 : i32
      %parallel_loop3A_524 = arith.constant 0 : i32
      %parallel_loop3A_525 = tpu.memref_slice %arg7[%parallel_loop3A_444, %parallel_loop3A_523, %parallel_loop3A_524] : memref<3x64x128xf32, #tpu.memory_space<vmem>> -> memref<1x64x128xf32, #tpu.memory_space<vmem>>
      %parallel_loop3A_526 = tpu.memref_squeeze %parallel_loop3A_525 : memref<1x64x128xf32, #tpu.memory_space<vmem>> -> memref<64x128xf32, #tpu.memory_space<vmem>>
      %parallel_loop3A_527 = arith.index_cast %parallel_loop3A_457 : i32 to index
      %parallel_loop3A_528 = arith.constant 48 : index
      %parallel_loop3A_529 = tpu.vector_load %parallel_loop3A_526[%parallel_loop3A_527, %parallel_loop3A_528] {strides = array<i32>} : memref<64x128xf32, #tpu.memory_space<vmem>>, vector<1x16xf32>,
      %parallel_loop3A_530 = vector.shape_cast %parallel_loop3A_529 : vector<1x16xf32> to vector<16xf32>
      %parallel_loop3A_531 = arith.constant 0 : i32
      %parallel_loop3A_532 = arith.constant 0 : i32
      %parallel_loop3A_533 = tpu.memref_slice %arg8[%parallel_loop3A_445, %parallel_loop3A_531, %parallel_loop3A_532] : memref<3x64x128xf32, #tpu.memory_space<vmem>> -> memref<1x64x128xf32, #tpu.memory_space<vmem>>
      %parallel_loop3A_534 = tpu.memref_squeeze %parallel_loop3A_533 : memref<1x64x128xf32, #tpu.memory_space<vmem>> -> memref<64x128xf32, #tpu.memory_space<vmem>>
      %parallel_loop3A_535 = arith.index_cast %parallel_loop3A_457 : i32 to index
      %parallel_loop3A_536 = arith.constant 48 : index
      %parallel_loop3A_537 = tpu.vector_load %parallel_loop3A_534[%parallel_loop3A_535, %parallel_loop3A_536] {strides = array<i32>} : memref<64x128xf32, #tpu.memory_space<vmem>>, vector<1x16xf32>,
      %parallel_loop3A_538 = vector.shape_cast %parallel_loop3A_537 : vector<1x16xf32> to vector<16xf32>
      %parallel_loop3A_539 = arith.subf %parallel_loop3A_530, %parallel_loop3A_538 : vector<16xf32>
      %parallel_loop3A_540 = arith.mulf %parallel_loop3A_539, %parallel_loop3A_539 : vector<16xf32>
      %parallel_loop3A_541 = arith.addf %parallel_loop3A_461, %parallel_loop3A_540 : vector<16xf32>
      %parallel_loop3A_542 = arith.constant 0 : i32
      %parallel_loop3A_543 = arith.constant 0 : i32
      %parallel_loop3A_544 = tpu.memref_slice %arg7[%parallel_loop3A_444, %parallel_loop3A_542, %parallel_loop3A_543] : memref<3x64x128xf32, #tpu.memory_space<vmem>> -> memref<1x64x128xf32, #tpu.memory_space<vmem>>
      %parallel_loop3A_545 = tpu.memref_squeeze %parallel_loop3A_544 : memref<1x64x128xf32, #tpu.memory_space<vmem>> -> memref<64x128xf32, #tpu.memory_space<vmem>>
      %parallel_loop3A_546 = arith.index_cast %parallel_loop3A_457 : i32 to index
      %parallel_loop3A_547 = arith.constant 64 : index
      %parallel_loop3A_548 = tpu.vector_load %parallel_loop3A_545[%parallel_loop3A_546, %parallel_loop3A_547] {strides = array<i32>} : memref<64x128xf32, #tpu.memory_space<vmem>>, vector<1x16xf32>,
      %parallel_loop3A_549 = vector.shape_cast %parallel_loop3A_548 : vector<1x16xf32> to vector<16xf32>
      %parallel_loop3A_550 = arith.constant 0 : i32
      %parallel_loop3A_551 = arith.constant 0 : i32
      %parallel_loop3A_552 = tpu.memref_slice %arg8[%parallel_loop3A_445, %parallel_loop3A_550, %parallel_loop3A_551] : memref<3x64x128xf32, #tpu.memory_space<vmem>> -> memref<1x64x128xf32, #tpu.memory_space<vmem>>
      %parallel_loop3A_553 = tpu.memref_squeeze %parallel_loop3A_552 : memref<1x64x128xf32, #tpu.memory_space<vmem>> -> memref<64x128xf32, #tpu.memory_space<vmem>>
      %parallel_loop3A_554 = arith.index_cast %parallel_loop3A_457 : i32 to index
      %parallel_loop3A_555 = arith.constant 64 : index
      %parallel_loop3A_556 = tpu.vector_load %parallel_loop3A_553[%parallel_loop3A_554, %parallel_loop3A_555] {strides = array<i32>} : memref<64x128xf32, #tpu.memory_space<vmem>>, vector<1x16xf32>,
      %parallel_loop3A_557 = vector.shape_cast %parallel_loop3A_556 : vector<1x16xf32> to vector<16xf32>
      %parallel_loop3A_558 = arith.subf %parallel_loop3A_549, %parallel_loop3A_557 : vector<16xf32>
      %parallel_loop3A_559 = arith.mulf %parallel_loop3A_558, %parallel_loop3A_558 : vector<16xf32>
      %parallel_loop3A_560 = arith.addf %parallel_loop3A_462, %parallel_loop3A_559 : vector<16xf32>
      %parallel_loop3A_561 = arith.constant 0 : i32
      %parallel_loop3A_562 = arith.constant 0 : i32
      %parallel_loop3A_563 = tpu.memref_slice %arg7[%parallel_loop3A_444, %parallel_loop3A_561, %parallel_loop3A_562] : memref<3x64x128xf32, #tpu.memory_space<vmem>> -> memref<1x64x128xf32, #tpu.memory_space<vmem>>
      %parallel_loop3A_564 = tpu.memref_squeeze %parallel_loop3A_563 : memref<1x64x128xf32, #tpu.memory_space<vmem>> -> memref<64x128xf32, #tpu.memory_space<vmem>>
      %parallel_loop3A_565 = arith.index_cast %parallel_loop3A_457 : i32 to index
      %parallel_loop3A_566 = arith.constant 80 : index
      %parallel_loop3A_567 = tpu.vector_load %parallel_loop3A_564[%parallel_loop3A_565, %parallel_loop3A_566] {strides = array<i32>} : memref<64x128xf32, #tpu.memory_space<vmem>>, vector<1x16xf32>,
      %parallel_loop3A_568 = vector.shape_cast %parallel_loop3A_567 : vector<1x16xf32> to vector<16xf32>
      %parallel_loop3A_569 = arith.constant 0 : i32
      %parallel_loop3A_570 = arith.constant 0 : i32
      %parallel_loop3A_571 = tpu.memref_slice %arg8[%parallel_loop3A_445, %parallel_loop3A_569, %parallel_loop3A_570] : memref<3x64x128xf32, #tpu.memory_space<vmem>> -> memref<1x64x128xf32, #tpu.memory_space<vmem>>
      %parallel_loop3A_572 = tpu.memref_squeeze %parallel_loop3A_571 : memref<1x64x128xf32, #tpu.memory_space<vmem>> -> memref<64x128xf32, #tpu.memory_space<vmem>>
      %parallel_loop3A_573 = arith.index_cast %parallel_loop3A_457 : i32 to index
      %parallel_loop3A_574 = arith.constant 80 : index
      %parallel_loop3A_575 = tpu.vector_load %parallel_loop3A_572[%parallel_loop3A_573, %parallel_loop3A_574] {strides = array<i32>} : memref<64x128xf32, #tpu.memory_space<vmem>>, vector<1x16xf32>,
      %parallel_loop3A_576 = vector.shape_cast %parallel_loop3A_575 : vector<1x16xf32> to vector<16xf32>
      %parallel_loop3A_577 = arith.subf %parallel_loop3A_568, %parallel_loop3A_576 : vector<16xf32>
      %parallel_loop3A_578 = arith.mulf %parallel_loop3A_577, %parallel_loop3A_577 : vector<16xf32>
      %parallel_loop3A_579 = arith.addf %parallel_loop3A_463, %parallel_loop3A_578 : vector<16xf32>
      %parallel_loop3A_580 = arith.constant 0 : i32
      %parallel_loop3A_581 = arith.constant 0 : i32
      %parallel_loop3A_582 = tpu.memref_slice %arg7[%parallel_loop3A_444, %parallel_loop3A_580, %parallel_loop3A_581] : memref<3x64x128xf32, #tpu.memory_space<vmem>> -> memref<1x64x128xf32, #tpu.memory_space<vmem>>
      %parallel_loop3A_583 = tpu.memref_squeeze %parallel_loop3A_582 : memref<1x64x128xf32, #tpu.memory_space<vmem>> -> memref<64x128xf32, #tpu.memory_space<vmem>>
      %parallel_loop3A_584 = arith.index_cast %parallel_loop3A_457 : i32 to index
      %parallel_loop3A_585 = arith.constant 96 : index
      %parallel_loop3A_586 = tpu.vector_load %parallel_loop3A_583[%parallel_loop3A_584, %parallel_loop3A_585] {strides = array<i32>} : memref<64x128xf32, #tpu.memory_space<vmem>>, vector<1x16xf32>,
      %parallel_loop3A_587 = vector.shape_cast %parallel_loop3A_586 : vector<1x16xf32> to vector<16xf32>
      %parallel_loop3A_588 = arith.constant 0 : i32
      %parallel_loop3A_589 = arith.constant 0 : i32
      %parallel_loop3A_590 = tpu.memref_slice %arg8[%parallel_loop3A_445, %parallel_loop3A_588, %parallel_loop3A_589] : memref<3x64x128xf32, #tpu.memory_space<vmem>> -> memref<1x64x128xf32, #tpu.memory_space<vmem>>
      %parallel_loop3A_591 = tpu.memref_squeeze %parallel_loop3A_590 : memref<1x64x128xf32, #tpu.memory_space<vmem>> -> memref<64x128xf32, #tpu.memory_space<vmem>>
      %parallel_loop3A_592 = arith.index_cast %parallel_loop3A_457 : i32 to index
      %parallel_loop3A_593 = arith.constant 96 : index
      %parallel_loop3A_594 = tpu.vector_load %parallel_loop3A_591[%parallel_loop3A_592, %parallel_loop3A_593] {strides = array<i32>} : memref<64x128xf32, #tpu.memory_space<vmem>>, vector<1x16xf32>,
      %parallel_loop3A_595 = vector.shape_cast %parallel_loop3A_594 : vector<1x16xf32> to vector<16xf32>
      %parallel_loop3A_596 = arith.subf %parallel_loop3A_587, %parallel_loop3A_595 : vector<16xf32>
      %parallel_loop3A_597 = arith.mulf %parallel_loop3A_596, %parallel_loop3A_596 : vector<16xf32>
      %parallel_loop3A_598 = arith.addf %parallel_loop3A_464, %parallel_loop3A_597 : vector<16xf32>
      %parallel_loop3A_599 = arith.constant 0 : i32
      %parallel_loop3A_600 = arith.constant 0 : i32
      %parallel_loop3A_601 = tpu.memref_slice %arg7[%parallel_loop3A_444, %parallel_loop3A_599, %parallel_loop3A_600] : memref<3x64x128xf32, #tpu.memory_space<vmem>> -> memref<1x64x128xf32, #tpu.memory_space<vmem>>
      %parallel_loop3A_602 = tpu.memref_squeeze %parallel_loop3A_601 : memref<1x64x128xf32, #tpu.memory_space<vmem>> -> memref<64x128xf32, #tpu.memory_space<vmem>>
      %parallel_loop3A_603 = arith.index_cast %parallel_loop3A_457 : i32 to index
      %parallel_loop3A_604 = arith.constant 112 : index
      %parallel_loop3A_605 = tpu.vector_load %parallel_loop3A_602[%parallel_loop3A_603, %parallel_loop3A_604] {strides = array<i32>} : memref<64x128xf32, #tpu.memory_space<vmem>>, vector<1x16xf32>,
      %parallel_loop3A_606 = vector.shape_cast %parallel_loop3A_605 : vector<1x16xf32> to vector<16xf32>
      %parallel_loop3A_607 = arith.constant 0 : i32
      %parallel_loop3A_608 = arith.constant 0 : i32
      %parallel_loop3A_609 = tpu.memref_slice %arg8[%parallel_loop3A_445, %parallel_loop3A_607, %parallel_loop3A_608] : memref<3x64x128xf32, #tpu.memory_space<vmem>> -> memref<1x64x128xf32, #tpu.memory_space<vmem>>
      %parallel_loop3A_610 = tpu.memref_squeeze %parallel_loop3A_609 : memref<1x64x128xf32, #tpu.memory_space<vmem>> -> memref<64x128xf32, #tpu.memory_space<vmem>>
      %parallel_loop3A_611 = arith.index_cast %parallel_loop3A_457 : i32 to index
      %parallel_loop3A_612 = arith.constant 112 : index
      %parallel_loop3A_613 = tpu.vector_load %parallel_loop3A_610[%parallel_loop3A_611, %parallel_loop3A_612] {strides = array<i32>} : memref<64x128xf32, #tpu.memory_space<vmem>>, vector<1x16xf32>,
      %parallel_loop3A_614 = vector.shape_cast %parallel_loop3A_613 : vector<1x16xf32> to vector<16xf32>
      %parallel_loop3A_615 = arith.subf %parallel_loop3A_606, %parallel_loop3A_614 : vector<16xf32>
      %parallel_loop3A_616 = arith.mulf %parallel_loop3A_615, %parallel_loop3A_615 : vector<16xf32>
      %parallel_loop3A_617 = arith.addf %parallel_loop3A_465, %parallel_loop3A_616 : vector<16xf32>
      scf.yield %parallel_loop3A_484, %parallel_loop3A_503, %parallel_loop3A_522, %parallel_loop3A_541, %parallel_loop3A_560, %parallel_loop3A_579, %parallel_loop3A_598, %parallel_loop3A_617 : vector<16xf32>, vector<16xf32>, vector<16xf32>, vector<16xf32>, vector<16xf32>, vector<16xf32>, vector<16xf32>, vector<16xf32>
    } {sc.loop_unroll_factor = 4 : i64, sc.parallel_access}
    %add3A_447 = arith.addf %parallel_loop3A_446#0, %parallel_loop3A_446#1 : vector<16xf32>
    %add3A_448 = arith.addf %add3A_447, %parallel_loop3A_446#2 : vector<16xf32>
    %add3A_449 = arith.addf %add3A_448, %parallel_loop3A_446#3 : vector<16xf32>
    %add3A_450 = arith.addf %add3A_449, %parallel_loop3A_446#4 : vector<16xf32>
    %add3A_451 = arith.addf %add3A_450, %parallel_loop3A_446#5 : vector<16xf32>
    %add3A_452 = arith.addf %add3A_451, %parallel_loop3A_446#6 : vector<16xf32>
    %add3A_453 = arith.addf %add3A_452, %parallel_loop3A_446#7 : vector<16xf32>
    %swap3A = arith.constant 0 : index
    %swap3A_454 = tpu.vector_load %arg9[%swap3A] {strides = array<i32>} : memref<16xf32, #tpu.memory_space<vmem>>, vector<16xf32>,
    %swap3A_455 = vector.shape_cast %swap3A_454 : vector<16xf32> to vector<16xf32>
    %swap3A_456 = vector.shape_cast %add3A_453 : vector<16xf32> to vector<16xf32>
    tpu.vector_store %arg9[%swap3A], %swap3A_456 {strides = array<i32>} : memref<16xf32, #tpu.memory_space<vmem>>, vector<16xf32>,
    "tpu.region"() ({
      %run_scoped3A = tpu.sem_alloc : memref<!tpu.dma_semaphore, #tpu.memory_space<semaphore_mem>>
      %dma_start3A_457 = arith.constant 0 : i32
      %dma_start3A_458 = tpu.memref_slice %arg5[%add3A, %dma_start3A_457] : memref<32x16xf32, #tpu.memory_space<hbm>> -> memref<1x16xf32, #tpu.memory_space<hbm>>
      %dma_start3A_459 = tpu.memref_squeeze %dma_start3A_458 : memref<1x16xf32, #tpu.memory_space<hbm>> -> memref<16xf32, #tpu.memory_space<hbm>>
      %dma_start3A_460 = arith.constant 0 : i32
      %dma_start3A_461 = tpu.memref_slice %arg5[%add3A, %dma_start3A_460] : memref<32x16xf32, #tpu.memory_space<hbm>> -> memref<1x16xf32, #tpu.memory_space<hbm>>
      %dma_start3A_462 = tpu.memref_squeeze %dma_start3A_461 : memref<1x16xf32, #tpu.memory_space<hbm>> -> memref<16xf32, #tpu.memory_space<hbm>>
      tpu.enqueue_dma source(%arg9 : memref<16xf32, #tpu.memory_space<vmem>>) target(%dma_start3A_462 : memref<16xf32, #tpu.memory_space<hbm>>) target_semaphore(%run_scoped3A : memref<!tpu.dma_semaphore, #tpu.memory_space<semaphore_mem>>)
      %dma_wait3A_463 = arith.constant 0 : i32
      %dma_wait3A_464 = tpu.memref_slice %arg5[%add3A, %dma_wait3A_463] : memref<32x16xf32, #tpu.memory_space<hbm>> -> memref<1x16xf32, #tpu.memory_space<hbm>>
      %dma_wait3A_465 = tpu.memref_squeeze %dma_wait3A_464 : memref<1x16xf32, #tpu.memory_space<hbm>> -> memref<16xf32, #tpu.memory_space<hbm>>
      %dma_wait3A_466 = arith.constant 0 : i32
      %dma_wait3A_467 = tpu.memref_slice %arg5[%add3A, %dma_wait3A_466] : memref<32x16xf32, #tpu.memory_space<hbm>> -> memref<1x16xf32, #tpu.memory_space<hbm>>
      %dma_wait3A_468 = tpu.memref_squeeze %dma_wait3A_467 : memref<1x16xf32, #tpu.memory_space<hbm>> -> memref<16xf32, #tpu.memory_space<hbm>>
      tpu.wait_dma2 semaphore(%run_scoped3A : memref<!tpu.dma_semaphore, #tpu.memory_space<semaphore_mem>>) src(%arg9 : memref<16xf32, #tpu.memory_space<vmem>>) dst(%dma_wait3A_468 : memref<16xf32, #tpu.memory_space<hbm>>)
      tpu.yield
    }) : () -> ()
    return
  }
}

</mosaic_0001>

<sc_bundles>
// kernel: kernel.3.cloned.1.call-start
scs
__scs_entry_jumppad:
0x0: {  	(pc) =	sbr.rel $0x88, $3  }
0x1: {  	(tag) =	ssettag $0x0;
	lr =	simm.s32 $0x1  }
0x2: {  	[smem:$0x3F9E] =	sst lr;
	_ =	strace $0xD0000000  }
0x3: {  	_ = 	snop  }
0x4: {  	_ = 	snop  }
0x5: {  	_ = 	snop  }
0x6: {  	_ = 	snop  }
0x7: {  	_ = 	snop  }
__scs_overlays_trampoline_lowered:
0x8: {  	[smem:$0x3FAD] =	sst s0  }
0x9: {  	[smem:$0x3FAE] =	sst s1  }
0xa: {  	[smem:$0x3FAF] =	sst s2  }
0xb: {  	[smem:$0x3FB0] =	sst s3  }
0xc: {  	[smem:$0x3FB1] =	sst s4  }
0xd: {  	[smem:$0x3FB2] =	sst s5  }
0xe: {  	[smem:$0x3FB3] =	sst s6  }
0xf: {  	[smem:$0x3FB4] =	sst s7  }
0x10: {  	[smem:$0x3FB5] =	sst s8  }
0x11: {  	[smem:$0x3FB6] =	sst s9;
	s0 =	simm.s32 @!p0 $0x0  }
0x12: {  	s1 =	sld [smem:$0x3F9C];
	s0 =	simm.s32 @p0 $0x1  }
0x13: {  	[smem:$0x3FB7] =	sst s0;
	s0 =	simm.s32 @!p1 $0x0  }
0x14: {  	s2 =	sld [smem:$0x3F9B];
	s0 =	simm.s32 @p1 $0x1  }
0x15: {  	[smem:$0x3FB8] =	sst s0;
	s0 =	simm.s32 @!p2 $0x0  }
0x16: {  	s3 =	sld [smem:$0x3FDB];
	s0 =	simm.s32 @p2 $0x1  }
0x17: {  	s4 =	simm.s32 $0x1BF5;
	[smem:$0x3FBA] =	sst s0  }
0x18: {  	s0 =	sld [smem:$0x3F9D];
	_ =	swait.ge [sflag:s4], $0x0  }
0x19: {  	s7 =	sld [smem:$0x3F9E]  }
0x1a: {  	s8 =	sadd.s32 $0xFFFFE003, lr  }
0x1b: {  	s9 =	sadd.s32 $0xFFFFFEF7, lr;
	s5 =	simm.s32 $0xFFFFFFFF;
	p2 =	slt.u32 s8, $0xFFFFF086  }
0x1c: {  	p1 =	slt.u32 s9, $0xF7A;
	s5 =	simm.s32 @!p2 $0x0  }
0x1d: {  	s5 =	simm.s32 @p1 $0x1;
	p0 =	seq.s32 s7, s2  }
0x1e: {  	s7 =	smul.u32 @!p0 $0xF7A, s2;
	p2 =	seq.s32 @!p0 s5, $0x0  }
0x1f: {  	s9 =	smul.u32 $0xF7A, s1;
	s8 =	simm.s32 @!p0 $0x1BF5;
	p2 =	por !p2, p0  }
0x20: {  	[sflag:s8] =	ssyncset.s32 @!p0 $0xFFFFF086;
	s6 =	sadd.s32 @!p0 s3, s7;
	s7 =	simm.s32 @!p0 $0x108  }
0x21: {  	s3 =	sadd.s32 s3, s9;
	s6 =	sadd.s32 @!p0 $0x88, s6;
	s7 =	simm.s32 @p2 $0x1082  }
0x22: {  	[simem:s7], [sflag:s8] =	dma.local @!p0 [hbm:s6], $0xF7A  }
0x23: {  	s9 =	sor.u32 $0xD0000000, s2;
	s6 =	simm.s32 $0x108;
	_ =	swait.ge @!p0 [sflag:s8], $0x0  }
0x24: {  	s3 =	sadd.s32 $0x88, s3;
	s6 =	simm.s32 @!p1 $0x1082;
	[sflag:s4] =	ssyncset.s32 $0xFFFFF086  }
0x25: {  	[simem:s6], [sflag:s4] =	dma.local [hbm:s3], $0xF7A  }
0x26: {  	[smem:$0x3F9E] =	sst s1;
	(tag) =	ssettag s2;
	_ =	strace s9  }
0x27: {  	s1 =	sld [smem:$0x3FAE]  }
0x28: {  	s2 =	sld [smem:$0x3FAF]  }
0x29: {  	s4 =	sld [smem:$0x3FB1]  }
0x2a: {  	p0 =	seq.s32 s5, $0x0;
	s5 =	sld [smem:$0x3FB2]  }
0x2b: {  	s6 =	sld [smem:$0x3FB3]  }
0x2c: {  	s7 =	sld [smem:$0x3FB4]  }
0x2d: {  	s3 =	simm.s32 $0x108;
	s8 =	sld [smem:$0x3FB5]  }
0x2e: {  	s3 =	simm.s32 @!p0 $0x1082;
	s9 =	sld [smem:$0x3FB6]  }
0x2f: {  	lr =	sadd.s32 s0, s3;
	s0 =	sld [smem:$0x3FAD]  }
0x30: {  	s3 =	sld [smem:$0x3FB0]  }
0x31: {  	[smem:$0x3FB9] =	sst s10  }
0x32: {  	s10 =	sld [smem:$0x3FB7];
	_ =	sdelay $0x3  }
0x33: {  	p0 =	seq.s32 s10, $0x1;
	s10 =	sld [smem:$0x3FB9];
	_ =	sdelay $0x3  }
0x34: {  	[smem:$0x3FB9] =	sst s10  }
0x35: {  	s10 =	sld [smem:$0x3FB8];
	_ =	sdelay $0x3  }
0x36: {  	p1 =	seq.s32 s10, $0x1;
	s10 =	sld [smem:$0x3FB9];
	_ =	sdelay $0x3  }
0x37: {  	[smem:$0x3FB9] =	sst s10  }
0x38: {  	s10 =	sld [smem:$0x3FBA]  }
0x39: {  	_ = 	snop;
	(pc) =	sbr.ind lr, $3  }
0x3a: {  	_ = 	snop  }
0x3b: {  	_ = 	snop  }
0x3c: {  	p2 =	seq.s32 s10, $0x1;
	s10 =	sld [smem:$0x3FB9]  }
0x3d: {  	_ =	shalt  }
0x3e: {  	_ =	shalt  }
0x3f: {  	_ =	shalt  }
0x40: {  	_ =	shalt  }
0x41: {  	_ =	shalt  }
0x42: {  	_ =	shalt  }
0x43: {  	_ =	shalt  }
0x44: {  	_ =	shalt  }
0x45: {  	_ =	shalt  }
0x46: {  	_ =	shalt  }
0x47: {  	_ =	shalt  }
0x48: {  	_ =	shalt  }
0x49: {  	_ =	shalt  }
0x4a: {  	_ =	shalt  }
0x4b: {  	_ =	shalt  }
0x4c: {  	_ =	shalt  }
0x4d: {  	_ =	shalt  }
0x4e: {  	_ =	shalt  }
0x4f: {  	_ =	shalt  }
0x50: {  	_ =	shalt  }
0x51: {  	_ =	shalt  }
0x52: {  	_ =	shalt  }
0x53: {  	_ =	shalt  }
0x54: {  	_ =	shalt  }
0x55: {  	_ =	shalt  }
0x56: {  	_ =	shalt  }
0x57: {  	_ =	shalt  }
0x58: {  	_ =	shalt  }
0x59: {  	_ =	shalt  }
0x5a: {  	_ =	shalt  }
0x5b: {  	_ =	shalt  }
0x5c: {  	_ =	shalt  }
0x5d: {  	_ =	shalt  }
0x5e: {  	_ =	shalt  }
0x5f: {  	_ =	shalt  }
0x60: {  	_ =	shalt  }
0x61: {  	_ =	shalt  }
0x62: {  	_ =	shalt  }
0x63: {  	_ =	shalt  }
0x64: {  	_ =	shalt  }
0x65: {  	_ =	shalt  }
0x66: {  	_ =	shalt  }
0x67: {  	_ =	shalt  }
0x68: {  	_ =	shalt  }
0x69: {  	_ =	shalt  }
0x6a: {  	_ =	shalt  }
0x6b: {  	_ =	shalt  }
0x6c: {  	_ =	shalt  }
0x6d: {  	_ =	shalt  }
0x6e: {  	_ =	shalt  }
0x6f: {  	_ =	shalt  }
0x70: {  	_ =	shalt  }
0x71: {  	_ =	shalt  }
0x72: {  	_ =	shalt  }
0x73: {  	_ =	shalt  }
0x74: {  	_ =	shalt  }
0x75: {  	_ =	shalt  }
0x76: {  	_ =	shalt  }
0x77: {  	_ =	shalt  }
0x78: {  	_ =	shalt  }
0x79: {  	_ =	shalt  }
0x7a: {  	_ =	shalt  }
0x7b: {  	_ =	shalt  }
0x7c: {  	_ =	shalt  }
0x7d: {  	_ =	shalt  }
0x7e: {  	_ =	shalt  }
0x7f: {  	_ =	shalt  }
0x80: {  	_ =	shalt  }
0x81: {  	_ =	shalt  }
0x82: {  	_ =	shalt  }
0x83: {  	_ =	shalt  }
0x84: {  	_ =	shalt  }
0x85: {  	_ =	shalt  }
0x86: {  	_ =	shalt  }
0x87: {  	_ =	shalt  }
.Lfunc_end0:
.L_simem_size_0:
called_computation_lowered:
.L_overlay_start_0:
0x88: {  	s2 =	sld [smem:$0x3FD9]  }
0x89: {  	s3 =	sld [smem:$0x3FFE];
	_ =	sdelay $0x1  }
0x8a: {  	s1 =	srdreg.scid  }
0x8b: {  	s0 =	sand.u32 $0x1, s1  }
0x8c: {  	s17 =	sshll.u32 s0, $0xA;
	s2 =	sadd.s32 s3, s2  }
0x8d: {  	s2 =	sadd.s32 s2, s17  }
0x8e: {  	[smem:$0x3FC5] =	sst s2  }
0x8f: {  	_ = 	snop  }
0x90: {  	s2 =	sld [smem:$0x3FC9]  }
0x91: {  	s18 =	sld [smem:$0x3FC8]  }
0x92: {  	s4 =	sld [smem:$0x3FC7];
	(tm) =	ssettm $0x1  }
0x93: {  	s5 =	sld [smem:$0x3FFB];
	_ =	sdelay $0x3  }
0x94: {  	_ =	strace s5  }
0x95: {  	s5 =	sld [smem:$0x3FFC];
	_ =	sdelay $0x3  }
0x96: {  	_ =	strace s5  }
0x97: {  	s5 =	sld [smem:$0x3FFD];
	_ =	sdelay $0x3  }
0x98: {  	_ =	strace s5  }
0x99: {  	_ =	strace $0x8FFFFFFF  }
0x9a: {  	s19 =	sld [smem:$0x3FDB];
	_ =	sdelay $0x1  }
0x9b: {  	s6 =	simm.s32 $_scs_section_size  }
0x9c: {  	s7 =	simm.s32 $_size__tile_overlayer_lowered;
	s8 =	simm.s32 $_tile_overlayer_lowered  }
0x9d: {  	s22 =	simm.s32 $0x1BFF;
	s21 =	sshll.u32 s8, $0x1;
	s5 =	sadd.s32 s6, s19  }
0x9e: {  	s9 =	simm.s32 $0x0;
	s20 =	sshll.u32 s7, $0x1;
	s7 =	sadd.s32 s21, s5  }
0x9f: {  	[timem:s9], [sflag:s22] =	dma.local [hbm:s7], s20  }
0xa0: {  	_ =	swait.ge [sflag:s22], s20  }
0xa1: {  	s6 =	ssub.s32 $0x0, s20;
	[sflag:s22] =	ssyncset.done $0x0  }
0xa2: {  	[sflag:s22] =	ssyncadd.s32 s6;
	_ =	sdelay $0x1  }
0xa3: {  	s23 =	simm.s32 $0x1B8B  }
0xa4: {  	_ =	swait.ge [sflag:s23], $0x1  }
0xa5: {  	[sflag:s23] =	ssyncset.done $0x0  }
0xa6: {  	s25 =	simm.s32 $0x1B8E;
	s24 =	sld [smem:$0x3FFE];
	[sflag:s23] =	ssyncadd.s32 $0xFFFFFFFF  }
0xa7: {  	s26 =	simm.s32 $execute0_lowered;
	[smem:$0x3FD2] =	sst s25  }
0xa8: {  	s7 =	sshll.u32 s26, $0x1;
	_ =	strace $0x80000046;
	[dreg:$0x1] =	wrdreg $0xFFFFFFFF  }
0xa9: {  	s28 =	simm.s32 $_size_execute0_lowered;
	s5 =	sadd.s32 s5, s7;
	[dreg:$0x0] =	wrdreg $0x0  }
0xaa: {  	s7 =	sshll.u32 s28, $0x1;
	[dreg:$0x2] =	wrdreg s5  }
0xab: {  	[dreg:$0x3] =	wrdreg s7  }
0xac: {  	[dreg:$0x4] =	wrdreg $0xC0  }
0xad: {  	_ =	task [dreg:s9], $0x5FFFF  }
0xae: {  	[dreg:$0x1] =	wrdreg $0xFFFFFFFF  }
0xaf: {  	[dreg:$0x0] =	wrdreg $0x60  }
0xb0: {  	[dreg:$0x2] =	wrdreg s2  }
0xb1: {  	[dreg:$0x3] =	wrdreg s18  }
0xb2: {  	[dreg:$0x4] =	wrdreg s4  }
0xb3: {  	[dreg:$0x5] =	wrdreg s24  }
0xb4: {  	[dreg:$0x6] =	wrdreg $0x9  }
0xb5: {  	_ =	task.clear_ibuf [dreg:s9], $0x7FFFF;
	_ =	strace $0x90000046  }
0xb6: {  	s29 =	simm.s32 $0x9;
	_ =	strace $0x80000048  }
0xb7: {  	_ =	swait.ge [sflag:s29], $0x1  }
0xb8: {  	[sflag:s29] =	ssyncadd.s32 $0xFFFFFFFF  }
0xb9: {  	_ =	strace $0x90000048  }
0xba: {  	_ =	sfence  }
0xbb: {  	s30 =	sld [smem:$0x0];
	_ =	sdelay $0x2  }
0xbc: {  	s31 =	sshll.u32 s1, $0xD;
	s1 =	sshrl.u32 s1, $0x2  }
0xbd: {  	s3 =	sand.u32 $0x4000, s31;
	s1 =	sadd.s32 s1, s30  }
0xbe: {  	s0 =	sor.u32 s3, s0;
	s1 =	sshll.u32 s1, $0x11  }
0xbf: {  	s0 =	sor.u32 s1, s0  }
0xc0: {  	s0 =	sadd.s32 $0x8F2B, s0  }
0xc1: {  	[sflag:s0] =	ssyncadd.remote.s32 $0x1  }
0xc2: {  	_ =	sfence.sel $0xFFFF  }
0xc3: {  	[dreg:$0x0] =	wrdreg $0xFFFFFFFF;
	(pc) =	sbr.abs _section_cstart, $3  }
0xc4: {  	[dreg:$0x1] =	wrdreg $0xFFFFFFFF  }
0xc5: {  	_ =	task.clear_ibuf [dreg:s9], $0x2FFFF;
	_ =	strace $0x9FFFFFFF  }
0xc6: {  	(tm) =	ssettm $0x7FFFFFFF  }
0xc7: {  	_ =	shalt  }
tec
execute0_lowered:
.L_overlay_start_1:
0x0: {  	(tag) =	ssettag $0x1  }
0x1: {  	s0 =	rddreg [dreg:$0x0]  }
0x2: {  	s1 =	rddreg [dreg:$0x1]  }
0x3: {  	s2 =	rddreg [dreg:$0x2]  }
0x4: {  	s13 =	rddreg [dreg:$0x3]  }
0x5: {  	s4 =	srdreg.scid;
	s5 =	stileid.u32  }
0x6: {  	s3 =	simm.s32 $0x0;
	s16 =	simm.s32 $0x2200;
	s17 =	simm.s32 $0x4200  }
0x7: {  	s18 =	simm.s32 $0x7;
	s19 =	simm.s32 $0x40;
	s20 =	simm.s32 $0x6200  }
0x8: {  	s21 =	simm.s32 $0x8200;
	s23 =	simm.s32 $0xA200;
	s28 =	simm.s32 $0x2  }
0x9: {  	s29 =	simm.s32 $0x5;
	s31 =	simm.s32 $0x3;
	s30 =	simm.s32 $0xC200  }
0xa: {  	s4 =	sand.u32 $0x1, s4;
	s5 =	sshll.u32 s5, $0x1;
	[smem:$0x7FF] =	sst s3  }
0xb: {  	s6 =	ssub.s32 $0x2, s4;
	s14 =	sor.u32 s4, s5;
	_ =	strace $0x80000047  }
0xc: {  	s24 =	sshrl.u32 s6, $0x1;
	s5 =	sshll.u32 s14, $0xD;
	s25 =	sshll.u32 s14, $0x6  }
0xd: {  	s26 =	sshll.u32 s14, $0x4;
	s15 =	ssub.s32 s6, s24;
	s4 =	sadd.s32 s0, s5  }
0xe: {  	s7 =	sadd.s32 s1, s25;
	s13 =	sadd.s32 s13, s26;
	s24 =	simm.s32 $0x1  }
0xf: {  	s25 =	simm.s32 $0x4;
	s0 =	simm.s32 $0x6;
	s1 =	simm.s32 $0x0  }
0x10: {  	s5 =	sadd.s32 $0x400, s4;
	s6 =	sadd.s32 $0x800, s4;
	s8 =	sadd.s32 $0xC00, s4  }
0x11: {  	s9 =	sadd.s32 $0x1000, s4;
	s10 =	sadd.s32 $0x1400, s4;
	s11 =	sadd.s32 $0x1800, s4  }
0x12: {  	s12 =	sadd.s32 $0x1C00, s4;
	s14 =	smax.u32 s15, $0x1;
	s15 =	simm.s32 $0x200  }
.LBB2_1:
0x13: {  	[tilespmem:s15], [sflag:$0x1] =	stream.linear.gather [hbm4b:s4+s3], $0x2000, $0x38;
	[tilespmem:$0xC280] =	vst v63  }
0x14: {  	_ = 	snop  }
0x15: {  	[tilespmem:s16], [sflag:$0x2] =	stream.linear.gather [hbm4b:s5+s3], $0x2000, $0x38;
	[tilespmem:$0xC280] =	vst v63  }
0x16: {  	_ = 	snop  }
0x17: {  	[tilespmem:s17], [sflag:$0x3] =	stream.linear.gather [hbm4b:s6+s3], $0x2000, $0x38;
	[tilespmem:$0xC280] =	vst v63  }
0x18: {  	_ = 	snop  }
0x19: {  	[tilespmem:s3], [sflag:$0x7] =	stream.linear.gather [hbm4b:s7+s3], $0x200, $0x38;
	[tilespmem:$0xC280] =	vst v63  }
0x1a: {  	_ =	swait.ge [sflag:s18], $0x200  }
0x1b: {  	[sflag:s18] =	ssyncset.done $0x0  }
0x1c: {  	[sflag:s18] =	ssyncadd.s32 $0xFFFFFE00  }
0x1d: {  	[tilespmem:s20], [sflag:$0x4] =	stream.indirect.gather [hbm4b:s2+s19], $0x80, s3, s19, $0xb8;
	[tilespmem:$0xC280] =	vst v63  }
0x1e: {  	_ = 	snop  }
0x1f: {  	[tilespmem:s21], [sflag:$0x5] =	stream.indirect.gather [hbm4b:s2+s19], $0x80, s19, s19, $0xb8;
	[tilespmem:$0xC280] =	vst v63  }
0x20: {  	s22 =	simm.s32 $0x80  }
0x21: {  	[tilespmem:s23], [sflag:$0x6] =	stream.indirect.gather [hbm4b:s2+s19], $0x80, s22, s19, $0xb8;
	[tilespmem:$0xC280] =	vst v63  }
0x22: {  	_ =	swait.ge [sflag:s24], $0x2000  }
0x23: {  	[sflag:s24] =	ssyncset.done $0x0  }
0x24: {  	[sflag:s24] =	ssyncadd.s32 $0xFFFFE000  }
0x25: {  	_ =	swait.ge [sflag:s25], $0x2000  }
0x26: {  	[sflag:s25] =	ssyncset.done $0x0  }
0x27: {  	s26 =	simm.s32 $0x0;
	[sflag:s25] =	ssyncadd.s32 $0xFFFFE000  }
0x28: {  	v0 =	vld [tilespmem:s26+$0x270]  }
0x29: {  	v1 =	vld [tilespmem:s26+$0x6270]  }
0x2a: {  	v2 =	vld [tilespmem:s26+$0x200]  }
0x2b: {  	v3 =	vld [tilespmem:s26+$0x6200]  }
0x2c: {  	v4 =	vld [tilespmem:s26+$0x210]  }
0x2d: {  	v5 =	vld [tilespmem:s26+$0x6210]  }
0x2e: {  	v6 =	vld [tilespmem:s26+$0x220]  }
0x2f: {  	v7 =	vld [tilespmem:s26+$0x6220]  }
0x30: {  	v9 =	vld [tilespmem:s26+$0x230]  }
0x31: {  	v10 =	vld [tilespmem:s26+$0x6230];
	_ =	sdelay $0x2  }
0x32: {  	v14 =	vld [tilespmem:s26+$0x240];
	v0 =	vsub.f32 v0, v1;
	v1 =	vsub.f32 v2, v3  }
0x33: {  	v2 =	vsub.f32 v4, v5;
	v5 =	vld [tilespmem:s26+$0x6240];
	v3 =	vsub.f32 v6, v7  }
0x34: {  	v8 =	vld [tilespmem:s26+$0x250];
	v4 =	vimm.f32 $0.0e+00;
	v6 =	vsub.f32 v9, v10;
	v0 =	vmul.f32 v0, v0  }
0x35: {  	v11 =	vld [tilespmem:s26+$0x6250];
	v7 =	vimm.f32 $0.0e+00;
	v1 =	vmul.f32 v1, v1;
	v2 =	vmul.f32 v2, v2  }
0x36: {  	v12 =	vld [tilespmem:s26+$0x6260];
	v3 =	vmul.f32 v3, v3;
	v13 =	vmul.f32 v6, v6;
	v0 =	vadd.f32 v0, v4  }
0x37: {  	s22 =	simm.s32 $0x80;
	v9 =	vld [tilespmem:s26+$0x260];
	v6 =	vimm.f32 $0.0e+00;
	v1 =	vadd.f32 v1, v4;
	v2 =	vadd.f32 v2, v4  }
0x38: {  	v10 =	vld [tilespmem:s22+$0x270];
	s26 =	simm.s32 $0x400;
	v3 =	vadd.f32 v3, v4;
	v14 =	vsub.f32 v14, v5;
	v5 =	vimm.f32 $0.0e+00  }
.LBB2_2:
0x39: {  	p0 =	sne.s32 s26, $0x7E00;
	v15 =	vld [tilespmem:s22+$0x6270]  }
0x3a: {  	v16 =	vld [tilespmem:s22+$0x200];
	v4 =	vadd.f32 v13, v4;
	v13 =	vmul.f32 v14, v14;
	v8 =	vsub.f32 v8, v11  }
0x3b: {  	v11 =	vld [tilespmem:s22+$0x6200]  }
0x3c: {  	v14 =	vld [tilespmem:s22+$0x210];
	v7 =	vadd.f32 v13, v7;
	v8 =	vmul.f32 v8, v8;
	v9 =	vsub.f32 v9, v12  }
0x3d: {  	v12 =	vld [tilespmem:s22+$0x6210]  }
0x3e: {  	v13 =	vld [tilespmem:s22+$0x220];
	v10 =	vsub.f32 v10, v15;
	v6 =	vadd.f32 v8, v6;
	v8 =	vmul.f32 v9, v9  }
0x3f: {  	v9 =	vld [tilespmem:s22+$0x6220]  }
0x40: {  	v11 =	vsub.f32 v16, v11;
	v15 =	vld [tilespmem:s22+$0x230];
	v10 =	vmul.f32 v10, v10;
	v5 =	vadd.f32 v8, v5  }
0x41: {  	v16 =	vld [tilespmem:s22+$0x6230]  }
0x42: {  	v8 =	vmul.f32 v11, v11;
	v11 =	vsub.f32 v14, v12;
	v14 =	vld [tilespmem:s22+$0x240];
	v0 =	vadd.f32 v10, v0  }
0x43: {  	v17 =	vld [tilespmem:s22+$0x6240]  }
.Ltmp0:
0x44: {  	v1 =	vadd.f32 v8, v1;
	v10 =	vmul.f32 v11, v11;
	v9 =	vsub.f32 v13, v9;
	v8 =	vld [tilespmem:s22+$0x250];
	(pc) =	sbr.rel @p0 .LBB2_2-.Ltmp0, $4  }
0x45: {  	v11 =	vld [tilespmem:s22+$0x6250]  }
0x46: {  	v2 =	vadd.f32 v10, v2;
	v13 =	vmul.f32 v9, v9;
	v15 =	vsub.f32 v15, v16;
	v9 =	vld [tilespmem:s22+$0x260]  }
0x47: {  	v12 =	vld [tilespmem:s22+$0x6260];
	s22 =	sshra.s32 s26, $0x2  }
0x48: {  	s26 =	sadd.s32 $0x200, s26;
	v10 =	vld [tilespmem:s22+$0x270];
	v3 =	vadd.f32 v13, v3;
	v13 =	vmul.f32 v15, v15;
	v14 =	vsub.f32 v14, v17  }
0x49: {  	v15 =	vld [tilespmem:s22+$0x6270]  }
0x4a: {  	v16 =	vld [tilespmem:s22+$0x200]  }
0x4b: {  	v17 =	vld [tilespmem:s22+$0x6200]  }
0x4c: {  	v18 =	vld [tilespmem:s22+$0x210]  }
0x4d: {  	v19 =	vld [tilespmem:s22+$0x6210]  }
0x4e: {  	v20 =	vld [tilespmem:s22+$0x220]  }
0x4f: {  	v21 =	vld [tilespmem:s22+$0x6220]  }
0x50: {  	v22 =	vld [tilespmem:s22+$0x230]  }
0x51: {  	v23 =	vld [tilespmem:s22+$0x6230]  }
0x52: {  	v24 =	vld [tilespmem:s22+$0x240]  }
0x53: {  	v25 =	vld [tilespmem:s22+$0x6240]  }
0x54: {  	v26 =	vld [tilespmem:s22+$0x250]  }
0x55: {  	v27 =	vld [tilespmem:s22+$0x6250]  }
0x56: {  	v28 =	vld [tilespmem:s22+$0x260];
	s26 =	simm.s32 $0x0  }
0x57: {  	v29 =	vld [tilespmem:s22+$0x6260];
	[tilespmem:s15], [sflag:$0x1] =	stream.linear.gather [hbm4b:s8+s26], $0x2000, $0x38  }
0x58: {  	s26 =	simm.s32 $0xC0  }
0x59: {  	[tilespmem:s20], [sflag:$0x4] =	stream.indirect.gather [hbm4b:s2+s19], $0x80, s26, s19, $0xb8;
	[tilespmem:$0xC280] =	vst v63  }
0x5a: {  	_ =	swait.ge [sflag:s28], $0x2000  }
0x5b: {  	[sflag:s28] =	ssyncset.done $0x0  }
0x5c: {  	[sflag:s28] =	ssyncadd.s32 $0xFFFFE000  }
0x5d: {  	_ =	swait.ge [sflag:s29], $0x2000  }
0x5e: {  	v8 =	vsub.f32 v8, v11;
	[sflag:s29] =	ssyncset.done $0x0  }
0x5f: {  	v11 =	vmul.f32 v14, v14;
	s26 =	simm.s32 $0x0;
	[sflag:s29] =	ssyncadd.s32 $0xFFFFE000  }
0x60: {  	v8 =	vmul.f32 v8, v8;
	v9 =	vsub.f32 v9, v12;
	v12 =	vld [tilespmem:s26+$0x2270]  }
0x61: {  	v4 =	vadd.f32 v13, v4;
	v7 =	vadd.f32 v11, v7;
	v11 =	vld [tilespmem:s26+$0x8270]  }
0x62: {  	v10 =	vsub.f32 v10, v15;
	v6 =	vadd.f32 v8, v6;
	v8 =	vmul.f32 v9, v9;
	v9 =	vld [tilespmem:s26+$0x2200]  }
0x63: {  	v13 =	vsub.f32 v16, v17;
	v14 =	vsub.f32 v18, v19;
	v15 =	vld [tilespmem:s26+$0x8200]  }
0x64: {  	v5 =	vadd.f32 v8, v5;
	v8 =	vmul.f32 v10, v10;
	v10 =	vsub.f32 v20, v21;
	v54 =	vld [tilespmem:s26+$0x2210]  }
0x65: {  	v55 =	vsub.f32 v22, v23;
	v13 =	vmul.f32 v13, v13;
	v14 =	vmul.f32 v14, v14;
	v56 =	vld [tilespmem:s26+$0x8210]  }
0x66: {  	v57 =	vadd.f32 v8, v0;
	v0 =	vmul.f32 v10, v10;
	v8 =	vsub.f32 v24, v25;
	v10 =	vld [tilespmem:s26+$0x2220]  }
0x67: {  	v13 =	vadd.f32 v13, v1;
	v14 =	vadd.f32 v14, v2;
	v1 =	vmul.f32 v55, v55;
	v2 =	vld [tilespmem:s26+$0x8220]  }
0x68: {  	v59 =	vld [tilespmem:s26+$0x2230];
	v58 =	vadd.f32 v0, v3;
	v3 =	vmul.f32 v8, v8;
	v8 =	vsub.f32 v26, v27  }
0x69: {  	v60 =	vld [tilespmem:s26+$0x8230];
	v0 =	vadd.f32 v1, v4;
	v1 =	vsub.f32 v28, v29  }
0x6a: {  	v61 =	vld [tilespmem:s26+$0x2240];
	v4 =	vadd.f32 v3, v7;
	v3 =	vmul.f32 v8, v8;
	v8 =	vsub.f32 v12, v11  }
0x6b: {  	v1 =	vmul.f32 v1, v1;
	v9 =	vsub.f32 v9, v15;
	v11 =	vsub.f32 v54, v56;
	v15 =	vld [tilespmem:s26+$0x8240]  }
0x6c: {  	v7 =	vadd.f32 v3, v6;
	v2 =	vsub.f32 v10, v2;
	v3 =	vmul.f32 v8, v8;
	v8 =	vld [tilespmem:s26+$0x2250]  }
0x6d: {  	v6 =	vadd.f32 v1, v5;
	v5 =	vmul.f32 v9, v9;
	v10 =	vmul.f32 v11, v11;
	v11 =	vld [tilespmem:s26+$0x8250]  }
0x6e: {  	v63 =	vsub.f32 v59, v60;
	v12 =	vld [tilespmem:s26+$0x8260];
	v62 =	vmul.f32 v2, v2;
	v1 =	vadd.f32 v3, v57  }
0x6f: {  	s22 =	simm.s32 $0x80;
	v9 =	vld [tilespmem:s26+$0x2260];
	v2 =	vadd.f32 v5, v13;
	v3 =	vadd.f32 v10, v14  }
0x70: {  	s26 =	simm.s32 $0x400;
	v10 =	vld [tilespmem:s22+$0x2270];
	v5 =	vadd.f32 v62, v58;
	v13 =	vmul.f32 v63, v63;
	v14 =	vsub.f32 v61, v15  }
.LBB2_4:
0x71: {  	p0 =	sne.s32 s26, $0x7E00;
	v15 =	vld [tilespmem:s22+$0x8270]  }
0x72: {  	v16 =	vld [tilespmem:s22+$0x2200];
	v0 =	vadd.f32 v13, v0;
	v13 =	vmul.f32 v14, v14;
	v8 =	vsub.f32 v8, v11  }
0x73: {  	v11 =	vld [tilespmem:s22+$0x8200]  }
0x74: {  	v14 =	vld [tilespmem:s22+$0x2210];
	v4 =	vadd.f32 v13, v4;
	v8 =	vmul.f32 v8, v8;
	v9 =	vsub.f32 v9, v12  }
0x75: {  	v12 =	vld [tilespmem:s22+$0x8210]  }
0x76: {  	v13 =	vld [tilespmem:s22+$0x2220];
	v10 =	vsub.f32 v10, v15;
	v7 =	vadd.f32 v8, v7;
	v8 =	vmul.f32 v9, v9  }
0x77: {  	v9 =	vld [tilespmem:s22+$0x8220]  }
0x78: {  	v11 =	vsub.f32 v16, v11;
	v15 =	vld [tilespmem:s22+$0x2230];
	v10 =	vmul.f32 v10, v10;
	v6 =	vadd.f32 v8, v6  }
0x79: {  	v16 =	vld [tilespmem:s22+$0x8230]  }
0x7a: {  	v8 =	vmul.f32 v11, v11;
	v11 =	vsub.f32 v14, v12;
	v14 =	vld [tilespmem:s22+$0x2240];
	v1 =	vadd.f32 v10, v1  }
0x7b: {  	v17 =	vld [tilespmem:s22+$0x8240]  }
.Ltmp1:
0x7c: {  	v2 =	vadd.f32 v8, v2;
	v10 =	vmul.f32 v11, v11;
	v9 =	vsub.f32 v13, v9;
	v8 =	vld [tilespmem:s22+$0x2250];
	(pc) =	sbr.rel @p0 .LBB2_4-.Ltmp1, $4  }
0x7d: {  	v11 =	vld [tilespmem:s22+$0x8250]  }
0x7e: {  	v3 =	vadd.f32 v10, v3;
	v13 =	vmul.f32 v9, v9;
	v15 =	vsub.f32 v15, v16;
	v9 =	vld [tilespmem:s22+$0x2260]  }
0x7f: {  	v12 =	vld [tilespmem:s22+$0x8260];
	s22 =	sshra.s32 s26, $0x2  }
0x80: {  	s26 =	sadd.s32 $0x200, s26;
	v10 =	vld [tilespmem:s22+$0x2270];
	v5 =	vadd.f32 v13, v5;
	v13 =	vmul.f32 v15, v15;
	v14 =	vsub.f32 v14, v17  }
0x81: {  	v15 =	vld [tilespmem:s22+$0x8270]  }
0x82: {  	v16 =	vld [tilespmem:s22+$0x2200]  }
0x83: {  	v17 =	vld [tilespmem:s22+$0x8200]  }
0x84: {  	v18 =	vld [tilespmem:s22+$0x2210]  }
0x85: {  	v19 =	vld [tilespmem:s22+$0x8210]  }
0x86: {  	v20 =	vld [tilespmem:s22+$0x2220]  }
0x87: {  	v21 =	vld [tilespmem:s22+$0x8220]  }
0x88: {  	v22 =	vld [tilespmem:s22+$0x2230]  }
0x89: {  	v23 =	vld [tilespmem:s22+$0x8230]  }
0x8a: {  	v24 =	vld [tilespmem:s22+$0x2240]  }
0x8b: {  	v25 =	vld [tilespmem:s22+$0x8240]  }
0x8c: {  	v26 =	vld [tilespmem:s22+$0x2250]  }
0x8d: {  	v27 =	vld [tilespmem:s22+$0x8250]  }
0x8e: {  	v28 =	vld [tilespmem:s22+$0x2260];
	s26 =	simm.s32 $0x0  }
0x8f: {  	v29 =	vld [tilespmem:s22+$0x8260];
	[tilespmem:s16], [sflag:$0x2] =	stream.linear.gather [hbm4b:s9+s26], $0x2000, $0x38  }
0x90: {  	s26 =	simm.s32 $0x100  }
0x91: {  	[tilespmem:s21], [sflag:$0x5] =	stream.indirect.gather [hbm4b:s2+s19], $0x80, s26, s19, $0xb8;
	[tilespmem:$0xC280] =	vst v63  }
0x92: {  	_ =	swait.ge [sflag:s31], $0x2000  }
0x93: {  	[sflag:s31] =	ssyncset.done $0x0  }
0x94: {  	[sflag:s31] =	ssyncadd.s32 $0xFFFFE000  }
0x95: {  	_ =	swait.ge [sflag:s0], $0x2000  }
0x96: {  	v8 =	vsub.f32 v8, v11;
	[sflag:s0] =	ssyncset.done $0x0  }
0x97: {  	v11 =	vmul.f32 v14, v14;
	s26 =	simm.s32 $0x0;
	[sflag:s0] =	ssyncadd.s32 $0xFFFFE000  }
0x98: {  	v8 =	vmul.f32 v8, v8;
	v9 =	vsub.f32 v9, v12;
	v12 =	vld [tilespmem:s26+$0x4270]  }
0x99: {  	v0 =	vadd.f32 v13, v0;
	v4 =	vadd.f32 v11, v4;
	v11 =	vld [tilespmem:s26+$0xA270]  }
0x9a: {  	v10 =	vsub.f32 v10, v15;
	v7 =	vadd.f32 v8, v7;
	v8 =	vmul.f32 v9, v9;
	v9 =	vld [tilespmem:s26+$0x4200]  }
0x9b: {  	v13 =	vsub.f32 v16, v17;
	v14 =	vsub.f32 v18, v19;
	v15 =	vld [tilespmem:s26+$0xA200]  }
0x9c: {  	v6 =	vadd.f32 v8, v6;
	v8 =	vmul.f32 v10, v10;
	v10 =	vsub.f32 v20, v21;
	v56 =	vld [tilespmem:s26+$0x4210]  }
0x9d: {  	v57 =	vsub.f32 v22, v23;
	v13 =	vmul.f32 v13, v13;
	v14 =	vmul.f32 v14, v14;
	v58 =	vld [tilespmem:s26+$0xA210]  }
0x9e: {  	v1 =	vadd.f32 v8, v1;
	v8 =	vmul.f32 v10, v10;
	v10 =	vsub.f32 v24, v25;
	v59 =	vld [tilespmem:s26+$0x4220]  }
0x9f: {  	v2 =	vadd.f32 v13, v2;
	v3 =	vadd.f32 v14, v3;
	v13 =	vmul.f32 v57, v57;
	v14 =	vld [tilespmem:s26+$0xA220]  }
0xa0: {  	v60 =	vld [tilespmem:s26+$0x4230];
	v5 =	vadd.f32 v8, v5;
	v8 =	vmul.f32 v10, v10;
	v10 =	vsub.f32 v26, v27  }
0xa1: {  	v61 =	vld [tilespmem:s26+$0xA230];
	v0 =	vadd.f32 v13, v0;
	v13 =	vsub.f32 v28, v29  }
0xa2: {  	v62 =	vld [tilespmem:s26+$0x4240];
	v4 =	vadd.f32 v8, v4;
	v8 =	vmul.f32 v10, v10;
	v10 =	vsub.f32 v12, v11  }
0xa3: {  	v9 =	vsub.f32 v9, v15;
	v11 =	vmul.f32 v13, v13;
	v12 =	vsub.f32 v56, v58;
	v15 =	vld [tilespmem:s26+$0xA240]  }
0xa4: {  	v7 =	vadd.f32 v8, v7;
	v13 =	vsub.f32 v59, v14;
	v8 =	vld [tilespmem:s26+$0x4250];
	v10 =	vmul.f32 v10, v10  }
0xa5: {  	v6 =	vadd.f32 v11, v6;
	v14 =	vmul.f32 v9, v9;
	v12 =	vmul.f32 v12, v12;
	v11 =	vld [tilespmem:s26+$0xA250]  }
0xa6: {  	v63 =	vsub.f32 v60, v61;
	v13 =	vmul.f32 v13, v13;
	v9 =	vld [tilespmem:s26+$0x4260];
	v1 =	vadd.f32 v10, v1  }
0xa7: {  	s22 =	simm.s32 $0x80;
	v2 =	vadd.f32 v14, v2;
	v3 =	vadd.f32 v12, v3;
	v12 =	vld [tilespmem:s26+$0xA260]  }
0xa8: {  	v10 =	vld [tilespmem:s22+$0x4270];
	s26 =	simm.s32 $0x400;
	v5 =	vadd.f32 v13, v5;
	v13 =	vmul.f32 v63, v63;
	v14 =	vsub.f32 v62, v15  }
.LBB2_6:
0xa9: {  	p0 =	sne.s32 s26, $0x7E00;
	v15 =	vld [tilespmem:s22+$0xA270]  }
0xaa: {  	v16 =	vld [tilespmem:s22+$0x4200];
	v0 =	vadd.f32 v13, v0;
	v13 =	vmul.f32 v14, v14;
	v8 =	vsub.f32 v8, v11  }
0xab: {  	v11 =	vld [tilespmem:s22+$0xA200]  }
0xac: {  	v14 =	vld [tilespmem:s22+$0x4210];
	v4 =	vadd.f32 v13, v4;
	v8 =	vmul.f32 v8, v8;
	v9 =	vsub.f32 v9, v12  }
0xad: {  	v12 =	vld [tilespmem:s22+$0xA210]  }
0xae: {  	v13 =	vld [tilespmem:s22+$0x4220];
	v10 =	vsub.f32 v10, v15;
	v7 =	vadd.f32 v8, v7;
	v8 =	vmul.f32 v9, v9  }
0xaf: {  	v9 =	vld [tilespmem:s22+$0xA220]  }
0xb0: {  	v11 =	vsub.f32 v16, v11;
	v15 =	vld [tilespmem:s22+$0x4230];
	v10 =	vmul.f32 v10, v10;
	v6 =	vadd.f32 v8, v6  }
0xb1: {  	v16 =	vld [tilespmem:s22+$0xA230]  }
0xb2: {  	v8 =	vmul.f32 v11, v11;
	v11 =	vsub.f32 v14, v12;
	v14 =	vld [tilespmem:s22+$0x4240];
	v1 =	vadd.f32 v10, v1  }
0xb3: {  	v17 =	vld [tilespmem:s22+$0xA240]  }
.Ltmp2:
0xb4: {  	v2 =	vadd.f32 v8, v2;
	v10 =	vmul.f32 v11, v11;
	v9 =	vsub.f32 v13, v9;
	v8 =	vld [tilespmem:s22+$0x4250];
	(pc) =	sbr.rel @p0 .LBB2_6-.Ltmp2, $4  }
0xb5: {  	v11 =	vld [tilespmem:s22+$0xA250]  }
0xb6: {  	v3 =	vadd.f32 v10, v3;
	v13 =	vmul.f32 v9, v9;
	v15 =	vsub.f32 v15, v16;
	v9 =	vld [tilespmem:s22+$0x4260]  }
0xb7: {  	v12 =	vld [tilespmem:s22+$0xA260];
	s22 =	sshra.s32 s26, $0x2  }
0xb8: {  	s26 =	sadd.s32 $0x200, s26;
	v10 =	vld [tilespmem:s22+$0x4270];
	v5 =	vadd.f32 v13, v5;
	v13 =	vmul.f32 v15, v15;
	v14 =	vsub.f32 v14, v17  }
0xb9: {  	v15 =	vld [tilespmem:s22+$0xA270]  }
0xba: {  	v16 =	vld [tilespmem:s22+$0x4200]  }
0xbb: {  	v17 =	vld [tilespmem:s22+$0xA200]  }
0xbc: {  	v18 =	vld [tilespmem:s22+$0x4210]  }
0xbd: {  	v19 =	vld [tilespmem:s22+$0xA210]  }
0xbe: {  	v20 =	vld [tilespmem:s22+$0x4220]  }
0xbf: {  	v21 =	vld [tilespmem:s22+$0xA220]  }
0xc0: {  	v22 =	vld [tilespmem:s22+$0x4230]  }
0xc1: {  	v23 =	vld [tilespmem:s22+$0xA230]  }
0xc2: {  	v24 =	vld [tilespmem:s22+$0x4240]  }
0xc3: {  	v25 =	vld [tilespmem:s22+$0xA240]  }
0xc4: {  	v26 =	vld [tilespmem:s22+$0x4250]  }
0xc5: {  	v27 =	vld [tilespmem:s22+$0xA250]  }
0xc6: {  	v28 =	vld [tilespmem:s22+$0x4260];
	s26 =	simm.s32 $0x0  }
0xc7: {  	v29 =	vld [tilespmem:s22+$0xA260];
	[tilespmem:s17], [sflag:$0x3] =	stream.linear.gather [hbm4b:s10+s26], $0x2000, $0x38  }
0xc8: {  	s26 =	simm.s32 $0x140  }
0xc9: {  	[tilespmem:s23], [sflag:$0x6] =	stream.indirect.gather [hbm4b:s2+s19], $0x80, s26, s19, $0xb8;
	[tilespmem:$0xC280] =	vst v63  }
0xca: {  	_ =	swait.ge [sflag:s24], $0x2000  }
0xcb: {  	[sflag:s24] =	ssyncset.done $0x0  }
0xcc: {  	[sflag:s24] =	ssyncadd.s32 $0xFFFFE000  }
0xcd: {  	_ =	swait.ge [sflag:s25], $0x2000  }
0xce: {  	v8 =	vsub.f32 v8, v11;
	[sflag:s25] =	ssyncset.done $0x0  }
0xcf: {  	v11 =	vmul.f32 v14, v14;
	s26 =	simm.s32 $0x0;
	[sflag:s25] =	ssyncadd.s32 $0xFFFFE000  }
0xd0: {  	v8 =	vmul.f32 v8, v8;
	v9 =	vsub.f32 v9, v12;
	v12 =	vld [tilespmem:s26+$0x270]  }
0xd1: {  	v0 =	vadd.f32 v13, v0;
	v4 =	vadd.f32 v11, v4;
	v11 =	vld [tilespmem:s26+$0x6270]  }
0xd2: {  	v10 =	vsub.f32 v10, v15;
	v7 =	vadd.f32 v8, v7;
	v8 =	vmul.f32 v9, v9;
	v9 =	vld [tilespmem:s26+$0x200]  }
0xd3: {  	v13 =	vsub.f32 v16, v17;
	v14 =	vsub.f32 v18, v19;
	v15 =	vld [tilespmem:s26+$0x6200]  }
0xd4: {  	v6 =	vadd.f32 v8, v6;
	v8 =	vmul.f32 v10, v10;
	v10 =	vsub.f32 v20, v21;
	v56 =	vld [tilespmem:s26+$0x210]  }
0xd5: {  	v57 =	vsub.f32 v22, v23;
	v13 =	vmul.f32 v13, v13;
	v14 =	vmul.f32 v14, v14;
	v58 =	vld [tilespmem:s26+$0x6210]  }
0xd6: {  	v1 =	vadd.f32 v8, v1;
	v8 =	vmul.f32 v10, v10;
	v10 =	vsub.f32 v24, v25;
	v59 =	vld [tilespmem:s26+$0x220]  }
0xd7: {  	v2 =	vadd.f32 v13, v2;
	v3 =	vadd.f32 v14, v3;
	v13 =	vmul.f32 v57, v57;
	v14 =	vld [tilespmem:s26+$0x6220]  }
0xd8: {  	v60 =	vld [tilespmem:s26+$0x230];
	v5 =	vadd.f32 v8, v5;
	v8 =	vmul.f32 v10, v10;
	v10 =	vsub.f32 v26, v27  }
0xd9: {  	v61 =	vld [tilespmem:s26+$0x6230];
	v0 =	vadd.f32 v13, v0;
	v13 =	vsub.f32 v28, v29  }
0xda: {  	v62 =	vld [tilespmem:s26+$0x240];
	v4 =	vadd.f32 v8, v4;
	v8 =	vmul.f32 v10, v10;
	v10 =	vsub.f32 v12, v11  }
0xdb: {  	v9 =	vsub.f32 v9, v15;
	v11 =	vmul.f32 v13, v13;
	v12 =	vsub.f32 v56, v58;
	v15 =	vld [tilespmem:s26+$0x6240]  }
0xdc: {  	v7 =	vadd.f32 v8, v7;
	v13 =	vsub.f32 v59, v14;
	v8 =	vld [tilespmem:s26+$0x250];
	v10 =	vmul.f32 v10, v10  }
0xdd: {  	v6 =	vadd.f32 v11, v6;
	v14 =	vmul.f32 v9, v9;
	v12 =	vmul.f32 v12, v12;
	v11 =	vld [tilespmem:s26+$0x6250]  }
0xde: {  	v63 =	vsub.f32 v60, v61;
	v13 =	vmul.f32 v13, v13;
	v9 =	vld [tilespmem:s26+$0x260];
	v1 =	vadd.f32 v10, v1  }
0xdf: {  	s22 =	simm.s32 $0x80;
	v2 =	vadd.f32 v14, v2;
	v3 =	vadd.f32 v12, v3;
	v12 =	vld [tilespmem:s26+$0x6260]  }
0xe0: {  	v10 =	vld [tilespmem:s22+$0x270];
	s26 =	simm.s32 $0x400;
	v5 =	vadd.f32 v13, v5;
	v13 =	vmul.f32 v63, v63;
	v14 =	vsub.f32 v62, v15  }
.LBB2_8:
0xe1: {  	p0 =	sne.s32 s26, $0x7E00;
	v15 =	vld [tilespmem:s22+$0x6270]  }
0xe2: {  	v16 =	vld [tilespmem:s22+$0x200];
	v0 =	vadd.f32 v13, v0;
	v13 =	vmul.f32 v14, v14;
	v8 =	vsub.f32 v8, v11  }
0xe3: {  	v11 =	vld [tilespmem:s22+$0x6200]  }
0xe4: {  	v14 =	vld [tilespmem:s22+$0x210];
	v4 =	vadd.f32 v13, v4;
	v8 =	vmul.f32 v8, v8;
	v9 =	vsub.f32 v9, v12  }
0xe5: {  	v12 =	vld [tilespmem:s22+$0x6210]  }
0xe6: {  	v13 =	vld [tilespmem:s22+$0x220];
	v10 =	vsub.f32 v10, v15;
	v7 =	vadd.f32 v8, v7;
	v8 =	vmul.f32 v9, v9  }
0xe7: {  	v9 =	vld [tilespmem:s22+$0x6220]  }
0xe8: {  	v11 =	vsub.f32 v16, v11;
	v15 =	vld [tilespmem:s22+$0x230];
	v10 =	vmul.f32 v10, v10;
	v6 =	vadd.f32 v8, v6  }
0xe9: {  	v16 =	vld [tilespmem:s22+$0x6230]  }
0xea: {  	v8 =	vmul.f32 v11, v11;
	v11 =	vsub.f32 v14, v12;
	v14 =	vld [tilespmem:s22+$0x240];
	v1 =	vadd.f32 v10, v1  }
0xeb: {  	v17 =	vld [tilespmem:s22+$0x6240]  }
.Ltmp3:
0xec: {  	v2 =	vadd.f32 v8, v2;
	v10 =	vmul.f32 v11, v11;
	v9 =	vsub.f32 v13, v9;
	v8 =	vld [tilespmem:s22+$0x250];
	(pc) =	sbr.rel @p0 .LBB2_8-.Ltmp3, $4  }
0xed: {  	v11 =	vld [tilespmem:s22+$0x6250]  }
0xee: {  	v3 =	vadd.f32 v10, v3;
	v13 =	vmul.f32 v9, v9;
	v15 =	vsub.f32 v15, v16;
	v9 =	vld [tilespmem:s22+$0x260]  }
0xef: {  	v12 =	vld [tilespmem:s22+$0x6260];
	s22 =	sshra.s32 s26, $0x2  }
0xf0: {  	s26 =	sadd.s32 $0x200, s26;
	v10 =	vld [tilespmem:s22+$0x270];
	v5 =	vadd.f32 v13, v5;
	v13 =	vmul.f32 v15, v15;
	v14 =	vsub.f32 v14, v17  }
0xf1: {  	v15 =	vld [tilespmem:s22+$0x6270]  }
0xf2: {  	v16 =	vld [tilespmem:s22+$0x200]  }
0xf3: {  	v17 =	vld [tilespmem:s22+$0x6200]  }
0xf4: {  	v18 =	vld [tilespmem:s22+$0x210]  }
0xf5: {  	v19 =	vld [tilespmem:s22+$0x6210]  }
0xf6: {  	v20 =	vld [tilespmem:s22+$0x220]  }
0xf7: {  	v21 =	vld [tilespmem:s22+$0x6220]  }
0xf8: {  	v22 =	vld [tilespmem:s22+$0x230]  }
0xf9: {  	v23 =	vld [tilespmem:s22+$0x6230]  }
0xfa: {  	v24 =	vld [tilespmem:s22+$0x240]  }
0xfb: {  	v25 =	vld [tilespmem:s22+$0x6240]  }
0xfc: {  	v26 =	vld [tilespmem:s22+$0x250]  }
0xfd: {  	v27 =	vld [tilespmem:s22+$0x6250]  }
0xfe: {  	v28 =	vld [tilespmem:s22+$0x260];
	s26 =	simm.s32 $0x0  }
0xff: {  	v29 =	vld [tilespmem:s22+$0x6260];
	[tilespmem:s15], [sflag:$0x1] =	stream.linear.gather [hbm4b:s11+s26], $0x2000, $0x38  }
0x100: {  	s26 =	simm.s32 $0x180  }
0x101: {  	[tilespmem:s20], [sflag:$0x4] =	stream.indirect.gather [hbm4b:s2+s19], $0x80, s26, s19, $0xb8;
	[tilespmem:$0xC280] =	vst v63  }
0x102: {  	_ =	swait.ge [sflag:s28], $0x2000  }
0x103: {  	[sflag:s28] =	ssyncset.done $0x0  }
0x104: {  	[sflag:s28] =	ssyncadd.s32 $0xFFFFE000  }
0x105: {  	_ =	swait.ge [sflag:s29], $0x2000  }
0x106: {  	v8 =	vsub.f32 v8, v11;
	[sflag:s29] =	ssyncset.done $0x0  }
0x107: {  	v11 =	vmul.f32 v14, v14;
	s26 =	simm.s32 $0x0;
	[sflag:s29] =	ssyncadd.s32 $0xFFFFE000  }
0x108: {  	v8 =	vmul.f32 v8, v8;
	v9 =	vsub.f32 v9, v12;
	v12 =	vld [tilespmem:s26+$0x2270]  }
0x109: {  	v0 =	vadd.f32 v13, v0;
	v4 =	vadd.f32 v11, v4;
	v11 =	vld [tilespmem:s26+$0x8270]  }
0x10a: {  	v10 =	vsub.f32 v10, v15;
	v7 =	vadd.f32 v8, v7;
	v8 =	vmul.f32 v9, v9;
	v9 =	vld [tilespmem:s26+$0x2200]  }
0x10b: {  	v13 =	vsub.f32 v16, v17;
	v14 =	vsub.f32 v18, v19;
	v15 =	vld [tilespmem:s26+$0x8200]  }
0x10c: {  	v6 =	vadd.f32 v8, v6;
	v8 =	vmul.f32 v10, v10;
	v10 =	vsub.f32 v20, v21;
	v56 =	vld [tilespmem:s26+$0x2210]  }
0x10d: {  	v57 =	vsub.f32 v22, v23;
	v13 =	vmul.f32 v13, v13;
	v14 =	vmul.f32 v14, v14;
	v58 =	vld [tilespmem:s26+$0x8210]  }
0x10e: {  	v1 =	vadd.f32 v8, v1;
	v8 =	vmul.f32 v10, v10;
	v10 =	vsub.f32 v24, v25;
	v59 =	vld [tilespmem:s26+$0x2220]  }
0x10f: {  	v2 =	vadd.f32 v13, v2;
	v3 =	vadd.f32 v14, v3;
	v13 =	vmul.f32 v57, v57;
	v14 =	vld [tilespmem:s26+$0x8220]  }
0x110: {  	v60 =	vld [tilespmem:s26+$0x2230];
	v5 =	vadd.f32 v8, v5;
	v8 =	vmul.f32 v10, v10;
	v10 =	vsub.f32 v26, v27  }
0x111: {  	v61 =	vld [tilespmem:s26+$0x8230];
	v0 =	vadd.f32 v13, v0;
	v13 =	vsub.f32 v28, v29  }
0x112: {  	v62 =	vld [tilespmem:s26+$0x2240];
	v4 =	vadd.f32 v8, v4;
	v8 =	vmul.f32 v10, v10;
	v10 =	vsub.f32 v12, v11  }
0x113: {  	v9 =	vsub.f32 v9, v15;
	v11 =	vmul.f32 v13, v13;
	v12 =	vsub.f32 v56, v58;
	v15 =	vld [tilespmem:s26+$0x8240]  }
0x114: {  	v7 =	vadd.f32 v8, v7;
	v13 =	vsub.f32 v59, v14;
	v8 =	vld [tilespmem:s26+$0x2250];
	v10 =	vmul.f32 v10, v10  }
0x115: {  	v6 =	vadd.f32 v11, v6;
	v14 =	vmul.f32 v9, v9;
	v12 =	vmul.f32 v12, v12;
	v11 =	vld [tilespmem:s26+$0x8250]  }
0x116: {  	v63 =	vsub.f32 v60, v61;
	v13 =	vmul.f32 v13, v13;
	v9 =	vld [tilespmem:s26+$0x2260];
	v1 =	vadd.f32 v10, v1  }
0x117: {  	s22 =	simm.s32 $0x80;
	v2 =	vadd.f32 v14, v2;
	v3 =	vadd.f32 v12, v3;
	v12 =	vld [tilespmem:s26+$0x8260]  }
0x118: {  	v10 =	vld [tilespmem:s22+$0x2270];
	s26 =	simm.s32 $0x400;
	v5 =	vadd.f32 v13, v5;
	v13 =	vmul.f32 v63, v63;
	v14 =	vsub.f32 v62, v15  }
.LBB2_10:
0x119: {  	p0 =	sne.s32 s26, $0x7E00;
	v15 =	vld [tilespmem:s22+$0x8270]  }
0x11a: {  	v16 =	vld [tilespmem:s22+$0x2200];
	v0 =	vadd.f32 v13, v0;
	v13 =	vmul.f32 v14, v14;
	v8 =	vsub.f32 v8, v11  }
0x11b: {  	v11 =	vld [tilespmem:s22+$0x8200]  }
0x11c: {  	v14 =	vld [tilespmem:s22+$0x2210];
	v4 =	vadd.f32 v13, v4;
	v8 =	vmul.f32 v8, v8;
	v9 =	vsub.f32 v9, v12  }
0x11d: {  	v12 =	vld [tilespmem:s22+$0x8210]  }
0x11e: {  	v13 =	vld [tilespmem:s22+$0x2220];
	v10 =	vsub.f32 v10, v15;
	v7 =	vadd.f32 v8, v7;
	v8 =	vmul.f32 v9, v9  }
0x11f: {  	v9 =	vld [tilespmem:s22+$0x8220]  }
0x120: {  	v11 =	vsub.f32 v16, v11;
	v15 =	vld [tilespmem:s22+$0x2230];
	v10 =	vmul.f32 v10, v10;
	v6 =	vadd.f32 v8, v6  }
0x121: {  	v16 =	vld [tilespmem:s22+$0x8230]  }
0x122: {  	v8 =	vmul.f32 v11, v11;
	v11 =	vsub.f32 v14, v12;
	v14 =	vld [tilespmem:s22+$0x2240];
	v1 =	vadd.f32 v10, v1  }
0x123: {  	v17 =	vld [tilespmem:s22+$0x8240]  }
.Ltmp4:
0x124: {  	v2 =	vadd.f32 v8, v2;
	v10 =	vmul.f32 v11, v11;
	v9 =	vsub.f32 v13, v9;
	v8 =	vld [tilespmem:s22+$0x2250];
	(pc) =	sbr.rel @p0 .LBB2_10-.Ltmp4, $4  }
0x125: {  	v11 =	vld [tilespmem:s22+$0x8250]  }
0x126: {  	v3 =	vadd.f32 v10, v3;
	v13 =	vmul.f32 v9, v9;
	v15 =	vsub.f32 v15, v16;
	v9 =	vld [tilespmem:s22+$0x2260]  }
0x127: {  	v12 =	vld [tilespmem:s22+$0x8260];
	s22 =	sshra.s32 s26, $0x2  }
0x128: {  	s26 =	sadd.s32 $0x200, s26;
	v10 =	vld [tilespmem:s22+$0x2270];
	v5 =	vadd.f32 v13, v5;
	v13 =	vmul.f32 v15, v15;
	v14 =	vsub.f32 v14, v17  }
0x129: {  	v15 =	vld [tilespmem:s22+$0x8270]  }
0x12a: {  	v16 =	vld [tilespmem:s22+$0x2200]  }
0x12b: {  	v17 =	vld [tilespmem:s22+$0x8200]  }
0x12c: {  	v18 =	vld [tilespmem:s22+$0x2210]  }
0x12d: {  	v19 =	vld [tilespmem:s22+$0x8210]  }
0x12e: {  	v20 =	vld [tilespmem:s22+$0x2220]  }
0x12f: {  	v21 =	vld [tilespmem:s22+$0x8220]  }
0x130: {  	v22 =	vld [tilespmem:s22+$0x2230]  }
0x131: {  	v23 =	vld [tilespmem:s22+$0x8230]  }
0x132: {  	v24 =	vld [tilespmem:s22+$0x2240]  }
0x133: {  	v25 =	vld [tilespmem:s22+$0x8240]  }
0x134: {  	v26 =	vld [tilespmem:s22+$0x2250]  }
0x135: {  	v27 =	vld [tilespmem:s22+$0x8250]  }
0x136: {  	v28 =	vld [tilespmem:s22+$0x2260];
	s26 =	simm.s32 $0x0  }
0x137: {  	v29 =	vld [tilespmem:s22+$0x8260];
	[tilespmem:s16], [sflag:$0x2] =	stream.linear.gather [hbm4b:s12+s26], $0x2000, $0x38  }
0x138: {  	s26 =	simm.s32 $0x1C0  }
0x139: {  	[tilespmem:s21], [sflag:$0x5] =	stream.indirect.gather [hbm4b:s2+s19], $0x80, s26, s19, $0xb8;
	[tilespmem:$0xC280] =	vst v63  }
0x13a: {  	_ =	swait.ge [sflag:s31], $0x2000  }
0x13b: {  	[sflag:s31] =	ssyncset.done $0x0  }
0x13c: {  	[sflag:s31] =	ssyncadd.s32 $0xFFFFE000  }
0x13d: {  	_ =	swait.ge [sflag:s0], $0x2000  }
0x13e: {  	v8 =	vsub.f32 v8, v11;
	[sflag:s0] =	ssyncset.done $0x0  }
0x13f: {  	v11 =	vmul.f32 v14, v14;
	s26 =	simm.s32 $0x0;
	[sflag:s0] =	ssyncadd.s32 $0xFFFFE000  }
0x140: {  	v8 =	vmul.f32 v8, v8;
	v9 =	vsub.f32 v9, v12;
	v12 =	vld [tilespmem:s26+$0x4270]  }
0x141: {  	v0 =	vadd.f32 v13, v0;
	v4 =	vadd.f32 v11, v4;
	v11 =	vld [tilespmem:s26+$0xA270]  }
0x142: {  	v10 =	vsub.f32 v10, v15;
	v7 =	vadd.f32 v8, v7;
	v8 =	vmul.f32 v9, v9;
	v9 =	vld [tilespmem:s26+$0x4200]  }
0x143: {  	v13 =	vsub.f32 v16, v17;
	v14 =	vsub.f32 v18, v19;
	v15 =	vld [tilespmem:s26+$0xA200]  }
0x144: {  	v6 =	vadd.f32 v8, v6;
	v8 =	vmul.f32 v10, v10;
	v10 =	vsub.f32 v20, v21;
	v56 =	vld [tilespmem:s26+$0x4210]  }
0x145: {  	v57 =	vsub.f32 v22, v23;
	v13 =	vmul.f32 v13, v13;
	v14 =	vmul.f32 v14, v14;
	v58 =	vld [tilespmem:s26+$0xA210]  }
0x146: {  	v1 =	vadd.f32 v8, v1;
	v8 =	vmul.f32 v10, v10;
	v10 =	vsub.f32 v24, v25;
	v59 =	vld [tilespmem:s26+$0x4220]  }
0x147: {  	v2 =	vadd.f32 v13, v2;
	v3 =	vadd.f32 v14, v3;
	v13 =	vmul.f32 v57, v57;
	v14 =	vld [tilespmem:s26+$0xA220]  }
0x148: {  	v60 =	vld [tilespmem:s26+$0x4230];
	v5 =	vadd.f32 v8, v5;
	v8 =	vmul.f32 v10, v10;
	v10 =	vsub.f32 v26, v27  }
0x149: {  	v61 =	vld [tilespmem:s26+$0xA230];
	v0 =	vadd.f32 v13, v0;
	v13 =	vsub.f32 v28, v29  }
0x14a: {  	v62 =	vld [tilespmem:s26+$0x4240];
	v4 =	vadd.f32 v8, v4;
	v8 =	vmul.f32 v10, v10;
	v10 =	vsub.f32 v12, v11  }
0x14b: {  	v9 =	vsub.f32 v9, v15;
	v11 =	vmul.f32 v13, v13;
	v12 =	vsub.f32 v56, v58;
	v15 =	vld [tilespmem:s26+$0xA240]  }
0x14c: {  	v7 =	vadd.f32 v8, v7;
	v13 =	vsub.f32 v59, v14;
	v8 =	vld [tilespmem:s26+$0x4250];
	v10 =	vmul.f32 v10, v10  }
0x14d: {  	v6 =	vadd.f32 v11, v6;
	v14 =	vmul.f32 v9, v9;
	v12 =	vmul.f32 v12, v12;
	v11 =	vld [tilespmem:s26+$0xA250]  }
0x14e: {  	v63 =	vsub.f32 v60, v61;
	v13 =	vmul.f32 v13, v13;
	v9 =	vld [tilespmem:s26+$0x4260];
	v1 =	vadd.f32 v10, v1  }
0x14f: {  	s22 =	simm.s32 $0x80;
	v2 =	vadd.f32 v14, v2;
	v3 =	vadd.f32 v12, v3;
	v12 =	vld [tilespmem:s26+$0xA260]  }
0x150: {  	v10 =	vld [tilespmem:s22+$0x4270];
	s26 =	simm.s32 $0x400;
	v5 =	vadd.f32 v13, v5;
	v13 =	vmul.f32 v63, v63;
	v14 =	vsub.f32 v62, v15  }
.LBB2_12:
0x151: {  	p0 =	sne.s32 s26, $0x7E00;
	v15 =	vld [tilespmem:s22+$0xA270]  }
0x152: {  	v16 =	vld [tilespmem:s22+$0x4200];
	v0 =	vadd.f32 v13, v0;
	v13 =	vmul.f32 v14, v14;
	v8 =	vsub.f32 v8, v11  }
0x153: {  	v11 =	vld [tilespmem:s22+$0xA200]  }
0x154: {  	v14 =	vld [tilespmem:s22+$0x4210];
	v4 =	vadd.f32 v13, v4;
	v8 =	vmul.f32 v8, v8;
	v9 =	vsub.f32 v9, v12  }
0x155: {  	v12 =	vld [tilespmem:s22+$0xA210]  }
0x156: {  	v13 =	vld [tilespmem:s22+$0x4220];
	v10 =	vsub.f32 v10, v15;
	v7 =	vadd.f32 v8, v7;
	v8 =	vmul.f32 v9, v9  }
0x157: {  	v9 =	vld [tilespmem:s22+$0xA220]  }
0x158: {  	v11 =	vsub.f32 v16, v11;
	v15 =	vld [tilespmem:s22+$0x4230];
	v10 =	vmul.f32 v10, v10;
	v6 =	vadd.f32 v8, v6  }
0x159: {  	v16 =	vld [tilespmem:s22+$0xA230]  }
0x15a: {  	v8 =	vmul.f32 v11, v11;
	v11 =	vsub.f32 v14, v12;
	v14 =	vld [tilespmem:s22+$0x4240];
	v1 =	vadd.f32 v10, v1  }
0x15b: {  	v17 =	vld [tilespmem:s22+$0xA240]  }
.Ltmp5:
0x15c: {  	v2 =	vadd.f32 v8, v2;
	v10 =	vmul.f32 v11, v11;
	v9 =	vsub.f32 v13, v9;
	v8 =	vld [tilespmem:s22+$0x4250];
	(pc) =	sbr.rel @p0 .LBB2_12-.Ltmp5, $4  }
0x15d: {  	v11 =	vld [tilespmem:s22+$0xA250]  }
0x15e: {  	v3 =	vadd.f32 v10, v3;
	v13 =	vmul.f32 v9, v9;
	v15 =	vsub.f32 v15, v16;
	v9 =	vld [tilespmem:s22+$0x4260]  }
0x15f: {  	v12 =	vld [tilespmem:s22+$0xA260];
	s22 =	sshra.s32 s26, $0x2  }
0x160: {  	s26 =	sadd.s32 $0x200, s26;
	v10 =	vld [tilespmem:s22+$0x4270];
	v5 =	vadd.f32 v13, v5;
	v13 =	vmul.f32 v15, v15;
	v14 =	vsub.f32 v14, v17  }
0x161: {  	v15 =	vld [tilespmem:s22+$0xA270]  }
0x162: {  	v16 =	vld [tilespmem:s22+$0x4200]  }
0x163: {  	v17 =	vld [tilespmem:s22+$0xA200]  }
0x164: {  	v18 =	vld [tilespmem:s22+$0x4210]  }
0x165: {  	v19 =	vld [tilespmem:s22+$0xA210]  }
0x166: {  	v20 =	vld [tilespmem:s22+$0x4220]  }
0x167: {  	v21 =	vld [tilespmem:s22+$0xA220]  }
0x168: {  	v22 =	vld [tilespmem:s22+$0x4230]  }
0x169: {  	v23 =	vld [tilespmem:s22+$0xA230]  }
0x16a: {  	v24 =	vld [tilespmem:s22+$0x4240]  }
0x16b: {  	v25 =	vld [tilespmem:s22+$0xA240]  }
0x16c: {  	v26 =	vld [tilespmem:s22+$0x4250]  }
0x16d: {  	v27 =	vld [tilespmem:s22+$0xA250]  }
0x16e: {  	v28 =	vld [tilespmem:s22+$0x4260]  }
0x16f: {  	v29 =	vld [tilespmem:s22+$0xA260];
	_ =	swait.ge [sflag:s24], $0x2000  }
0x170: {  	[sflag:s24] =	ssyncset.done $0x0  }
0x171: {  	[sflag:s24] =	ssyncadd.s32 $0xFFFFE000  }
0x172: {  	_ =	swait.ge [sflag:s25], $0x2000  }
0x173: {  	v8 =	vsub.f32 v8, v11;
	[sflag:s25] =	ssyncset.done $0x0  }
0x174: {  	s26 =	simm.s32 $0x0;
	v11 =	vmul.f32 v14, v14;
	[sflag:s25] =	ssyncadd.s32 $0xFFFFE000  }
0x175: {  	v8 =	vmul.f32 v8, v8;
	v9 =	vsub.f32 v9, v12;
	v12 =	vld [tilespmem:s26+$0x270]  }
0x176: {  	v4 =	vadd.f32 v11, v4;
	v11 =	vld [tilespmem:s26+$0x6270]  }
0x177: {  	v7 =	vadd.f32 v8, v7;
	v8 =	vmul.f32 v9, v9;
	v9 =	vld [tilespmem:s26+$0x200]  }
0x178: {  	v0 =	vadd.f32 v13, v0;
	v10 =	vsub.f32 v10, v15;
	v15 =	vld [tilespmem:s26+$0x6200]  }
0x179: {  	v13 =	vsub.f32 v16, v17;
	v14 =	vsub.f32 v18, v19;
	v56 =	vld [tilespmem:s26+$0x210]  }
0x17a: {  	v58 =	vld [tilespmem:s26+$0x6210];
	v6 =	vadd.f32 v8, v6;
	v8 =	vmul.f32 v10, v10;
	v10 =	vsub.f32 v20, v21  }
0x17b: {  	v57 =	vsub.f32 v22, v23;
	v59 =	vld [tilespmem:s26+$0x220];
	v13 =	vmul.f32 v13, v13;
	v14 =	vmul.f32 v14, v14  }
0x17c: {  	v60 =	vld [tilespmem:s26+$0x230];
	v1 =	vadd.f32 v8, v1;
	v8 =	vmul.f32 v10, v10;
	v10 =	vsub.f32 v24, v25  }
0x17d: {  	v2 =	vadd.f32 v13, v2;
	v3 =	vadd.f32 v14, v3;
	v13 =	vmul.f32 v57, v57;
	v14 =	vld [tilespmem:s26+$0x6220]  }
0x17e: {  	v61 =	vld [tilespmem:s26+$0x6230];
	v5 =	vadd.f32 v8, v5;
	v8 =	vmul.f32 v10, v10;
	v10 =	vsub.f32 v26, v27  }
0x17f: {  	v62 =	vld [tilespmem:s26+$0x240];
	v0 =	vadd.f32 v13, v0;
	v13 =	vsub.f32 v28, v29  }
0x180: {  	v9 =	vsub.f32 v9, v15;
	v15 =	vld [tilespmem:s26+$0x6240];
	v4 =	vadd.f32 v8, v4;
	v8 =	vmul.f32 v10, v10  }
0x181: {  	v10 =	vsub.f32 v12, v11;
	v11 =	vmul.f32 v13, v13;
	v12 =	vsub.f32 v56, v58  }
0x182: {  	v13 =	vsub.f32 v59, v14;
	v14 =	vmul.f32 v9, v9;
	v7 =	vadd.f32 v8, v7;
	v8 =	vld [tilespmem:s26+$0x250]  }
0x183: {  	v63 =	vsub.f32 v60, v61;
	v6 =	vadd.f32 v11, v6;
	v12 =	vmul.f32 v12, v12;
	v11 =	vld [tilespmem:s26+$0x6250]  }
0x184: {  	v9 =	vld [tilespmem:s26+$0x260];
	v10 =	vmul.f32 v10, v10;
	v13 =	vmul.f32 v13, v13;
	v2 =	vadd.f32 v14, v2  }
0x185: {  	s22 =	simm.s32 $0x80;
	v14 =	vsub.f32 v62, v15;
	v3 =	vadd.f32 v12, v3;
	v12 =	vld [tilespmem:s26+$0x6260]  }
0x186: {  	v1 =	vadd.f32 v10, v1;
	v10 =	vld [tilespmem:s22+$0x270];
	s26 =	simm.s32 $0x400;
	v5 =	vadd.f32 v13, v5;
	v13 =	vmul.f32 v63, v63  }
.LBB2_14:
0x187: {  	p0 =	sne.s32 s26, $0x7E00;
	v15 =	vld [tilespmem:s22+$0x6270]  }
0x188: {  	v16 =	vld [tilespmem:s22+$0x200];
	v0 =	vadd.f32 v13, v0;
	v13 =	vmul.f32 v14, v14;
	v8 =	vsub.f32 v8, v11  }
0x189: {  	v11 =	vld [tilespmem:s22+$0x6200]  }
0x18a: {  	v14 =	vld [tilespmem:s22+$0x210];
	v4 =	vadd.f32 v13, v4;
	v8 =	vmul.f32 v8, v8;
	v9 =	vsub.f32 v9, v12  }
0x18b: {  	v12 =	vld [tilespmem:s22+$0x6210]  }
0x18c: {  	v13 =	vld [tilespmem:s22+$0x220];
	v10 =	vsub.f32 v10, v15;
	v7 =	vadd.f32 v8, v7;
	v8 =	vmul.f32 v9, v9  }
0x18d: {  	v9 =	vld [tilespmem:s22+$0x6220]  }
0x18e: {  	v11 =	vsub.f32 v16, v11;
	v15 =	vld [tilespmem:s22+$0x230];
	v10 =	vmul.f32 v10, v10;
	v6 =	vadd.f32 v8, v6  }
0x18f: {  	v16 =	vld [tilespmem:s22+$0x6230]  }
0x190: {  	v8 =	vmul.f32 v11, v11;
	v11 =	vsub.f32 v14, v12;
	v14 =	vld [tilespmem:s22+$0x240];
	v1 =	vadd.f32 v10, v1  }
0x191: {  	v17 =	vld [tilespmem:s22+$0x6240]  }
.Ltmp6:
0x192: {  	v2 =	vadd.f32 v8, v2;
	v10 =	vmul.f32 v11, v11;
	v9 =	vsub.f32 v13, v9;
	v8 =	vld [tilespmem:s22+$0x250];
	(pc) =	sbr.rel @p0 .LBB2_14-.Ltmp6, $4  }
0x193: {  	v11 =	vld [tilespmem:s22+$0x6250]  }
0x194: {  	v3 =	vadd.f32 v10, v3;
	v13 =	vmul.f32 v9, v9;
	v15 =	vsub.f32 v15, v16;
	v9 =	vld [tilespmem:s22+$0x260]  }
0x195: {  	v12 =	vld [tilespmem:s22+$0x6260];
	s22 =	sshra.s32 s26, $0x2  }
0x196: {  	s26 =	sadd.s32 $0x200, s26;
	v10 =	vld [tilespmem:s22+$0x270];
	v5 =	vadd.f32 v13, v5;
	v13 =	vmul.f32 v15, v15;
	v14 =	vsub.f32 v14, v17  }
0x197: {  	v15 =	vld [tilespmem:s22+$0x6270]  }
0x198: {  	v16 =	vld [tilespmem:s22+$0x200]  }
0x199: {  	v17 =	vld [tilespmem:s22+$0x6200]  }
0x19a: {  	v18 =	vld [tilespmem:s22+$0x210]  }
0x19b: {  	v19 =	vld [tilespmem:s22+$0x6210]  }
0x19c: {  	v20 =	vld [tilespmem:s22+$0x220]  }
0x19d: {  	v21 =	vld [tilespmem:s22+$0x6220]  }
0x19e: {  	v22 =	vld [tilespmem:s22+$0x230]  }
0x19f: {  	v23 =	vld [tilespmem:s22+$0x6230]  }
0x1a0: {  	v24 =	vld [tilespmem:s22+$0x240]  }
0x1a1: {  	v25 =	vld [tilespmem:s22+$0x6240]  }
0x1a2: {  	v26 =	vld [tilespmem:s22+$0x250]  }
0x1a3: {  	v27 =	vld [tilespmem:s22+$0x6250]  }
0x1a4: {  	v28 =	vld [tilespmem:s22+$0x260]  }
0x1a5: {  	v29 =	vld [tilespmem:s22+$0x6260];
	_ =	swait.ge [sflag:s28], $0x2000  }
0x1a6: {  	[sflag:s28] =	ssyncset.done $0x0  }
0x1a7: {  	[sflag:s28] =	ssyncadd.s32 $0xFFFFE000  }
0x1a8: {  	v8 =	vsub.f32 v8, v11;
	_ =	swait.ge [sflag:s29], $0x2000  }
0x1a9: {  	v11 =	vmul.f32 v14, v14;
	[sflag:s29] =	ssyncset.done $0x0  }
0x1aa: {  	s26 =	simm.s32 $0x0;
	v8 =	vmul.f32 v8, v8;
	v9 =	vsub.f32 v9, v12;
	[sflag:s29] =	ssyncadd.s32 $0xFFFFE000  }
0x1ab: {  	v0 =	vadd.f32 v13, v0;
	v11 =	vadd.f32 v11, v4;
	v12 =	vld [tilespmem:s26+$0x2270]  }
0x1ac: {  	v4 =	vsub.f32 v10, v15;
	v7 =	vadd.f32 v8, v7;
	v8 =	vmul.f32 v9, v9;
	v13 =	vld [tilespmem:s26+$0x8270]  }
0x1ad: {  	v10 =	vsub.f32 v16, v17;
	v14 =	vsub.f32 v18, v19;
	v9 =	vld [tilespmem:s26+$0x2200]  }
0x1ae: {  	v15 =	vld [tilespmem:s26+$0x8200];
	v6 =	vadd.f32 v8, v6;
	v4 =	vmul.f32 v4, v4;
	v8 =	vsub.f32 v20, v21  }
0x1af: {  	v55 =	vsub.f32 v22, v23;
	v54 =	vld [tilespmem:s26+$0x2210];
	v10 =	vmul.f32 v10, v10  }
0x1b0: {  	v56 =	vld [tilespmem:s26+$0x8210];
	v14 =	vmul.f32 v14, v14;
	v57 =	vadd.f32 v4, v1;
	v1 =	vmul.f32 v8, v8  }
0x1b1: {  	v4 =	vsub.f32 v24, v25;
	v8 =	vld [tilespmem:s26+$0x2220];
	v58 =	vadd.f32 v10, v2;
	v2 =	vmul.f32 v55, v55  }
0x1b2: {  	v59 =	vsub.f32 v26, v27;
	v14 =	vadd.f32 v14, v3;
	v10 =	vld [tilespmem:s26+$0x8220]  }
0x1b3: {  	v60 =	vld [tilespmem:s26+$0x2230];
	v5 =	vadd.f32 v1, v5;
	v1 =	vmul.f32 v4, v4;
	v4 =	vadd.f32 v2, v0  }
0x1b4: {  	v61 =	vld [tilespmem:s26+$0x8230];
	v0 =	vsub.f32 v28, v29;
	v9 =	vsub.f32 v9, v15  }
0x1b5: {  	v15 =	vld [tilespmem:s26+$0x8240];
	v3 =	vadd.f32 v1, v11;
	v1 =	vmul.f32 v59, v59;
	v11 =	vsub.f32 v12, v13  }
0x1b6: {  	v13 =	vld [tilespmem:s26+$0x2240];
	v0 =	vmul.f32 v0, v0;
	v12 =	vsub.f32 v54, v56  }
0x1b7: {  	v8 =	vsub.f32 v8, v10;
	v10 =	vld [tilespmem:s26+$0x2250];
	v2 =	vadd.f32 v1, v7;
	v7 =	vmul.f32 v11, v11  }
0x1b8: {  	v1 =	vadd.f32 v0, v6;
	v6 =	vmul.f32 v9, v9;
	v11 =	vmul.f32 v12, v12;
	v12 =	vld [tilespmem:s26+$0x8250]  }
0x1b9: {  	v63 =	vsub.f32 v60, v61;
	v9 =	vld [tilespmem:s26+$0x2260];
	v62 =	vmul.f32 v8, v8;
	v0 =	vadd.f32 v7, v57  }
0x1ba: {  	s22 =	simm.s32 $0x80;
	v6 =	vadd.f32 v6, v58;
	v7 =	vadd.f32 v11, v14;
	v11 =	vld [tilespmem:s26+$0x8260]  }
0x1bb: {  	v8 =	vld [tilespmem:s22+$0x2270];
	s26 =	simm.s32 $0x400;
	v14 =	vmul.f32 v63, v63;
	v5 =	vadd.f32 v62, v5;
	v13 =	vsub.f32 v13, v15  }
.LBB2_16:
0x1bc: {  	p0 =	sne.s32 s26, $0x7E00;
	v15 =	vld [tilespmem:s22+$0x8270]  }
0x1bd: {  	v16 =	vld [tilespmem:s22+$0x2200];
	v4 =	vadd.f32 v14, v4;
	v13 =	vmul.f32 v13, v13;
	v10 =	vsub.f32 v10, v12  }
0x1be: {  	v12 =	vld [tilespmem:s22+$0x8200]  }
0x1bf: {  	v14 =	vld [tilespmem:s22+$0x2210];
	v3 =	vadd.f32 v13, v3;
	v10 =	vmul.f32 v10, v10;
	v9 =	vsub.f32 v9, v11  }
0x1c0: {  	v11 =	vld [tilespmem:s22+$0x8210]  }
0x1c1: {  	v13 =	vld [tilespmem:s22+$0x2220];
	v8 =	vsub.f32 v8, v15;
	v2 =	vadd.f32 v10, v2;
	v9 =	vmul.f32 v9, v9  }
0x1c2: {  	v10 =	vld [tilespmem:s22+$0x8220]  }
0x1c3: {  	v12 =	vsub.f32 v16, v12;
	v15 =	vld [tilespmem:s22+$0x2230];
	v8 =	vmul.f32 v8, v8;
	v1 =	vadd.f32 v9, v1  }
0x1c4: {  	v9 =	vld [tilespmem:s22+$0x8230]  }
0x1c5: {  	v12 =	vmul.f32 v12, v12;
	v11 =	vsub.f32 v14, v11;
	v16 =	vld [tilespmem:s22+$0x2240];
	v0 =	vadd.f32 v8, v0  }
0x1c6: {  	v17 =	vld [tilespmem:s22+$0x8240]  }
.Ltmp7:
0x1c7: {  	v6 =	vadd.f32 v12, v6;
	v8 =	vmul.f32 v11, v11;
	v11 =	vsub.f32 v13, v10;
	v10 =	vld [tilespmem:s22+$0x2250];
	(pc) =	sbr.rel @p0 .LBB2_16-.Ltmp7, $4  }
0x1c8: {  	v12 =	vld [tilespmem:s22+$0x8250]  }
0x1c9: {  	v7 =	vadd.f32 v8, v7;
	v13 =	vmul.f32 v11, v11;
	v14 =	vsub.f32 v15, v9;
	v9 =	vld [tilespmem:s22+$0x2260]  }
0x1ca: {  	v11 =	vld [tilespmem:s22+$0x8260];
	s22 =	sshra.s32 s26, $0x2  }
0x1cb: {  	s26 =	sadd.s32 $0x200, s26;
	v8 =	vld [tilespmem:s22+$0x2270];
	v5 =	vadd.f32 v13, v5;
	v14 =	vmul.f32 v14, v14;
	v13 =	vsub.f32 v16, v17  }
0x1cc: {  	v15 =	vld [tilespmem:s22+$0x2200]  }
0x1cd: {  	v16 =	vld [tilespmem:s22+$0x8200]  }
0x1ce: {  	v17 =	vld [tilespmem:s22+$0x2210]  }
0x1cf: {  	v18 =	vld [tilespmem:s22+$0x8210]  }
0x1d0: {  	v19 =	vld [tilespmem:s22+$0x2220]  }
0x1d1: {  	v20 =	vld [tilespmem:s22+$0x8220]  }
0x1d2: {  	v21 =	vld [tilespmem:s22+$0x2230]  }
0x1d3: {  	v22 =	vld [tilespmem:s22+$0x8230]  }
0x1d4: {  	v23 =	vld [tilespmem:s22+$0x2240]  }
0x1d5: {  	v44 =	vld [tilespmem:s22+$0x8240];
	v15 =	vsub.f32 v15, v16;
	v43 =	vsub.f32 v17, v18  }
0x1d6: {  	v49 =	vld [tilespmem:s22+$0x2250];
	v4 =	vadd.f32 v14, v4  }
0x1d7: {  	v51 =	vld [tilespmem:s22+$0x8250];
	v48 =	vsub.f32 v19, v20;
	v46 =	vmul.f32 v15, v15;
	v47 =	vmul.f32 v43, v43  }
0x1d8: {  	v53 =	vld [tilespmem:s22+$0x2260];
	v10 =	vsub.f32 v10, v12;
	v45 =	vmul.f32 v13, v13;
	v50 =	vsub.f32 v21, v22  }
0x1d9: {  	v55 =	vld [tilespmem:s22+$0x8260];
	v52 =	vmul.f32 v48, v48;
	v6 =	vadd.f32 v46, v6;
	v7 =	vadd.f32 v47, v7  }
0x1da: {  	v3 =	vadd.f32 v45, v3;
	v54 =	vsub.f32 v23, v44  }
0x1db: {  	v56 =	vld [tilespmem:s22+$0x8270];
	v12 =	vmul.f32 v50, v50;
	v5 =	vadd.f32 v52, v5;
	v6 =	vadd.f32 v7, v6  }
0x1dc: {  	v9 =	vsub.f32 v9, v11;
	v10 =	vmul.f32 v10, v10;
	v57 =	vsub.f32 v49, v51  }
0x1dd: {  	v11 =	vmul.f32 v54, v54;
	v4 =	vadd.f32 v12, v4;
	v5 =	vadd.f32 v5, v6  }
0x1de: {  	v2 =	vadd.f32 v10, v2;
	v58 =	vmul.f32 v9, v9;
	v60 =	vsub.f32 v53, v55  }
0x1df: {  	v59 =	vmul.f32 v57, v57;
	v3 =	vadd.f32 v11, v3;
	v4 =	vadd.f32 v4, v5  }
0x1e0: {  	v61 =	vsub.f32 v8, v56;
	v1 =	vadd.f32 v58, v1  }
0x1e1: {  	v62 =	vmul.f32 v60, v60;
	v2 =	vadd.f32 v59, v2;
	v3 =	vadd.f32 v3, v4;
	_ =	sdelay $0x1  }
0x1e2: {  	v63 =	vmul.f32 v61, v61;
	v1 =	vadd.f32 v62, v1;
	v2 =	vadd.f32 v2, v3;
	_ =	sdelay $0x1  }
0x1e3: {  	v0 =	vadd.f32 v63, v0;
	v1 =	vadd.f32 v1, v2;
	_ =	sdelay $0x1  }
0x1e4: {  	s1 =	sadd.s32 $0x1, s1;
	v0 =	vadd.f32 v0, v1  }
0x1e5: {  	p0 =	sne.s32 s1, s14  }
.Ltmp8:
0x1e6: {  	[tilespmem:$0xC200] =	vst v0;
	(pc) =	sbr.rel @p0 .LBB2_1-.Ltmp8, $4  }
0x1e7: {  	[hbm4b:s13+s3] =	stream.linear.scatter [tilespmem:s30], [sflag:$0x7], $0x80, $0x38;
	[tilespmem:$0xC280] =	vst v63  }
0x1e8: {  	_ =	swait.ge [sflag:s18], $0x80  }
0x1e9: {  	[sflag:s18] =	ssyncset.done $0x0  }
0x1ea: {  	[sflag:s18] =	ssyncadd.s32 $0xFFFFFF80  }
0x1eb: {  	_ =	sfence.sel $0x180000  }
0x1ec: {  	[bflag:$0x0] =	sbarrier.arrive $0xFFFF  }
0x1ed: {  	_ =	strace $0x90000047  }
0x1ee: {  	s0 =	stileid.u32;
	[bflag:$0x2] =	sbarrier.arrive $0xFFFF  }
0x1ef: {  	p0 =	sne.s32 s0, $0x0;
	s0 =	rddreg [dreg:$0x4]  }
0x1f0: {  	s0 =	sadd.s32 @!p0 $0x100000, s0  }
0x1f1: {  	[sflag:s0] =	ssyncadd.tile.s32 @!p0 $0x1;
	_ =	shalt  }
.Lfunc_end2:
_tile_overlayer_lowered:
.L_overlay_start_2:
0x1f2: {  	(tag) =	ssettag $0x2  }
0x1f3: {  	s0 =	rddreg [dreg:$0x0];
	s2 =	stileid.u32  }
0x1f4: {  	s1 =	rddreg [dreg:$0x1];
	p0 =	sne.s32 s2, $0x0  }
0x1f5: {  	s3 =	rddreg [dreg:$0x2];
	[bflag:$0x3] =	sbarrier.arrive $0xFFFF;
	s2 =	simm.s32 @!p0 $0x1C07  }
0x1f6: {  	[timem:s3], [sflag:s2] =	dma.local @!p0 [hbm:s0], s1  }
0x1f7: {  	s0 =	simm.s32 @!p0 $0x7  }
0x1f8: {  	_ =	swait.ge @!p0 [sflag:s0], s1  }
0x1f9: {  	s1 =	ssub.s32 @!p0 $0x0, s1;
	[sflag:s0] =	ssyncset.done @!p0 $0x0  }
0x1fa: {  	[sflag:s0] =	ssyncadd.s32 @!p0 s1  }
0x1fb: {  	[bflag:$0x3] =	sbarrier.arrive $0xFFFF  }
0x1fc: {  	_ =	shalt  }

</sc_bundles>
